<compile_context>
chip_gen: v7x
topology: tpu7x:2x2x1
jax: 0.10.2.dev20260603
libtpu: 0.0.44.dev20260713+nightly
codegen_flags: <defaults>
</compile_context>

<pallas_src>
import functools

import jax
import jax.numpy as jnp
from jax import lax
from jax.experimental import pallas as pl
from jax.experimental.pallas import tpu as pltpu
from jax.experimental.pallas import tpu_sc as plsc

_NC = 2
_NS = 16
_NW = _NC * _NS


def _precompute_tables(emb, wt, d_pad):
    n, d = emb.shape
    blk = 2000
    assert n % blk == 0
    half = d_pad // 2

    def pack(q):
        u = jax.lax.bitcast_convert_type(q, jnp.uint32)
        rnd = (u + jnp.uint32(0x7FFF) + ((u >> 16) & jnp.uint32(1))) >> 16
        word = (rnd[:, :half] << 16) | rnd[:, half:]
        return jax.lax.bitcast_convert_type(word, jnp.int32)

    def body(x_ref, wt_ref, u_ref, v_ref):
        x = jnp.clip(x_ref[...], -10.0, 10.0).astype(jnp.bfloat16)
        p = jnp.dot(x, wt_ref[...].astype(jnp.bfloat16),
                    preferred_element_type=jnp.float32)
        u_ref[...] = pack(p[:, :d_pad])
        v_ref[...] = pack(p[:, d_pad:])

    return pl.pallas_call(
        body,
        grid=(n // blk,),
        in_specs=[
            pl.BlockSpec((blk, d), lambda i: (i, 0)),
            pl.BlockSpec((d, 2 * d_pad), lambda i: (0, 0)),
        ],
        out_specs=[
            pl.BlockSpec((blk, half), lambda i: (i, 0)),
            pl.BlockSpec((blk, half), lambda i: (i, 0)),
        ],
        out_shape=[
            jax.ShapeDtypeStruct((n, half), jnp.int32),
            jax.ShapeDtypeStruct((n, half), jnp.int32),
        ],
    )(emb, wt)


def _sc_gather(u, v, src, tgt):
    e_total = src.shape[0]
    d = u.shape[1]
    b_per_w = e_total // _NW
    chunk = 64
    depth = 2
    n_full = b_per_w // chunk
    tail = b_per_w - n_full * chunk
    assert tail % 8 == 0 and e_total % _NW == 0 and n_full >= depth

    mesh = plsc.VectorSubcoreMesh(
        core_axis_name="c", subcore_axis_name="s",
        num_cores=_NC, num_subcores=_NS)

    @functools.partial(
        pl.kernel,
        out_type=(
            jax.ShapeDtypeStruct((e_total, d), jnp.int32),
            jax.ShapeDtypeStruct((e_total, d), jnp.int32),
        ),
        mesh=mesh,
        scratch_types=[
            pltpu.VMEM((b_per_w,), jnp.int32),
            pltpu.VMEM((b_per_w,), jnp.int32),
            pltpu.VMEM((depth, chunk, d), jnp.int32),
            pltpu.VMEM((depth, chunk, d), jnp.int32),
            pltpu.SemaphoreType.DMA((depth,)),
            pltpu.SemaphoreType.DMA((depth,)),
            pltpu.SemaphoreType.DMA((depth,)),
            pltpu.SemaphoreType.DMA((depth,)),
        ],
    )
    def k(u_hbm, v_hbm, src_hbm, tgt_hbm, gu_hbm, gv_hbm,
          idx_s, idx_t, rows_u, rows_v, gsem_u, gsem_v, wsem_u, wsem_v):
        wid = lax.axis_index("s") * _NC + lax.axis_index("c")
        base0 = wid * b_per_w
        pltpu.sync_copy(src_hbm.at[pl.ds(base0, b_per_w)], idx_s)
        pltpu.sync_copy(tgt_hbm.at[pl.ds(base0, b_per_w)], idx_t)

        def start_gather(ci, p):
            off = ci * chunk
            pltpu.async_copy(
                u_hbm.at[idx_s.at[pl.ds(off, chunk)]], rows_u.at[p],
                gsem_u.at[p])
            pltpu.async_copy(
                v_hbm.at[idx_t.at[pl.ds(off, chunk)]], rows_v.at[p],
                gsem_v.at[p])

        def wait_gather(p):
            pltpu.make_async_copy(
                u_hbm.at[idx_s.at[pl.ds(0, chunk)]], rows_u.at[p],
                gsem_u.at[p]).wait()
            pltpu.make_async_copy(
                v_hbm.at[idx_t.at[pl.ds(0, chunk)]], rows_v.at[p],
                gsem_v.at[p]).wait()

        def start_write(ci, p):
            base = base0 + ci * chunk
            pltpu.async_copy(rows_u.at[p], gu_hbm.at[pl.ds(base, chunk)],
                             wsem_u.at[p])
            pltpu.async_copy(rows_v.at[p], gv_hbm.at[pl.ds(base, chunk)],
                             wsem_v.at[p])

        def wait_write(p):
            pltpu.make_async_copy(rows_u.at[p], gu_hbm.at[pl.ds(base0, chunk)],
                                  wsem_u.at[p]).wait()
            pltpu.make_async_copy(rows_v.at[p], gv_hbm.at[pl.ds(base0, chunk)],
                                  wsem_v.at[p]).wait()

        for w in range(depth - 1):
            start_gather(w, w)

        def loop_body(i, carry):
            p = lax.rem(i, depth)

            @pl.when(i + depth - 1 < n_full)
            def _():
                pn = lax.rem(i + depth - 1, depth)

                @pl.when(i >= 1)
                def _():
                    wait_write(pn)
                start_gather(i + depth - 1, pn)

            wait_gather(p)
            start_write(i, p)
            return carry

        lax.fori_loop(0, n_full, loop_body, 0)
        for w in range(depth):
            wait_write(w)

        if tail:
            base = base0 + n_full * chunk
            ru = rows_u.at[0].at[pl.ds(0, tail)]
            rv = rows_v.at[0].at[pl.ds(0, tail)]
            pltpu.async_copy(
                u_hbm.at[idx_s.at[pl.ds(n_full * chunk, tail)]], ru,
                gsem_u.at[0]).wait()
            pltpu.async_copy(
                v_hbm.at[idx_t.at[pl.ds(n_full * chunk, tail)]], rv,
                gsem_v.at[0]).wait()
            pltpu.sync_copy(ru, gu_hbm.at[pl.ds(base, tail)])
            pltpu.sync_copy(rv, gv_hbm.at[pl.ds(base, tail)])

    return k(u, v, src, tgt)


def _edge_mlp(gu, gv, e_b1, e_g1, e_bt1, w2t, e_b2, e_g2, e_bt2, w3, e_b3,
              a_b1, a_g1, a_bt1, aw2t, a_b2, a_g2, a_bt2, aw3t, a_b3,
              d_edge, d_army):
    e_total, d = gu.shape
    blk = 640
    assert e_total % blk == 0

    def ln(x, gam, bet):
        m = jnp.mean(x, axis=-1, keepdims=True)
        v = jnp.mean((x - m) ** 2, axis=-1, keepdims=True)
        return (x - m) * (lax.rsqrt(v + 1e-5) * gam) + bet

    def unpack(w_i32):
        xe = jax.lax.bitcast_convert_type(w_i32, jnp.float32)
        xa = jax.lax.bitcast_convert_type(
            jax.lax.bitcast_convert_type(w_i32[:, :d_army], jnp.uint32) << 16,
            jnp.float32)
        return xe, xa

    def body(gu_ref, gv_ref, eb1, eg1, ebt1, w2t_ref, eb2, eg2, ebt2,
             w3_ref, eb3, ab1, ag1, abt1, aw2t_ref, ab2, ag2, abt2,
             aw3t_ref, ab3, edge_ref, army_ref):
        xe_u, xa_u = unpack(gu_ref[...])
        xe_v, xa_v = unpack(gv_ref[...])
        xe = xe_u + xe_v + eb1[...]
        xa = xa_u + xa_v + ab1[...]

        he = jax.nn.relu(ln(xe, eg1[...], ebt1[...]))
        he = jnp.dot(he.astype(jnp.bfloat16), w2t_ref[...].astype(jnp.bfloat16),
                     preferred_element_type=jnp.float32) + eb2[...]
        he = jax.nn.relu(ln(he, eg2[...], ebt2[...]))
        edge = jnp.sum(he * w3_ref[...], axis=-1) + eb3[0]
        edge_ref[0, 0, :] = jnp.clip(edge, -20.0, 20.0)

        ha = jax.nn.relu(ln(xa, ag1[...], abt1[...]))
        ha = jnp.dot(ha.astype(jnp.bfloat16), aw2t_ref[...].astype(jnp.bfloat16),
                     preferred_element_type=jnp.float32) + ab2[...]
        ha = jax.nn.relu(ln(ha, ag2[...], abt2[...]))
        army = jnp.dot(ha.astype(jnp.bfloat16), aw3t_ref[...].astype(jnp.bfloat16),
                       preferred_element_type=jnp.float32) + ab3[...]
        army_ref[0, :, :] = jnp.clip(army, -20.0, 20.0).T

    def full(x):
        return pl.BlockSpec(x.shape, lambda i: (0,) * x.ndim)

    weights = [e_b1, e_g1, e_bt1, w2t, e_b2, e_g2, e_bt2, w3, e_b3,
               a_b1, a_g1, a_bt1, aw2t, a_b2, a_g2, a_bt2, aw3t, a_b3]

    return pl.pallas_call(
        body,
        grid=(e_total // blk,),
        in_specs=[
            pl.BlockSpec((blk, d), lambda i: (i, 0)),
            pl.BlockSpec((blk, d), lambda i: (i, 0)),
        ] + [full(w) for w in weights],
        out_specs=[
            pl.BlockSpec((1, 1, blk), lambda i: (i, 0, 0)),
            pl.BlockSpec((1, 4, blk), lambda i: (i, 0, 0)),
        ],
        out_shape=[
            jax.ShapeDtypeStruct((e_total // blk, 1, blk), jnp.float32),
            jax.ShapeDtypeStruct((e_total // blk, 4, blk), jnp.float32),
        ],
    )(gu, gv, *weights)


def kernel(node_embeddings, action_edges,
           e_W1, e_b1, e_g1, e_bt1, e_W2, e_b2, e_g2, e_bt2, e_W3, e_b3,
           a_W1, a_b1, a_g1, a_bt1, a_W2, a_b2, a_g2, a_bt2, a_W3, a_b3):
    d = node_embeddings.shape[1]
    d_edge = e_W1.shape[0]
    d_army = a_W1.shape[0]
    d_pad = 2 * d_edge

    zpad = jnp.zeros((d, d_pad - d_edge - d_army), jnp.float32)
    wt = jnp.concatenate(
        [e_W1[:, :d].T, a_W1[:, :d].T, zpad,
         e_W1[:, d:].T, a_W1[:, d:].T, zpad], axis=1)

    u, v = _precompute_tables(node_embeddings, wt, d_pad)

    e_total = action_edges.shape[0]
    quantum = 10240
    n_seg = 2
    per = (e_total // n_seg) // quantum * quantum
    seg_sizes = [per] * (n_seg - 1) + [e_total - per * (n_seg - 1)]

    edges, armies = [], []
    off = 0
    for es in seg_sizes:
        gu, gv = _sc_gather(u, v, action_edges[off:off + es, 0],
                            action_edges[off:off + es, 1])
        e_log, a_t = _edge_mlp(
            gu, gv, e_b1, e_g1, e_bt1, e_W2.T, e_b2, e_g2, e_bt2, e_W3[0],
            e_b3, a_b1, a_g1, a_bt1, a_W2.T, a_b2, a_g2, a_bt2, a_W3.T, a_b3,
            d_edge, d_army)
        edges.append(e_log.reshape(-1))
        armies.append(a_t.transpose(0, 2, 1).reshape(es, 4))
        off += es

    return (jnp.concatenate(edges), jnp.concatenate(armies, axis=0))

# --- scband reference (transcript-rebuilt; emitter-appended) ---
"""Pipeline reference for scband-stabilized-attack-head-10746008174756 (READ-ONLY COPY).

The authoritative reference and input builder live on the scoring server;
editing this copy changes nothing except your own understanding.
"""

import jax, jax.numpy as jnp
import numpy as np

N, D, E = 10000, 256, 160000

def _ln(x, g, b):
    m = jnp.mean(x, axis=-1, keepdims=True)
    v = jnp.mean((x - m) ** 2, axis=-1, keepdims=True)
    return (x - m) / jnp.sqrt(v + 1e-5) * g + b

def setup_inputs(seed: int = 0):
    key = jax.random.key(seed)
    ks = jax.random.split(key, 16)
    inp = {}
    inp["node_embeddings"] = jax.random.normal(ks[0], (N, D), dtype=jnp.float32)
    inp["action_edges"] = jax.random.randint(ks[1], (E, 2), 0, N, dtype=jnp.int32)
    def lin(k, o, i):
        return (0.02 * jax.random.normal(k, (o, i), dtype=jnp.float32), jnp.zeros((o,), dtype=jnp.float32))
    inp["e_W1"], inp["e_b1"] = lin(ks[2], 256, 512)
    inp["e_g1"], inp["e_bt1"] = jnp.ones((256,), jnp.float32), jnp.zeros((256,), jnp.float32)
    inp["e_W2"], inp["e_b2"] = lin(ks[3], 128, 256)
    inp["e_g2"], inp["e_bt2"] = jnp.ones((128,), jnp.float32), jnp.zeros((128,), jnp.float32)
    inp["e_W3"], inp["e_b3"] = lin(ks[4], 1, 128)
    inp["a_W1"], inp["a_b1"] = lin(ks[5], 128, 512)
    inp["a_g1"], inp["a_bt1"] = jnp.ones((128,), jnp.float32), jnp.zeros((128,), jnp.float32)
    inp["a_W2"], inp["a_b2"] = lin(ks[6], 64, 128)
    inp["a_g2"], inp["a_bt2"] = jnp.ones((64,), jnp.float32), jnp.zeros((64,), jnp.float32)
    inp["a_W3"], inp["a_b3"] = lin(ks[7], 4, 64)
    return inp

def reference(node_embeddings, action_edges, e_W1, e_b1, e_g1, e_bt1, e_W2, e_b2, e_g2, e_bt2, e_W3, e_b3, a_W1, a_b1, a_g1, a_bt1, a_W2, a_b2, a_g2, a_bt2, a_W3, a_b3):
    num_nodes = node_embeddings.shape[0]
    src = jnp.clip(action_edges[:, 0], 0, num_nodes - 1)
    tgt = jnp.clip(action_edges[:, 1], 0, num_nodes - 1)
    src_e = jnp.take(node_embeddings, src, axis=0)
    tgt_e = jnp.take(node_embeddings, tgt, axis=0)
    x = jnp.clip(jnp.concatenate([src_e, tgt_e], axis=-1), -10.0, 10.0)
    h = jax.nn.relu(_ln(x @ e_W1.T + e_b1, e_g1, e_bt1))
    h = jax.nn.relu(_ln(h @ e_W2.T + e_b2, e_g2, e_bt2))
    edge_logits = (h @ e_W3.T + e_b3)[:, 0]
    a = jax.nn.relu(_ln(x @ a_W1.T + a_b1, a_g1, a_bt1))
    a = jax.nn.relu(_ln(a @ a_W2.T + a_b2, a_g2, a_bt2))
    army_logits = a @ a_W3.T + a_b3
    edge_logits = jnp.clip(edge_logits, -20.0, 20.0)
    army_logits = jnp.clip(army_logits, -20.0, 20.0)
    return (edge_logits, army_logits)

if __name__ == "__main__":
    import jax
    _d = setup_inputs()
    print(jax.jit(kernel)(*tuple(_d.values())))

</pallas_src>

<mosaic_0001>
#map = affine_map<(d0, d1) -> (0, 0)>
#map1 = affine_map<(d0, d1) -> (0)>
module attributes {stable_mosaic.version = 14 : i64} {
  func.func @k(%arg0: i32, %arg1: i32, %arg2: memref<10000x256xi32, #tpu.memory_space<hbm>>, %arg3: memref<10000x256xi32, #tpu.memory_space<hbm>>, %arg4: memref<88320xi32, #tpu.memory_space<hbm>>, %arg5: memref<88320xi32, #tpu.memory_space<hbm>>, %arg6: memref<88320x256xi32, #tpu.memory_space<hbm>>, %arg7: memref<88320x256xi32, #tpu.memory_space<hbm>>, %arg8: memref<2760xi32, #tpu.memory_space<vmem>>, %arg9: memref<2760xi32, #tpu.memory_space<vmem>>, %arg10: memref<2x64x256xi32, #tpu.memory_space<vmem>>, %arg11: memref<2x64x256xi32, #tpu.memory_space<vmem>>, %arg12: memref<2x!tpu.dma_semaphore, #tpu.memory_space<semaphore_mem>>, %arg13: memref<2x!tpu.dma_semaphore, #tpu.memory_space<semaphore_mem>>, %arg14: memref<2x!tpu.dma_semaphore, #tpu.memory_space<semaphore_mem>>, %arg15: memref<2x!tpu.dma_semaphore, #tpu.memory_space<semaphore_mem>>) attributes {dimension_semantics = [#tpu.dimension_semantics<core_parallel>, #tpu.dimension_semantics<subcore_parallel>], iteration_bounds = array<i64: 2, 16>, scalar_prefetch = 0 : i64, scratch_operands = 8 : i64, tpu.core_type = #tpu.core_type<sc_vector_subcore>, window_params = [{transform_indices = #map}, {transform_indices = #map}, {transform_indices = #map1}, {transform_indices = #map1}, {transform_indices = #map}, {transform_indices = #map}]} {
    %mul3A = arith.constant 2 : i32
    %mul3A_0 = arith.muli %arg1, %mul3A : i32
    %add3A = arith.addi %mul3A_0, %arg0 : i32
    %mul3A_1 = arith.constant 2760 : i32
    %mul3A_2 = arith.muli %add3A, %mul3A_1 : i32
    "tpu.region"() ({
      %run_scoped3A_163 = tpu.sem_alloc : memref<!tpu.dma_semaphore, #tpu.memory_space<semaphore_mem>>
      %dma_start3A_164 = tpu.memref_slice %arg4[%mul3A_2] : memref<88320xi32, #tpu.memory_space<hbm>> -> memref<2760xi32, #tpu.memory_space<hbm>>
      %dma_start3A_165 = tpu.memref_slice %arg4[%mul3A_2] : memref<88320xi32, #tpu.memory_space<hbm>> -> memref<2760xi32, #tpu.memory_space<hbm>>
      tpu.enqueue_dma source(%dma_start3A_165 : memref<2760xi32, #tpu.memory_space<hbm>>) target(%arg8 : memref<2760xi32, #tpu.memory_space<vmem>>) target_semaphore(%run_scoped3A_163 : memref<!tpu.dma_semaphore, #tpu.memory_space<semaphore_mem>>)
      %dma_wait3A_166 = tpu.memref_slice %arg4[%mul3A_2] : memref<88320xi32, #tpu.memory_space<hbm>> -> memref<2760xi32, #tpu.memory_space<hbm>>
      %dma_wait3A_167 = tpu.memref_slice %arg4[%mul3A_2] : memref<88320xi32, #tpu.memory_space<hbm>> -> memref<2760xi32, #tpu.memory_space<hbm>>
      tpu.wait_dma2 semaphore(%run_scoped3A_163 : memref<!tpu.dma_semaphore, #tpu.memory_space<semaphore_mem>>) src(%dma_wait3A_167 : memref<2760xi32, #tpu.memory_space<hbm>>) dst(%arg8 : memref<2760xi32, #tpu.memory_space<vmem>>)
      tpu.yield
    }) : () -> ()
    "tpu.region"() ({
      %run_scoped3A_163 = tpu.sem_alloc : memref<!tpu.dma_semaphore, #tpu.memory_space<semaphore_mem>>
      %dma_start3A_164 = tpu.memref_slice %arg5[%mul3A_2] : memref<88320xi32, #tpu.memory_space<hbm>> -> memref<2760xi32, #tpu.memory_space<hbm>>
      %dma_start3A_165 = tpu.memref_slice %arg5[%mul3A_2] : memref<88320xi32, #tpu.memory_space<hbm>> -> memref<2760xi32, #tpu.memory_space<hbm>>
      tpu.enqueue_dma source(%dma_start3A_165 : memref<2760xi32, #tpu.memory_space<hbm>>) target(%arg9 : memref<2760xi32, #tpu.memory_space<vmem>>) target_semaphore(%run_scoped3A_163 : memref<!tpu.dma_semaphore, #tpu.memory_space<semaphore_mem>>)
      %dma_wait3A_166 = tpu.memref_slice %arg5[%mul3A_2] : memref<88320xi32, #tpu.memory_space<hbm>> -> memref<2760xi32, #tpu.memory_space<hbm>>
      %dma_wait3A_167 = tpu.memref_slice %arg5[%mul3A_2] : memref<88320xi32, #tpu.memory_space<hbm>> -> memref<2760xi32, #tpu.memory_space<hbm>>
      tpu.wait_dma2 semaphore(%run_scoped3A_163 : memref<!tpu.dma_semaphore, #tpu.memory_space<semaphore_mem>>) src(%dma_wait3A_167 : memref<2760xi32, #tpu.memory_space<hbm>>) dst(%arg9 : memref<2760xi32, #tpu.memory_space<vmem>>)
      tpu.yield
    }) : () -> ()
    %dma_start3A = arith.constant 0 : i32
    %dma_start3A_3 = arith.constant 0 : i32
    %dma_start3A_4 = arith.constant 0 : i32
    %dma_start3A_5 = arith.constant 0 : i32
    %dma_start3A_6 = tpu.memref_slice %arg10[%dma_start3A, %dma_start3A_4, %dma_start3A_5] : memref<2x64x256xi32, #tpu.memory_space<vmem>> -> memref<1x64x256xi32, #tpu.memory_space<vmem>>
    %dma_start3A_7 = tpu.memref_squeeze %dma_start3A_6 : memref<1x64x256xi32, #tpu.memory_space<vmem>> -> memref<64x256xi32, #tpu.memory_space<vmem>>
    %dma_start3A_8 = arith.constant 0 : i32
    %dma_start3A_9 = tpu.memref_slice %arg8[%dma_start3A_8] : memref<2760xi32, #tpu.memory_space<vmem>> -> memref<64xi32, #tpu.memory_space<vmem>>
    %dma_start3A_10 = arith.constant 0 : i32
    %dma_start3A_11 = arith.constant 0 : i32
    %dma_start3A_12 = tpu.memref_slice %arg2[%dma_start3A_10, %dma_start3A_11] : memref<10000x256xi32, #tpu.memory_space<hbm>> -> memref<10000x256xi32, #tpu.memory_space<hbm>>
    %dma_start3A_13 = tpu.memref_slice %arg12[%dma_start3A_3] : memref<2x!tpu.dma_semaphore, #tpu.memory_space<semaphore_mem>> -> memref<1x!tpu.dma_semaphore, #tpu.memory_space<semaphore_mem>>
    %dma_start3A_14 = tpu.memref_squeeze %dma_start3A_13 : memref<1x!tpu.dma_semaphore, #tpu.memory_space<semaphore_mem>> -> memref<!tpu.dma_semaphore, #tpu.memory_space<semaphore_mem>>
    tpu.enqueue_indirect_dma source(%dma_start3A_12 : memref<10000x256xi32, #tpu.memory_space<hbm>>) target(%dma_start3A_7 : memref<64x256xi32, #tpu.memory_space<vmem>>) offsets(%dma_start3A_9 : memref<64xi32, #tpu.memory_space<vmem>>) semaphore(%dma_start3A_14 : memref<!tpu.dma_semaphore, #tpu.memory_space<semaphore_mem>>)
    %dma_start3A_15 = arith.constant 0 : i32
    %dma_start3A_16 = arith.constant 0 : i32
    %dma_start3A_17 = arith.constant 0 : i32
    %dma_start3A_18 = arith.constant 0 : i32
    %dma_start3A_19 = tpu.memref_slice %arg11[%dma_start3A_15, %dma_start3A_17, %dma_start3A_18] : memref<2x64x256xi32, #tpu.memory_space<vmem>> -> memref<1x64x256xi32, #tpu.memory_space<vmem>>
    %dma_start3A_20 = tpu.memref_squeeze %dma_start3A_19 : memref<1x64x256xi32, #tpu.memory_space<vmem>> -> memref<64x256xi32, #tpu.memory_space<vmem>>
    %dma_start3A_21 = arith.constant 0 : i32
    %dma_start3A_22 = tpu.memref_slice %arg9[%dma_start3A_21] : memref<2760xi32, #tpu.memory_space<vmem>> -> memref<64xi32, #tpu.memory_space<vmem>>
    %dma_start3A_23 = arith.constant 0 : i32
    %dma_start3A_24 = arith.constant 0 : i32
    %dma_start3A_25 = tpu.memref_slice %arg3[%dma_start3A_23, %dma_start3A_24] : memref<10000x256xi32, #tpu.memory_space<hbm>> -> memref<10000x256xi32, #tpu.memory_space<hbm>>
    %dma_start3A_26 = tpu.memref_slice %arg13[%dma_start3A_16] : memref<2x!tpu.dma_semaphore, #tpu.memory_space<semaphore_mem>> -> memref<1x!tpu.dma_semaphore, #tpu.memory_space<semaphore_mem>>
    %dma_start3A_27 = tpu.memref_squeeze %dma_start3A_26 : memref<1x!tpu.dma_semaphore, #tpu.memory_space<semaphore_mem>> -> memref<!tpu.dma_semaphore, #tpu.memory_space<semaphore_mem>>
    tpu.enqueue_indirect_dma source(%dma_start3A_25 : memref<10000x256xi32, #tpu.memory_space<hbm>>) target(%dma_start3A_20 : memref<64x256xi32, #tpu.memory_space<vmem>>) offsets(%dma_start3A_22 : memref<64xi32, #tpu.memory_space<vmem>>) semaphore(%dma_start3A_27 : memref<!tpu.dma_semaphore, #tpu.memory_space<semaphore_mem>>)
    %scan3A = arith.constant 0 : i32
    %scan3A_28 = arith.constant 0 : i32
    %scan3A_29 = arith.constant 43 : i32
    %scan3A_30 = arith.addi %scan3A_28, %scan3A_29 : i32
    %scan3A_31 = arith.constant 1 : i32
    scf.for %scan3A_163 = %scan3A_28 to %scan3A_30 step %scan3A_31  : i32 {
      %rem3A = arith.constant 2 : i32
      %rem3A_164 = arith.remsi %scan3A_163, %rem3A : i32
      %add3A_165 = arith.constant 2 : i32
      %add3A_166 = arith.addi %scan3A_163, %add3A_165 : i32
      %sub3A = arith.constant 1 : i32
      %sub3A_167 = arith.subi %add3A_166, %sub3A : i32
      %lt3A = arith.constant 43 : i32
      %lt3A_168 = arith.cmpi slt, %sub3A_167, %lt3A : i32
      %convert_element_type3A = arith.extui %lt3A_168 : i1 to i32
      %cond3A = arith.constant 0 : i32
      %cond3A_169 = arith.cmpi ne, %convert_element_type3A, %cond3A : i32
      scf.if %cond3A_169 {
        %add3A_223 = arith.constant 2 : i32
        %add3A_224 = arith.addi %scan3A_163, %add3A_223 : i32
        %sub3A_225 = arith.constant 1 : i32
        %sub3A_226 = arith.subi %add3A_224, %sub3A_225 : i32
        %rem3A_227 = arith.constant 2 : i32
        %rem3A_228 = arith.remsi %sub3A_226, %rem3A_227 : i32
        %ge3A = arith.constant 1 : i32
        %ge3A_229 = arith.cmpi sge, %scan3A_163, %ge3A : i32
        %convert_element_type3A_230 = arith.extui %ge3A_229 : i1 to i32
        %cond3A_231 = arith.constant 0 : i32
        %cond3A_232 = arith.cmpi ne, %convert_element_type3A_230, %cond3A_231 : i32
        scf.if %cond3A_232 {
          %dma_wait3A_259 = arith.constant 0 : i32
          %dma_wait3A_260 = arith.constant 0 : i32
          %dma_wait3A_261 = tpu.memref_slice %arg10[%rem3A_228, %dma_wait3A_259, %dma_wait3A_260] : memref<2x64x256xi32, #tpu.memory_space<vmem>> -> memref<1x64x256xi32, #tpu.memory_space<vmem>>
          %dma_wait3A_262 = tpu.memref_squeeze %dma_wait3A_261 : memref<1x64x256xi32, #tpu.memory_space<vmem>> -> memref<64x256xi32, #tpu.memory_space<vmem>>
          %dma_wait3A_263 = arith.constant 0 : i32
          %dma_wait3A_264 = tpu.memref_slice %arg6[%mul3A_2, %dma_wait3A_263] : memref<88320x256xi32, #tpu.memory_space<hbm>> -> memref<64x256xi32, #tpu.memory_space<hbm>>
          %dma_wait3A_265 = tpu.memref_slice %arg14[%rem3A_228] : memref<2x!tpu.dma_semaphore, #tpu.memory_space<semaphore_mem>> -> memref<1x!tpu.dma_semaphore, #tpu.memory_space<semaphore_mem>>
          %dma_wait3A_266 = tpu.memref_squeeze %dma_wait3A_265 : memref<1x!tpu.dma_semaphore, #tpu.memory_space<semaphore_mem>> -> memref<!tpu.dma_semaphore, #tpu.memory_space<semaphore_mem>>
          %dma_wait3A_267 = arith.constant 0 : i32
          %dma_wait3A_268 = tpu.memref_slice %arg6[%mul3A_2, %dma_wait3A_267] : memref<88320x256xi32, #tpu.memory_space<hbm>> -> memref<64x256xi32, #tpu.memory_space<hbm>>
          %dma_wait3A_269 = arith.constant 0 : i32
          %dma_wait3A_270 = arith.constant 0 : i32
          %dma_wait3A_271 = tpu.memref_slice %arg10[%rem3A_228, %dma_wait3A_269, %dma_wait3A_270] : memref<2x64x256xi32, #tpu.memory_space<vmem>> -> memref<1x64x256xi32, #tpu.memory_space<vmem>>
          %dma_wait3A_272 = tpu.memref_squeeze %dma_wait3A_271 : memref<1x64x256xi32, #tpu.memory_space<vmem>> -> memref<64x256xi32, #tpu.memory_space<vmem>>
          tpu.wait_dma2 semaphore(%dma_wait3A_266 : memref<!tpu.dma_semaphore, #tpu.memory_space<semaphore_mem>>) src(%dma_wait3A_272 : memref<64x256xi32, #tpu.memory_space<vmem>>) dst(%dma_wait3A_268 : memref<64x256xi32, #tpu.memory_space<hbm>>)
          %dma_wait3A_273 = arith.constant 0 : i32
          %dma_wait3A_274 = arith.constant 0 : i32
          %dma_wait3A_275 = tpu.memref_slice %arg11[%rem3A_228, %dma_wait3A_273, %dma_wait3A_274] : memref<2x64x256xi32, #tpu.memory_space<vmem>> -> memref<1x64x256xi32, #tpu.memory_space<vmem>>
          %dma_wait3A_276 = tpu.memref_squeeze %dma_wait3A_275 : memref<1x64x256xi32, #tpu.memory_space<vmem>> -> memref<64x256xi32, #tpu.memory_space<vmem>>
          %dma_wait3A_277 = arith.constant 0 : i32
          %dma_wait3A_278 = tpu.memref_slice %arg7[%mul3A_2, %dma_wait3A_277] : memref<88320x256xi32, #tpu.memory_space<hbm>> -> memref<64x256xi32, #tpu.memory_space<hbm>>
          %dma_wait3A_279 = tpu.memref_slice %arg15[%rem3A_228] : memref<2x!tpu.dma_semaphore, #tpu.memory_space<semaphore_mem>> -> memref<1x!tpu.dma_semaphore, #tpu.memory_space<semaphore_mem>>
          %dma_wait3A_280 = tpu.memref_squeeze %dma_wait3A_279 : memref<1x!tpu.dma_semaphore, #tpu.memory_space<semaphore_mem>> -> memref<!tpu.dma_semaphore, #tpu.memory_space<semaphore_mem>>
          %dma_wait3A_281 = arith.constant 0 : i32
          %dma_wait3A_282 = tpu.memref_slice %arg7[%mul3A_2, %dma_wait3A_281] : memref<88320x256xi32, #tpu.memory_space<hbm>> -> memref<64x256xi32, #tpu.memory_space<hbm>>
          %dma_wait3A_283 = arith.constant 0 : i32
          %dma_wait3A_284 = arith.constant 0 : i32
          %dma_wait3A_285 = tpu.memref_slice %arg11[%rem3A_228, %dma_wait3A_283, %dma_wait3A_284] : memref<2x64x256xi32, #tpu.memory_space<vmem>> -> memref<1x64x256xi32, #tpu.memory_space<vmem>>
          %dma_wait3A_286 = tpu.memref_squeeze %dma_wait3A_285 : memref<1x64x256xi32, #tpu.memory_space<vmem>> -> memref<64x256xi32, #tpu.memory_space<vmem>>
          tpu.wait_dma2 semaphore(%dma_wait3A_280 : memref<!tpu.dma_semaphore, #tpu.memory_space<semaphore_mem>>) src(%dma_wait3A_286 : memref<64x256xi32, #tpu.memory_space<vmem>>) dst(%dma_wait3A_282 : memref<64x256xi32, #tpu.memory_space<hbm>>)
        } else {
        }
        %add3A_233 = arith.constant 2 : i32
        %add3A_234 = arith.addi %scan3A_163, %add3A_233 : i32
        %sub3A_235 = arith.constant 1 : i32
        %sub3A_236 = arith.subi %add3A_234, %sub3A_235 : i32
        %mul3A_237 = arith.constant 64 : i32
        %mul3A_238 = arith.muli %sub3A_236, %mul3A_237 : i32
        %dma_start3A_239 = arith.constant 0 : i32
        %dma_start3A_240 = arith.constant 0 : i32
        %dma_start3A_241 = tpu.memref_slice %arg10[%rem3A_228, %dma_start3A_239, %dma_start3A_240] : memref<2x64x256xi32, #tpu.memory_space<vmem>> -> memref<1x64x256xi32, #tpu.memory_space<vmem>>
        %dma_start3A_242 = tpu.memref_squeeze %dma_start3A_241 : memref<1x64x256xi32, #tpu.memory_space<vmem>> -> memref<64x256xi32, #tpu.memory_space<vmem>>
        %dma_start3A_243 = tpu.memref_slice %arg8[%mul3A_238] : memref<2760xi32, #tpu.memory_space<vmem>> -> memref<64xi32, #tpu.memory_space<vmem>>
        %dma_start3A_244 = arith.constant 0 : i32
        %dma_start3A_245 = arith.constant 0 : i32
        %dma_start3A_246 = tpu.memref_slice %arg2[%dma_start3A_244, %dma_start3A_245] : memref<10000x256xi32, #tpu.memory_space<hbm>> -> memref<10000x256xi32, #tpu.memory_space<hbm>>
        %dma_start3A_247 = tpu.memref_slice %arg12[%rem3A_228] : memref<2x!tpu.dma_semaphore, #tpu.memory_space<semaphore_mem>> -> memref<1x!tpu.dma_semaphore, #tpu.memory_space<semaphore_mem>>
        %dma_start3A_248 = tpu.memref_squeeze %dma_start3A_247 : memref<1x!tpu.dma_semaphore, #tpu.memory_space<semaphore_mem>> -> memref<!tpu.dma_semaphore, #tpu.memory_space<semaphore_mem>>
        tpu.enqueue_indirect_dma source(%dma_start3A_246 : memref<10000x256xi32, #tpu.memory_space<hbm>>) target(%dma_start3A_242 : memref<64x256xi32, #tpu.memory_space<vmem>>) offsets(%dma_start3A_243 : memref<64xi32, #tpu.memory_space<vmem>>) semaphore(%dma_start3A_248 : memref<!tpu.dma_semaphore, #tpu.memory_space<semaphore_mem>>)
        %dma_start3A_249 = arith.constant 0 : i32
        %dma_start3A_250 = arith.constant 0 : i32
        %dma_start3A_251 = tpu.memref_slice %arg11[%rem3A_228, %dma_start3A_249, %dma_start3A_250] : memref<2x64x256xi32, #tpu.memory_space<vmem>> -> memref<1x64x256xi32, #tpu.memory_space<vmem>>
        %dma_start3A_252 = tpu.memref_squeeze %dma_start3A_251 : memref<1x64x256xi32, #tpu.memory_space<vmem>> -> memref<64x256xi32, #tpu.memory_space<vmem>>
        %dma_start3A_253 = tpu.memref_slice %arg9[%mul3A_238] : memref<2760xi32, #tpu.memory_space<vmem>> -> memref<64xi32, #tpu.memory_space<vmem>>
        %dma_start3A_254 = arith.constant 0 : i32
        %dma_start3A_255 = arith.constant 0 : i32
        %dma_start3A_256 = tpu.memref_slice %arg3[%dma_start3A_254, %dma_start3A_255] : memref<10000x256xi32, #tpu.memory_space<hbm>> -> memref<10000x256xi32, #tpu.memory_space<hbm>>
        %dma_start3A_257 = tpu.memref_slice %arg13[%rem3A_228] : memref<2x!tpu.dma_semaphore, #tpu.memory_space<semaphore_mem>> -> memref<1x!tpu.dma_semaphore, #tpu.memory_space<semaphore_mem>>
        %dma_start3A_258 = tpu.memref_squeeze %dma_start3A_257 : memref<1x!tpu.dma_semaphore, #tpu.memory_space<semaphore_mem>> -> memref<!tpu.dma_semaphore, #tpu.memory_space<semaphore_mem>>
        tpu.enqueue_indirect_dma source(%dma_start3A_256 : memref<10000x256xi32, #tpu.memory_space<hbm>>) target(%dma_start3A_252 : memref<64x256xi32, #tpu.memory_space<vmem>>) offsets(%dma_start3A_253 : memref<64xi32, #tpu.memory_space<vmem>>) semaphore(%dma_start3A_258 : memref<!tpu.dma_semaphore, #tpu.memory_space<semaphore_mem>>)
      } else {
      }
      %dma_wait3A_170 = arith.constant 0 : i32
      %dma_wait3A_171 = arith.constant 0 : i32
      %dma_wait3A_172 = tpu.memref_slice %arg10[%rem3A_164, %dma_wait3A_170, %dma_wait3A_171] : memref<2x64x256xi32, #tpu.memory_space<vmem>> -> memref<1x64x256xi32, #tpu.memory_space<vmem>>
      %dma_wait3A_173 = tpu.memref_squeeze %dma_wait3A_172 : memref<1x64x256xi32, #tpu.memory_space<vmem>> -> memref<64x256xi32, #tpu.memory_space<vmem>>
      %dma_wait3A_174 = arith.constant 0 : i32
      %dma_wait3A_175 = tpu.memref_slice %arg8[%dma_wait3A_174] : memref<2760xi32, #tpu.memory_space<vmem>> -> memref<64xi32, #tpu.memory_space<vmem>>
      %dma_wait3A_176 = arith.constant 0 : i32
      %dma_wait3A_177 = arith.constant 0 : i32
      %dma_wait3A_178 = tpu.memref_slice %arg2[%dma_wait3A_176, %dma_wait3A_177] : memref<10000x256xi32, #tpu.memory_space<hbm>> -> memref<10000x256xi32, #tpu.memory_space<hbm>>
      %dma_wait3A_179 = tpu.memref_slice %arg12[%rem3A_164] : memref<2x!tpu.dma_semaphore, #tpu.memory_space<semaphore_mem>> -> memref<1x!tpu.dma_semaphore, #tpu.memory_space<semaphore_mem>>
      %dma_wait3A_180 = tpu.memref_squeeze %dma_wait3A_179 : memref<1x!tpu.dma_semaphore, #tpu.memory_space<semaphore_mem>> -> memref<!tpu.dma_semaphore, #tpu.memory_space<semaphore_mem>>
      tpu.wait_indirect_dma semaphore(%dma_wait3A_180 : memref<!tpu.dma_semaphore, #tpu.memory_space<semaphore_mem>>) src(%dma_wait3A_178 : memref<10000x256xi32, #tpu.memory_space<hbm>>) dst(%dma_wait3A_173 : memref<64x256xi32, #tpu.memory_space<vmem>>)
      %dma_wait3A_181 = arith.constant 0 : i32
      %dma_wait3A_182 = arith.constant 0 : i32
      %dma_wait3A_183 = tpu.memref_slice %arg11[%rem3A_164, %dma_wait3A_181, %dma_wait3A_182] : memref<2x64x256xi32, #tpu.memory_space<vmem>> -> memref<1x64x256xi32, #tpu.memory_space<vmem>>
      %dma_wait3A_184 = tpu.memref_squeeze %dma_wait3A_183 : memref<1x64x256xi32, #tpu.memory_space<vmem>> -> memref<64x256xi32, #tpu.memory_space<vmem>>
      %dma_wait3A_185 = arith.constant 0 : i32
      %dma_wait3A_186 = tpu.memref_slice %arg9[%dma_wait3A_185] : memref<2760xi32, #tpu.memory_space<vmem>> -> memref<64xi32, #tpu.memory_space<vmem>>
      %dma_wait3A_187 = arith.constant 0 : i32
      %dma_wait3A_188 = arith.constant 0 : i32
      %dma_wait3A_189 = tpu.memref_slice %arg3[%dma_wait3A_187, %dma_wait3A_188] : memref<10000x256xi32, #tpu.memory_space<hbm>> -> memref<10000x256xi32, #tpu.memory_space<hbm>>
      %dma_wait3A_190 = tpu.memref_slice %arg13[%rem3A_164] : memref<2x!tpu.dma_semaphore, #tpu.memory_space<semaphore_mem>> -> memref<1x!tpu.dma_semaphore, #tpu.memory_space<semaphore_mem>>
      %dma_wait3A_191 = tpu.memref_squeeze %dma_wait3A_190 : memref<1x!tpu.dma_semaphore, #tpu.memory_space<semaphore_mem>> -> memref<!tpu.dma_semaphore, #tpu.memory_space<semaphore_mem>>
      tpu.wait_indirect_dma semaphore(%dma_wait3A_191 : memref<!tpu.dma_semaphore, #tpu.memory_space<semaphore_mem>>) src(%dma_wait3A_189 : memref<10000x256xi32, #tpu.memory_space<hbm>>) dst(%dma_wait3A_184 : memref<64x256xi32, #tpu.memory_space<vmem>>)
      %mul3A_192 = arith.constant 64 : i32
      %mul3A_193 = arith.muli %scan3A_163, %mul3A_192 : i32
      %add3A_194 = arith.addi %mul3A_2, %mul3A_193 : i32
      %dma_start3A_195 = arith.constant 0 : i32
      %dma_start3A_196 = arith.constant 0 : i32
      %dma_start3A_197 = tpu.memref_slice %arg10[%rem3A_164, %dma_start3A_195, %dma_start3A_196] : memref<2x64x256xi32, #tpu.memory_space<vmem>> -> memref<1x64x256xi32, #tpu.memory_space<vmem>>
      %dma_start3A_198 = tpu.memref_squeeze %dma_start3A_197 : memref<1x64x256xi32, #tpu.memory_space<vmem>> -> memref<64x256xi32, #tpu.memory_space<vmem>>
      %dma_start3A_199 = arith.constant 0 : i32
      %dma_start3A_200 = tpu.memref_slice %arg6[%add3A_194, %dma_start3A_199] : memref<88320x256xi32, #tpu.memory_space<hbm>> -> memref<64x256xi32, #tpu.memory_space<hbm>>
      %dma_start3A_201 = tpu.memref_slice %arg14[%rem3A_164] : memref<2x!tpu.dma_semaphore, #tpu.memory_space<semaphore_mem>> -> memref<1x!tpu.dma_semaphore, #tpu.memory_space<semaphore_mem>>
      %dma_start3A_202 = tpu.memref_squeeze %dma_start3A_201 : memref<1x!tpu.dma_semaphore, #tpu.memory_space<semaphore_mem>> -> memref<!tpu.dma_semaphore, #tpu.memory_space<semaphore_mem>>
      %dma_start3A_203 = arith.constant 0 : i32
      %dma_start3A_204 = tpu.memref_slice %arg6[%add3A_194, %dma_start3A_203] : memref<88320x256xi32, #tpu.memory_space<hbm>> -> memref<64x256xi32, #tpu.memory_space<hbm>>
      %dma_start3A_205 = arith.constant 0 : i32
      %dma_start3A_206 = arith.constant 0 : i32
      %dma_start3A_207 = tpu.memref_slice %arg10[%rem3A_164, %dma_start3A_205, %dma_start3A_206] : memref<2x64x256xi32, #tpu.memory_space<vmem>> -> memref<1x64x256xi32, #tpu.memory_space<vmem>>
      %dma_start3A_208 = tpu.memref_squeeze %dma_start3A_207 : memref<1x64x256xi32, #tpu.memory_space<vmem>> -> memref<64x256xi32, #tpu.memory_space<vmem>>
      tpu.enqueue_dma source(%dma_start3A_208 : memref<64x256xi32, #tpu.memory_space<vmem>>) target(%dma_start3A_204 : memref<64x256xi32, #tpu.memory_space<hbm>>) target_semaphore(%dma_start3A_202 : memref<!tpu.dma_semaphore, #tpu.memory_space<semaphore_mem>>)
      %dma_start3A_209 = arith.constant 0 : i32
      %dma_start3A_210 = arith.constant 0 : i32
      %dma_start3A_211 = tpu.memref_slice %arg11[%rem3A_164, %dma_start3A_209, %dma_start3A_210] : memref<2x64x256xi32, #tpu.memory_space<vmem>> -> memref<1x64x256xi32, #tpu.memory_space<vmem>>
      %dma_start3A_212 = tpu.memref_squeeze %dma_start3A_211 : memref<1x64x256xi32, #tpu.memory_space<vmem>> -> memref<64x256xi32, #tpu.memory_space<vmem>>
      %dma_start3A_213 = arith.constant 0 : i32
      %dma_start3A_214 = tpu.memref_slice %arg7[%add3A_194, %dma_start3A_213] : memref<88320x256xi32, #tpu.memory_space<hbm>> -> memref<64x256xi32, #tpu.memory_space<hbm>>
      %dma_start3A_215 = tpu.memref_slice %arg15[%rem3A_164] : memref<2x!tpu.dma_semaphore, #tpu.memory_space<semaphore_mem>> -> memref<1x!tpu.dma_semaphore, #tpu.memory_space<semaphore_mem>>
      %dma_start3A_216 = tpu.memref_squeeze %dma_start3A_215 : memref<1x!tpu.dma_semaphore, #tpu.memory_space<semaphore_mem>> -> memref<!tpu.dma_semaphore, #tpu.memory_space<semaphore_mem>>
      %dma_start3A_217 = arith.constant 0 : i32
      %dma_start3A_218 = tpu.memref_slice %arg7[%add3A_194, %dma_start3A_217] : memref<88320x256xi32, #tpu.memory_space<hbm>> -> memref<64x256xi32, #tpu.memory_space<hbm>>
      %dma_start3A_219 = arith.constant 0 : i32
      %dma_start3A_220 = arith.constant 0 : i32
      %dma_start3A_221 = tpu.memref_slice %arg11[%rem3A_164, %dma_start3A_219, %dma_start3A_220] : memref<2x64x256xi32, #tpu.memory_space<vmem>> -> memref<1x64x256xi32, #tpu.memory_space<vmem>>
      %dma_start3A_222 = tpu.memref_squeeze %dma_start3A_221 : memref<1x64x256xi32, #tpu.memory_space<vmem>> -> memref<64x256xi32, #tpu.memory_space<vmem>>
      tpu.enqueue_dma source(%dma_start3A_222 : memref<64x256xi32, #tpu.memory_space<vmem>>) target(%dma_start3A_218 : memref<64x256xi32, #tpu.memory_space<hbm>>) target_semaphore(%dma_start3A_216 : memref<!tpu.dma_semaphore, #tpu.memory_space<semaphore_mem>>)
    }
    %scan3A_32 = arith.constant 43 : i32
    %dma_wait3A = arith.constant 0 : i32
    %dma_wait3A_33 = arith.constant 0 : i32
    %dma_wait3A_34 = arith.constant 0 : i32
    %dma_wait3A_35 = arith.constant 0 : i32
    %dma_wait3A_36 = tpu.memref_slice %arg10[%dma_wait3A, %dma_wait3A_34, %dma_wait3A_35] : memref<2x64x256xi32, #tpu.memory_space<vmem>> -> memref<1x64x256xi32, #tpu.memory_space<vmem>>
    %dma_wait3A_37 = tpu.memref_squeeze %dma_wait3A_36 : memref<1x64x256xi32, #tpu.memory_space<vmem>> -> memref<64x256xi32, #tpu.memory_space<vmem>>
    %dma_wait3A_38 = arith.constant 0 : i32
    %dma_wait3A_39 = tpu.memref_slice %arg6[%mul3A_2, %dma_wait3A_38] : memref<88320x256xi32, #tpu.memory_space<hbm>> -> memref<64x256xi32, #tpu.memory_space<hbm>>
    %dma_wait3A_40 = tpu.memref_slice %arg14[%dma_wait3A_33] : memref<2x!tpu.dma_semaphore, #tpu.memory_space<semaphore_mem>> -> memref<1x!tpu.dma_semaphore, #tpu.memory_space<semaphore_mem>>
    %dma_wait3A_41 = tpu.memref_squeeze %dma_wait3A_40 : memref<1x!tpu.dma_semaphore, #tpu.memory_space<semaphore_mem>> -> memref<!tpu.dma_semaphore, #tpu.memory_space<semaphore_mem>>
    %dma_wait3A_42 = arith.constant 0 : i32
    %dma_wait3A_43 = tpu.memref_slice %arg6[%mul3A_2, %dma_wait3A_42] : memref<88320x256xi32, #tpu.memory_space<hbm>> -> memref<64x256xi32, #tpu.memory_space<hbm>>
    %dma_wait3A_44 = arith.constant 0 : i32
    %dma_wait3A_45 = arith.constant 0 : i32
    %dma_wait3A_46 = tpu.memref_slice %arg10[%dma_wait3A, %dma_wait3A_44, %dma_wait3A_45] : memref<2x64x256xi32, #tpu.memory_space<vmem>> -> memref<1x64x256xi32, #tpu.memory_space<vmem>>
    %dma_wait3A_47 = tpu.memref_squeeze %dma_wait3A_46 : memref<1x64x256xi32, #tpu.memory_space<vmem>> -> memref<64x256xi32, #tpu.memory_space<vmem>>
    tpu.wait_dma2 semaphore(%dma_wait3A_41 : memref<!tpu.dma_semaphore, #tpu.memory_space<semaphore_mem>>) src(%dma_wait3A_47 : memref<64x256xi32, #tpu.memory_space<vmem>>) dst(%dma_wait3A_43 : memref<64x256xi32, #tpu.memory_space<hbm>>)
    %dma_wait3A_48 = arith.constant 0 : i32
    %dma_wait3A_49 = arith.constant 0 : i32
    %dma_wait3A_50 = arith.constant 0 : i32
    %dma_wait3A_51 = arith.constant 0 : i32
    %dma_wait3A_52 = tpu.memref_slice %arg11[%dma_wait3A_48, %dma_wait3A_50, %dma_wait3A_51] : memref<2x64x256xi32, #tpu.memory_space<vmem>> -> memref<1x64x256xi32, #tpu.memory_space<vmem>>
    %dma_wait3A_53 = tpu.memref_squeeze %dma_wait3A_52 : memref<1x64x256xi32, #tpu.memory_space<vmem>> -> memref<64x256xi32, #tpu.memory_space<vmem>>
    %dma_wait3A_54 = arith.constant 0 : i32
    %dma_wait3A_55 = tpu.memref_slice %arg7[%mul3A_2, %dma_wait3A_54] : memref<88320x256xi32, #tpu.memory_space<hbm>> -> memref<64x256xi32, #tpu.memory_space<hbm>>
    %dma_wait3A_56 = tpu.memref_slice %arg15[%dma_wait3A_49] : memref<2x!tpu.dma_semaphore, #tpu.memory_space<semaphore_mem>> -> memref<1x!tpu.dma_semaphore, #tpu.memory_space<semaphore_mem>>
    %dma_wait3A_57 = tpu.memref_squeeze %dma_wait3A_56 : memref<1x!tpu.dma_semaphore, #tpu.memory_space<semaphore_mem>> -> memref<!tpu.dma_semaphore, #tpu.memory_space<semaphore_mem>>
    %dma_wait3A_58 = arith.constant 0 : i32
    %dma_wait3A_59 = tpu.memref_slice %arg7[%mul3A_2, %dma_wait3A_58] : memref<88320x256xi32, #tpu.memory_space<hbm>> -> memref<64x256xi32, #tpu.memory_space<hbm>>
    %dma_wait3A_60 = arith.constant 0 : i32
    %dma_wait3A_61 = arith.constant 0 : i32
    %dma_wait3A_62 = tpu.memref_slice %arg11[%dma_wait3A_48, %dma_wait3A_60, %dma_wait3A_61] : memref<2x64x256xi32, #tpu.memory_space<vmem>> -> memref<1x64x256xi32, #tpu.memory_space<vmem>>
    %dma_wait3A_63 = tpu.memref_squeeze %dma_wait3A_62 : memref<1x64x256xi32, #tpu.memory_space<vmem>> -> memref<64x256xi32, #tpu.memory_space<vmem>>
    tpu.wait_dma2 semaphore(%dma_wait3A_57 : memref<!tpu.dma_semaphore, #tpu.memory_space<semaphore_mem>>) src(%dma_wait3A_63 : memref<64x256xi32, #tpu.memory_space<vmem>>) dst(%dma_wait3A_59 : memref<64x256xi32, #tpu.memory_space<hbm>>)
    %dma_wait3A_64 = arith.constant 1 : i32
    %dma_wait3A_65 = arith.constant 1 : i32
    %dma_wait3A_66 = arith.constant 0 : i32
    %dma_wait3A_67 = arith.constant 0 : i32
    %dma_wait3A_68 = tpu.memref_slice %arg10[%dma_wait3A_64, %dma_wait3A_66, %dma_wait3A_67] : memref<2x64x256xi32, #tpu.memory_space<vmem>> -> memref<1x64x256xi32, #tpu.memory_space<vmem>>
    %dma_wait3A_69 = tpu.memref_squeeze %dma_wait3A_68 : memref<1x64x256xi32, #tpu.memory_space<vmem>> -> memref<64x256xi32, #tpu.memory_space<vmem>>
    %dma_wait3A_70 = arith.constant 0 : i32
    %dma_wait3A_71 = tpu.memref_slice %arg6[%mul3A_2, %dma_wait3A_70] : memref<88320x256xi32, #tpu.memory_space<hbm>> -> memref<64x256xi32, #tpu.memory_space<hbm>>
    %dma_wait3A_72 = tpu.memref_slice %arg14[%dma_wait3A_65] : memref<2x!tpu.dma_semaphore, #tpu.memory_space<semaphore_mem>> -> memref<1x!tpu.dma_semaphore, #tpu.memory_space<semaphore_mem>>
    %dma_wait3A_73 = tpu.memref_squeeze %dma_wait3A_72 : memref<1x!tpu.dma_semaphore, #tpu.memory_space<semaphore_mem>> -> memref<!tpu.dma_semaphore, #tpu.memory_space<semaphore_mem>>
    %dma_wait3A_74 = arith.constant 0 : i32
    %dma_wait3A_75 = tpu.memref_slice %arg6[%mul3A_2, %dma_wait3A_74] : memref<88320x256xi32, #tpu.memory_space<hbm>> -> memref<64x256xi32, #tpu.memory_space<hbm>>
    %dma_wait3A_76 = arith.constant 0 : i32
    %dma_wait3A_77 = arith.constant 0 : i32
    %dma_wait3A_78 = tpu.memref_slice %arg10[%dma_wait3A_64, %dma_wait3A_76, %dma_wait3A_77] : memref<2x64x256xi32, #tpu.memory_space<vmem>> -> memref<1x64x256xi32, #tpu.memory_space<vmem>>
    %dma_wait3A_79 = tpu.memref_squeeze %dma_wait3A_78 : memref<1x64x256xi32, #tpu.memory_space<vmem>> -> memref<64x256xi32, #tpu.memory_space<vmem>>
    tpu.wait_dma2 semaphore(%dma_wait3A_73 : memref<!tpu.dma_semaphore, #tpu.memory_space<semaphore_mem>>) src(%dma_wait3A_79 : memref<64x256xi32, #tpu.memory_space<vmem>>) dst(%dma_wait3A_75 : memref<64x256xi32, #tpu.memory_space<hbm>>)
    %dma_wait3A_80 = arith.constant 1 : i32
    %dma_wait3A_81 = arith.constant 1 : i32
    %dma_wait3A_82 = arith.constant 0 : i32
    %dma_wait3A_83 = arith.constant 0 : i32
    %dma_wait3A_84 = tpu.memref_slice %arg11[%dma_wait3A_80, %dma_wait3A_82, %dma_wait3A_83] : memref<2x64x256xi32, #tpu.memory_space<vmem>> -> memref<1x64x256xi32, #tpu.memory_space<vmem>>
    %dma_wait3A_85 = tpu.memref_squeeze %dma_wait3A_84 : memref<1x64x256xi32, #tpu.memory_space<vmem>> -> memref<64x256xi32, #tpu.memory_space<vmem>>
    %dma_wait3A_86 = arith.constant 0 : i32
    %dma_wait3A_87 = tpu.memref_slice %arg7[%mul3A_2, %dma_wait3A_86] : memref<88320x256xi32, #tpu.memory_space<hbm>> -> memref<64x256xi32, #tpu.memory_space<hbm>>
    %dma_wait3A_88 = tpu.memref_slice %arg15[%dma_wait3A_81] : memref<2x!tpu.dma_semaphore, #tpu.memory_space<semaphore_mem>> -> memref<1x!tpu.dma_semaphore, #tpu.memory_space<semaphore_mem>>
    %dma_wait3A_89 = tpu.memref_squeeze %dma_wait3A_88 : memref<1x!tpu.dma_semaphore, #tpu.memory_space<semaphore_mem>> -> memref<!tpu.dma_semaphore, #tpu.memory_space<semaphore_mem>>
    %dma_wait3A_90 = arith.constant 0 : i32
    %dma_wait3A_91 = tpu.memref_slice %arg7[%mul3A_2, %dma_wait3A_90] : memref<88320x256xi32, #tpu.memory_space<hbm>> -> memref<64x256xi32, #tpu.memory_space<hbm>>
    %dma_wait3A_92 = arith.constant 0 : i32
    %dma_wait3A_93 = arith.constant 0 : i32
    %dma_wait3A_94 = tpu.memref_slice %arg11[%dma_wait3A_80, %dma_wait3A_92, %dma_wait3A_93] : memref<2x64x256xi32, #tpu.memory_space<vmem>> -> memref<1x64x256xi32, #tpu.memory_space<vmem>>
    %dma_wait3A_95 = tpu.memref_squeeze %dma_wait3A_94 : memref<1x64x256xi32, #tpu.memory_space<vmem>> -> memref<64x256xi32, #tpu.memory_space<vmem>>
    tpu.wait_dma2 semaphore(%dma_wait3A_89 : memref<!tpu.dma_semaphore, #tpu.memory_space<semaphore_mem>>) src(%dma_wait3A_95 : memref<64x256xi32, #tpu.memory_space<vmem>>) dst(%dma_wait3A_91 : memref<64x256xi32, #tpu.memory_space<hbm>>)
    %add3A_96 = arith.constant 2752 : i32
    %add3A_97 = arith.addi %mul3A_2, %add3A_96 : i32
    %dma_start3A_98 = arith.constant 0 : i32
    %dma_start3A_99 = arith.constant 0 : i32
    %dma_start3A_100 = arith.constant 0 : i32
    %dma_start3A_101 = arith.constant 0 : i32
    %dma_start3A_102 = tpu.memref_slice %arg10[%dma_start3A_98, %dma_start3A_100, %dma_start3A_101] : memref<2x64x256xi32, #tpu.memory_space<vmem>> -> memref<1x64x256xi32, #tpu.memory_space<vmem>>
    %dma_start3A_103 = tpu.memref_squeeze %dma_start3A_102 : memref<1x64x256xi32, #tpu.memory_space<vmem>> -> memref<64x256xi32, #tpu.memory_space<vmem>>
    %dma_start3A_104 = arith.constant 0 : i32
    %dma_start3A_105 = arith.constant 0 : i32
    %dma_start3A_106 = tpu.memref_slice %dma_start3A_103[%dma_start3A_104, %dma_start3A_105] : memref<64x256xi32, #tpu.memory_space<vmem>> -> memref<8x256xi32, #tpu.memory_space<vmem>>
    %dma_start3A_107 = arith.constant 2752 : i32
    %dma_start3A_108 = tpu.memref_slice %arg8[%dma_start3A_107] : memref<2760xi32, #tpu.memory_space<vmem>> -> memref<8xi32, #tpu.memory_space<vmem>>
    %dma_start3A_109 = arith.constant 0 : i32
    %dma_start3A_110 = arith.constant 0 : i32
    %dma_start3A_111 = tpu.memref_slice %arg2[%dma_start3A_109, %dma_start3A_110] : memref<10000x256xi32, #tpu.memory_space<hbm>> -> memref<10000x256xi32, #tpu.memory_space<hbm>>
    %dma_start3A_112 = tpu.memref_slice %arg12[%dma_start3A_99] : memref<2x!tpu.dma_semaphore, #tpu.memory_space<semaphore_mem>> -> memref<1x!tpu.dma_semaphore, #tpu.memory_space<semaphore_mem>>
    %dma_start3A_113 = tpu.memref_squeeze %dma_start3A_112 : memref<1x!tpu.dma_semaphore, #tpu.memory_space<semaphore_mem>> -> memref<!tpu.dma_semaphore, #tpu.memory_space<semaphore_mem>>
    tpu.enqueue_indirect_dma source(%dma_start3A_111 : memref<10000x256xi32, #tpu.memory_space<hbm>>) target(%dma_start3A_106 : memref<8x256xi32, #tpu.memory_space<vmem>>) offsets(%dma_start3A_108 : memref<8xi32, #tpu.memory_space<vmem>>) semaphore(%dma_start3A_113 : memref<!tpu.dma_semaphore, #tpu.memory_space<semaphore_mem>>)
    %dma_wait3A_114 = arith.constant 0 : i32
    %dma_wait3A_115 = arith.constant 0 : i32
    %dma_wait3A_116 = arith.constant 0 : i32
    %dma_wait3A_117 = arith.constant 0 : i32
    %dma_wait3A_118 = tpu.memref_slice %arg10[%dma_wait3A_114, %dma_wait3A_116, %dma_wait3A_117] : memref<2x64x256xi32, #tpu.memory_space<vmem>> -> memref<1x64x256xi32, #tpu.memory_space<vmem>>
    %dma_wait3A_119 = tpu.memref_squeeze %dma_wait3A_118 : memref<1x64x256xi32, #tpu.memory_space<vmem>> -> memref<64x256xi32, #tpu.memory_space<vmem>>
    %dma_wait3A_120 = arith.constant 0 : i32
    %dma_wait3A_121 = arith.constant 0 : i32
    %dma_wait3A_122 = tpu.memref_slice %dma_wait3A_119[%dma_wait3A_120, %dma_wait3A_121] : memref<64x256xi32, #tpu.memory_space<vmem>> -> memref<8x256xi32, #tpu.memory_space<vmem>>
    %dma_wait3A_123 = arith.constant 2752 : i32
    %dma_wait3A_124 = tpu.memref_slice %arg8[%dma_wait3A_123] : memref<2760xi32, #tpu.memory_space<vmem>> -> memref<8xi32, #tpu.memory_space<vmem>>
    %dma_wait3A_125 = arith.constant 0 : i32
    %dma_wait3A_126 = arith.constant 0 : i32
    %dma_wait3A_127 = tpu.memref_slice %arg2[%dma_wait3A_125, %dma_wait3A_126] : memref<10000x256xi32, #tpu.memory_space<hbm>> -> memref<10000x256xi32, #tpu.memory_space<hbm>>
    %dma_wait3A_128 = tpu.memref_slice %arg12[%dma_wait3A_115] : memref<2x!tpu.dma_semaphore, #tpu.memory_space<semaphore_mem>> -> memref<1x!tpu.dma_semaphore, #tpu.memory_space<semaphore_mem>>
    %dma_wait3A_129 = tpu.memref_squeeze %dma_wait3A_128 : memref<1x!tpu.dma_semaphore, #tpu.memory_space<semaphore_mem>> -> memref<!tpu.dma_semaphore, #tpu.memory_space<semaphore_mem>>
    tpu.wait_indirect_dma semaphore(%dma_wait3A_129 : memref<!tpu.dma_semaphore, #tpu.memory_space<semaphore_mem>>) src(%dma_wait3A_127 : memref<10000x256xi32, #tpu.memory_space<hbm>>) dst(%dma_wait3A_122 : memref<8x256xi32, #tpu.memory_space<vmem>>)
    %dma_start3A_130 = arith.constant 0 : i32
    %dma_start3A_131 = arith.constant 0 : i32
    %dma_start3A_132 = arith.constant 0 : i32
    %dma_start3A_133 = arith.constant 0 : i32
    %dma_start3A_134 = tpu.memref_slice %arg11[%dma_start3A_130, %dma_start3A_132, %dma_start3A_133] : memref<2x64x256xi32, #tpu.memory_space<vmem>> -> memref<1x64x256xi32, #tpu.memory_space<vmem>>
    %dma_start3A_135 = tpu.memref_squeeze %dma_start3A_134 : memref<1x64x256xi32, #tpu.memory_space<vmem>> -> memref<64x256xi32, #tpu.memory_space<vmem>>
    %dma_start3A_136 = arith.constant 0 : i32
    %dma_start3A_137 = arith.constant 0 : i32
    %dma_start3A_138 = tpu.memref_slice %dma_start3A_135[%dma_start3A_136, %dma_start3A_137] : memref<64x256xi32, #tpu.memory_space<vmem>> -> memref<8x256xi32, #tpu.memory_space<vmem>>
    %dma_start3A_139 = arith.constant 2752 : i32
    %dma_start3A_140 = tpu.memref_slice %arg9[%dma_start3A_139] : memref<2760xi32, #tpu.memory_space<vmem>> -> memref<8xi32, #tpu.memory_space<vmem>>
    %dma_start3A_141 = arith.constant 0 : i32
    %dma_start3A_142 = arith.constant 0 : i32
    %dma_start3A_143 = tpu.memref_slice %arg3[%dma_start3A_141, %dma_start3A_142] : memref<10000x256xi32, #tpu.memory_space<hbm>> -> memref<10000x256xi32, #tpu.memory_space<hbm>>
    %dma_start3A_144 = tpu.memref_slice %arg13[%dma_start3A_131] : memref<2x!tpu.dma_semaphore, #tpu.memory_space<semaphore_mem>> -> memref<1x!tpu.dma_semaphore, #tpu.memory_space<semaphore_mem>>
    %dma_start3A_145 = tpu.memref_squeeze %dma_start3A_144 : memref<1x!tpu.dma_semaphore, #tpu.memory_space<semaphore_mem>> -> memref<!tpu.dma_semaphore, #tpu.memory_space<semaphore_mem>>
    tpu.enqueue_indirect_dma source(%dma_start3A_143 : memref<10000x256xi32, #tpu.memory_space<hbm>>) target(%dma_start3A_138 : memref<8x256xi32, #tpu.memory_space<vmem>>) offsets(%dma_start3A_140 : memref<8xi32, #tpu.memory_space<vmem>>) semaphore(%dma_start3A_145 : memref<!tpu.dma_semaphore, #tpu.memory_space<semaphore_mem>>)
    %dma_wait3A_146 = arith.constant 0 : i32
    %dma_wait3A_147 = arith.constant 0 : i32
    %dma_wait3A_148 = arith.constant 0 : i32
    %dma_wait3A_149 = arith.constant 0 : i32
    %dma_wait3A_150 = tpu.memref_slice %arg11[%dma_wait3A_146, %dma_wait3A_148, %dma_wait3A_149] : memref<2x64x256xi32, #tpu.memory_space<vmem>> -> memref<1x64x256xi32, #tpu.memory_space<vmem>>
    %dma_wait3A_151 = tpu.memref_squeeze %dma_wait3A_150 : memref<1x64x256xi32, #tpu.memory_space<vmem>> -> memref<64x256xi32, #tpu.memory_space<vmem>>
    %dma_wait3A_152 = arith.constant 0 : i32
    %dma_wait3A_153 = arith.constant 0 : i32
    %dma_wait3A_154 = tpu.memref_slice %dma_wait3A_151[%dma_wait3A_152, %dma_wait3A_153] : memref<64x256xi32, #tpu.memory_space<vmem>> -> memref<8x256xi32, #tpu.memory_space<vmem>>
    %dma_wait3A_155 = arith.constant 2752 : i32
    %dma_wait3A_156 = tpu.memref_slice %arg9[%dma_wait3A_155] : memref<2760xi32, #tpu.memory_space<vmem>> -> memref<8xi32, #tpu.memory_space<vmem>>
    %dma_wait3A_157 = arith.constant 0 : i32
    %dma_wait3A_158 = arith.constant 0 : i32
    %dma_wait3A_159 = tpu.memref_slice %arg3[%dma_wait3A_157, %dma_wait3A_158] : memref<10000x256xi32, #tpu.memory_space<hbm>> -> memref<10000x256xi32, #tpu.memory_space<hbm>>
    %dma_wait3A_160 = tpu.memref_slice %arg13[%dma_wait3A_147] : memref<2x!tpu.dma_semaphore, #tpu.memory_space<semaphore_mem>> -> memref<1x!tpu.dma_semaphore, #tpu.memory_space<semaphore_mem>>
    %dma_wait3A_161 = tpu.memref_squeeze %dma_wait3A_160 : memref<1x!tpu.dma_semaphore, #tpu.memory_space<semaphore_mem>> -> memref<!tpu.dma_semaphore, #tpu.memory_space<semaphore_mem>>
    tpu.wait_indirect_dma semaphore(%dma_wait3A_161 : memref<!tpu.dma_semaphore, #tpu.memory_space<semaphore_mem>>) src(%dma_wait3A_159 : memref<10000x256xi32, #tpu.memory_space<hbm>>) dst(%dma_wait3A_154 : memref<8x256xi32, #tpu.memory_space<vmem>>)
    %run_scoped3A = arith.constant 0 : i32
    "tpu.region"() ({
      %run_scoped3A_163 = tpu.sem_alloc : memref<!tpu.dma_semaphore, #tpu.memory_space<semaphore_mem>>
      %dma_start3A_164 = arith.constant 0 : i32
      %dma_start3A_165 = arith.constant 0 : i32
      %dma_start3A_166 = tpu.memref_slice %arg10[%run_scoped3A, %dma_start3A_164, %dma_start3A_165] : memref<2x64x256xi32, #tpu.memory_space<vmem>> -> memref<1x64x256xi32, #tpu.memory_space<vmem>>
      %dma_start3A_167 = tpu.memref_squeeze %dma_start3A_166 : memref<1x64x256xi32, #tpu.memory_space<vmem>> -> memref<64x256xi32, #tpu.memory_space<vmem>>
      %dma_start3A_168 = arith.constant 0 : i32
      %dma_start3A_169 = arith.constant 0 : i32
      %dma_start3A_170 = tpu.memref_slice %dma_start3A_167[%dma_start3A_168, %dma_start3A_169] : memref<64x256xi32, #tpu.memory_space<vmem>> -> memref<8x256xi32, #tpu.memory_space<vmem>>
      %dma_start3A_171 = arith.constant 0 : i32
      %dma_start3A_172 = tpu.memref_slice %arg6[%add3A_97, %dma_start3A_171] : memref<88320x256xi32, #tpu.memory_space<hbm>> -> memref<8x256xi32, #tpu.memory_space<hbm>>
      %dma_start3A_173 = arith.constant 0 : i32
      %dma_start3A_174 = tpu.memref_slice %arg6[%add3A_97, %dma_start3A_173] : memref<88320x256xi32, #tpu.memory_space<hbm>> -> memref<8x256xi32, #tpu.memory_space<hbm>>
      %dma_start3A_175 = arith.constant 0 : i32
      %dma_start3A_176 = arith.constant 0 : i32
      %dma_start3A_177 = tpu.memref_slice %arg10[%run_scoped3A, %dma_start3A_175, %dma_start3A_176] : memref<2x64x256xi32, #tpu.memory_space<vmem>> -> memref<1x64x256xi32, #tpu.memory_space<vmem>>
      %dma_start3A_178 = tpu.memref_squeeze %dma_start3A_177 : memref<1x64x256xi32, #tpu.memory_space<vmem>> -> memref<64x256xi32, #tpu.memory_space<vmem>>
      %dma_start3A_179 = arith.constant 0 : i32
      %dma_start3A_180 = arith.constant 0 : i32
      %dma_start3A_181 = tpu.memref_slice %dma_start3A_178[%dma_start3A_179, %dma_start3A_180] : memref<64x256xi32, #tpu.memory_space<vmem>> -> memref<8x256xi32, #tpu.memory_space<vmem>>
      tpu.enqueue_dma source(%dma_start3A_181 : memref<8x256xi32, #tpu.memory_space<vmem>>) target(%dma_start3A_174 : memref<8x256xi32, #tpu.memory_space<hbm>>) target_semaphore(%run_scoped3A_163 : memref<!tpu.dma_semaphore, #tpu.memory_space<semaphore_mem>>)
      %dma_wait3A_182 = arith.constant 0 : i32
      %dma_wait3A_183 = arith.constant 0 : i32
      %dma_wait3A_184 = tpu.memref_slice %arg10[%run_scoped3A, %dma_wait3A_182, %dma_wait3A_183] : memref<2x64x256xi32, #tpu.memory_space<vmem>> -> memref<1x64x256xi32, #tpu.memory_space<vmem>>
      %dma_wait3A_185 = tpu.memref_squeeze %dma_wait3A_184 : memref<1x64x256xi32, #tpu.memory_space<vmem>> -> memref<64x256xi32, #tpu.memory_space<vmem>>
      %dma_wait3A_186 = arith.constant 0 : i32
      %dma_wait3A_187 = arith.constant 0 : i32
      %dma_wait3A_188 = tpu.memref_slice %dma_wait3A_185[%dma_wait3A_186, %dma_wait3A_187] : memref<64x256xi32, #tpu.memory_space<vmem>> -> memref<8x256xi32, #tpu.memory_space<vmem>>
      %dma_wait3A_189 = arith.constant 0 : i32
      %dma_wait3A_190 = tpu.memref_slice %arg6[%add3A_97, %dma_wait3A_189] : memref<88320x256xi32, #tpu.memory_space<hbm>> -> memref<8x256xi32, #tpu.memory_space<hbm>>
      %dma_wait3A_191 = arith.constant 0 : i32
      %dma_wait3A_192 = tpu.memref_slice %arg6[%add3A_97, %dma_wait3A_191] : memref<88320x256xi32, #tpu.memory_space<hbm>> -> memref<8x256xi32, #tpu.memory_space<hbm>>
      %dma_wait3A_193 = arith.constant 0 : i32
      %dma_wait3A_194 = arith.constant 0 : i32
      %dma_wait3A_195 = tpu.memref_slice %arg10[%run_scoped3A, %dma_wait3A_193, %dma_wait3A_194] : memref<2x64x256xi32, #tpu.memory_space<vmem>> -> memref<1x64x256xi32, #tpu.memory_space<vmem>>
      %dma_wait3A_196 = tpu.memref_squeeze %dma_wait3A_195 : memref<1x64x256xi32, #tpu.memory_space<vmem>> -> memref<64x256xi32, #tpu.memory_space<vmem>>
      %dma_wait3A_197 = arith.constant 0 : i32
      %dma_wait3A_198 = arith.constant 0 : i32
      %dma_wait3A_199 = tpu.memref_slice %dma_wait3A_196[%dma_wait3A_197, %dma_wait3A_198] : memref<64x256xi32, #tpu.memory_space<vmem>> -> memref<8x256xi32, #tpu.memory_space<vmem>>
      tpu.wait_dma2 semaphore(%run_scoped3A_163 : memref<!tpu.dma_semaphore, #tpu.memory_space<semaphore_mem>>) src(%dma_wait3A_199 : memref<8x256xi32, #tpu.memory_space<vmem>>) dst(%dma_wait3A_192 : memref<8x256xi32, #tpu.memory_space<hbm>>)
      tpu.yield
    }) : () -> ()
    %run_scoped3A_162 = arith.constant 0 : i32
    "tpu.region"() ({
      %run_scoped3A_163 = tpu.sem_alloc : memref<!tpu.dma_semaphore, #tpu.memory_space<semaphore_mem>>
      %dma_start3A_164 = arith.constant 0 : i32
      %dma_start3A_165 = arith.constant 0 : i32
      %dma_start3A_166 = tpu.memref_slice %arg11[%run_scoped3A_162, %dma_start3A_164, %dma_start3A_165] : memref<2x64x256xi32, #tpu.memory_space<vmem>> -> memref<1x64x256xi32, #tpu.memory_space<vmem>>
      %dma_start3A_167 = tpu.memref_squeeze %dma_start3A_166 : memref<1x64x256xi32, #tpu.memory_space<vmem>> -> memref<64x256xi32, #tpu.memory_space<vmem>>
      %dma_start3A_168 = arith.constant 0 : i32
      %dma_start3A_169 = arith.constant 0 : i32
      %dma_start3A_170 = tpu.memref_slice %dma_start3A_167[%dma_start3A_168, %dma_start3A_169] : memref<64x256xi32, #tpu.memory_space<vmem>> -> memref<8x256xi32, #tpu.memory_space<vmem>>
      %dma_start3A_171 = arith.constant 0 : i32
      %dma_start3A_172 = tpu.memref_slice %arg7[%add3A_97, %dma_start3A_171] : memref<88320x256xi32, #tpu.memory_space<hbm>> -> memref<8x256xi32, #tpu.memory_space<hbm>>
      %dma_start3A_173 = arith.constant 0 : i32
      %dma_start3A_174 = tpu.memref_slice %arg7[%add3A_97, %dma_start3A_173] : memref<88320x256xi32, #tpu.memory_space<hbm>> -> memref<8x256xi32, #tpu.memory_space<hbm>>
      %dma_start3A_175 = arith.constant 0 : i32
      %dma_start3A_176 = arith.constant 0 : i32
      %dma_start3A_177 = tpu.memref_slice %arg11[%run_scoped3A_162, %dma_start3A_175, %dma_start3A_176] : memref<2x64x256xi32, #tpu.memory_space<vmem>> -> memref<1x64x256xi32, #tpu.memory_space<vmem>>
      %dma_start3A_178 = tpu.memref_squeeze %dma_start3A_177 : memref<1x64x256xi32, #tpu.memory_space<vmem>> -> memref<64x256xi32, #tpu.memory_space<vmem>>
      %dma_start3A_179 = arith.constant 0 : i32
      %dma_start3A_180 = arith.constant 0 : i32
      %dma_start3A_181 = tpu.memref_slice %dma_start3A_178[%dma_start3A_179, %dma_start3A_180] : memref<64x256xi32, #tpu.memory_space<vmem>> -> memref<8x256xi32, #tpu.memory_space<vmem>>
      tpu.enqueue_dma source(%dma_start3A_181 : memref<8x256xi32, #tpu.memory_space<vmem>>) target(%dma_start3A_174 : memref<8x256xi32, #tpu.memory_space<hbm>>) target_semaphore(%run_scoped3A_163 : memref<!tpu.dma_semaphore, #tpu.memory_space<semaphore_mem>>)
      %dma_wait3A_182 = arith.constant 0 : i32
      %dma_wait3A_183 = arith.constant 0 : i32
      %dma_wait3A_184 = tpu.memref_slice %arg11[%run_scoped3A_162, %dma_wait3A_182, %dma_wait3A_183] : memref<2x64x256xi32, #tpu.memory_space<vmem>> -> memref<1x64x256xi32, #tpu.memory_space<vmem>>
      %dma_wait3A_185 = tpu.memref_squeeze %dma_wait3A_184 : memref<1x64x256xi32, #tpu.memory_space<vmem>> -> memref<64x256xi32, #tpu.memory_space<vmem>>
      %dma_wait3A_186 = arith.constant 0 : i32
      %dma_wait3A_187 = arith.constant 0 : i32
      %dma_wait3A_188 = tpu.memref_slice %dma_wait3A_185[%dma_wait3A_186, %dma_wait3A_187] : memref<64x256xi32, #tpu.memory_space<vmem>> -> memref<8x256xi32, #tpu.memory_space<vmem>>
      %dma_wait3A_189 = arith.constant 0 : i32
      %dma_wait3A_190 = tpu.memref_slice %arg7[%add3A_97, %dma_wait3A_189] : memref<88320x256xi32, #tpu.memory_space<hbm>> -> memref<8x256xi32, #tpu.memory_space<hbm>>
      %dma_wait3A_191 = arith.constant 0 : i32
      %dma_wait3A_192 = tpu.memref_slice %arg7[%add3A_97, %dma_wait3A_191] : memref<88320x256xi32, #tpu.memory_space<hbm>> -> memref<8x256xi32, #tpu.memory_space<hbm>>
      %dma_wait3A_193 = arith.constant 0 : i32
      %dma_wait3A_194 = arith.constant 0 : i32
      %dma_wait3A_195 = tpu.memref_slice %arg11[%run_scoped3A_162, %dma_wait3A_193, %dma_wait3A_194] : memref<2x64x256xi32, #tpu.memory_space<vmem>> -> memref<1x64x256xi32, #tpu.memory_space<vmem>>
      %dma_wait3A_196 = tpu.memref_squeeze %dma_wait3A_195 : memref<1x64x256xi32, #tpu.memory_space<vmem>> -> memref<64x256xi32, #tpu.memory_space<vmem>>
      %dma_wait3A_197 = arith.constant 0 : i32
      %dma_wait3A_198 = arith.constant 0 : i32
      %dma_wait3A_199 = tpu.memref_slice %dma_wait3A_196[%dma_wait3A_197, %dma_wait3A_198] : memref<64x256xi32, #tpu.memory_space<vmem>> -> memref<8x256xi32, #tpu.memory_space<vmem>>
      tpu.wait_dma2 semaphore(%run_scoped3A_163 : memref<!tpu.dma_semaphore, #tpu.memory_space<semaphore_mem>>) src(%dma_wait3A_199 : memref<8x256xi32, #tpu.memory_space<vmem>>) dst(%dma_wait3A_192 : memref<8x256xi32, #tpu.memory_space<hbm>>)
      tpu.yield
    }) : () -> ()
    return
  }
}

#map = affine_map<(d0, d1) -> (0, 0)>
#map1 = affine_map<(d0, d1) -> (0)>
module attributes {stable_mosaic.version = 14 : i64} {
  func.func @k(%arg0: i32, %arg1: i32, %arg2: memref<10000x256xi32, #tpu.memory_space<hbm>>, %arg3: memref<10000x256xi32, #tpu.memory_space<hbm>>, %arg4: memref<71680xi32, #tpu.memory_space<hbm>>, %arg5: memref<71680xi32, #tpu.memory_space<hbm>>, %arg6: memref<71680x256xi32, #tpu.memory_space<hbm>>, %arg7: memref<71680x256xi32, #tpu.memory_space<hbm>>, %arg8: memref<2240xi32, #tpu.memory_space<vmem>>, %arg9: memref<2240xi32, #tpu.memory_space<vmem>>, %arg10: memref<2x64x256xi32, #tpu.memory_space<vmem>>, %arg11: memref<2x64x256xi32, #tpu.memory_space<vmem>>, %arg12: memref<2x!tpu.dma_semaphore, #tpu.memory_space<semaphore_mem>>, %arg13: memref<2x!tpu.dma_semaphore, #tpu.memory_space<semaphore_mem>>, %arg14: memref<2x!tpu.dma_semaphore, #tpu.memory_space<semaphore_mem>>, %arg15: memref<2x!tpu.dma_semaphore, #tpu.memory_space<semaphore_mem>>) attributes {dimension_semantics = [#tpu.dimension_semantics<core_parallel>, #tpu.dimension_semantics<subcore_parallel>], iteration_bounds = array<i64: 2, 16>, scalar_prefetch = 0 : i64, scratch_operands = 8 : i64, tpu.core_type = #tpu.core_type<sc_vector_subcore>, window_params = [{transform_indices = #map}, {transform_indices = #map}, {transform_indices = #map1}, {transform_indices = #map1}, {transform_indices = #map}, {transform_indices = #map}]} {
    %mul3A = arith.constant 2 : i32
    %mul3A_0 = arith.muli %arg1, %mul3A : i32
    %add3A = arith.addi %mul3A_0, %arg0 : i32
    %mul3A_1 = arith.constant 2240 : i32
    %mul3A_2 = arith.muli %add3A, %mul3A_1 : i32
    "tpu.region"() ({
      %run_scoped3A = tpu.sem_alloc : memref<!tpu.dma_semaphore, #tpu.memory_space<semaphore_mem>>
      %dma_start3A_96 = tpu.memref_slice %arg4[%mul3A_2] : memref<71680xi32, #tpu.memory_space<hbm>> -> memref<2240xi32, #tpu.memory_space<hbm>>
      %dma_start3A_97 = tpu.memref_slice %arg4[%mul3A_2] : memref<71680xi32, #tpu.memory_space<hbm>> -> memref<2240xi32, #tpu.memory_space<hbm>>
      tpu.enqueue_dma source(%dma_start3A_97 : memref<2240xi32, #tpu.memory_space<hbm>>) target(%arg8 : memref<2240xi32, #tpu.memory_space<vmem>>) target_semaphore(%run_scoped3A : memref<!tpu.dma_semaphore, #tpu.memory_space<semaphore_mem>>)
      %dma_wait3A_98 = tpu.memref_slice %arg4[%mul3A_2] : memref<71680xi32, #tpu.memory_space<hbm>> -> memref<2240xi32, #tpu.memory_space<hbm>>
      %dma_wait3A_99 = tpu.memref_slice %arg4[%mul3A_2] : memref<71680xi32, #tpu.memory_space<hbm>> -> memref<2240xi32, #tpu.memory_space<hbm>>
      tpu.wait_dma2 semaphore(%run_scoped3A : memref<!tpu.dma_semaphore, #tpu.memory_space<semaphore_mem>>) src(%dma_wait3A_99 : memref<2240xi32, #tpu.memory_space<hbm>>) dst(%arg8 : memref<2240xi32, #tpu.memory_space<vmem>>)
      tpu.yield
    }) : () -> ()
    "tpu.region"() ({
      %run_scoped3A = tpu.sem_alloc : memref<!tpu.dma_semaphore, #tpu.memory_space<semaphore_mem>>
      %dma_start3A_96 = tpu.memref_slice %arg5[%mul3A_2] : memref<71680xi32, #tpu.memory_space<hbm>> -> memref<2240xi32, #tpu.memory_space<hbm>>
      %dma_start3A_97 = tpu.memref_slice %arg5[%mul3A_2] : memref<71680xi32, #tpu.memory_space<hbm>> -> memref<2240xi32, #tpu.memory_space<hbm>>
      tpu.enqueue_dma source(%dma_start3A_97 : memref<2240xi32, #tpu.memory_space<hbm>>) target(%arg9 : memref<2240xi32, #tpu.memory_space<vmem>>) target_semaphore(%run_scoped3A : memref<!tpu.dma_semaphore, #tpu.memory_space<semaphore_mem>>)
      %dma_wait3A_98 = tpu.memref_slice %arg5[%mul3A_2] : memref<71680xi32, #tpu.memory_space<hbm>> -> memref<2240xi32, #tpu.memory_space<hbm>>
      %dma_wait3A_99 = tpu.memref_slice %arg5[%mul3A_2] : memref<71680xi32, #tpu.memory_space<hbm>> -> memref<2240xi32, #tpu.memory_space<hbm>>
      tpu.wait_dma2 semaphore(%run_scoped3A : memref<!tpu.dma_semaphore, #tpu.memory_space<semaphore_mem>>) src(%dma_wait3A_99 : memref<2240xi32, #tpu.memory_space<hbm>>) dst(%arg9 : memref<2240xi32, #tpu.memory_space<vmem>>)
      tpu.yield
    }) : () -> ()
    %dma_start3A = arith.constant 0 : i32
    %dma_start3A_3 = arith.constant 0 : i32
    %dma_start3A_4 = arith.constant 0 : i32
    %dma_start3A_5 = arith.constant 0 : i32
    %dma_start3A_6 = tpu.memref_slice %arg10[%dma_start3A, %dma_start3A_4, %dma_start3A_5] : memref<2x64x256xi32, #tpu.memory_space<vmem>> -> memref<1x64x256xi32, #tpu.memory_space<vmem>>
    %dma_start3A_7 = tpu.memref_squeeze %dma_start3A_6 : memref<1x64x256xi32, #tpu.memory_space<vmem>> -> memref<64x256xi32, #tpu.memory_space<vmem>>
    %dma_start3A_8 = arith.constant 0 : i32
    %dma_start3A_9 = tpu.memref_slice %arg8[%dma_start3A_8] : memref<2240xi32, #tpu.memory_space<vmem>> -> memref<64xi32, #tpu.memory_space<vmem>>
    %dma_start3A_10 = arith.constant 0 : i32
    %dma_start3A_11 = arith.constant 0 : i32
    %dma_start3A_12 = tpu.memref_slice %arg2[%dma_start3A_10, %dma_start3A_11] : memref<10000x256xi32, #tpu.memory_space<hbm>> -> memref<10000x256xi32, #tpu.memory_space<hbm>>
    %dma_start3A_13 = tpu.memref_slice %arg12[%dma_start3A_3] : memref<2x!tpu.dma_semaphore, #tpu.memory_space<semaphore_mem>> -> memref<1x!tpu.dma_semaphore, #tpu.memory_space<semaphore_mem>>
    %dma_start3A_14 = tpu.memref_squeeze %dma_start3A_13 : memref<1x!tpu.dma_semaphore, #tpu.memory_space<semaphore_mem>> -> memref<!tpu.dma_semaphore, #tpu.memory_space<semaphore_mem>>
    tpu.enqueue_indirect_dma source(%dma_start3A_12 : memref<10000x256xi32, #tpu.memory_space<hbm>>) target(%dma_start3A_7 : memref<64x256xi32, #tpu.memory_space<vmem>>) offsets(%dma_start3A_9 : memref<64xi32, #tpu.memory_space<vmem>>) semaphore(%dma_start3A_14 : memref<!tpu.dma_semaphore, #tpu.memory_space<semaphore_mem>>)
    %dma_start3A_15 = arith.constant 0 : i32
    %dma_start3A_16 = arith.constant 0 : i32
    %dma_start3A_17 = arith.constant 0 : i32
    %dma_start3A_18 = arith.constant 0 : i32
    %dma_start3A_19 = tpu.memref_slice %arg11[%dma_start3A_15, %dma_start3A_17, %dma_start3A_18] : memref<2x64x256xi32, #tpu.memory_space<vmem>> -> memref<1x64x256xi32, #tpu.memory_space<vmem>>
    %dma_start3A_20 = tpu.memref_squeeze %dma_start3A_19 : memref<1x64x256xi32, #tpu.memory_space<vmem>> -> memref<64x256xi32, #tpu.memory_space<vmem>>
    %dma_start3A_21 = arith.constant 0 : i32
    %dma_start3A_22 = tpu.memref_slice %arg9[%dma_start3A_21] : memref<2240xi32, #tpu.memory_space<vmem>> -> memref<64xi32, #tpu.memory_space<vmem>>
    %dma_start3A_23 = arith.constant 0 : i32
    %dma_start3A_24 = arith.constant 0 : i32
    %dma_start3A_25 = tpu.memref_slice %arg3[%dma_start3A_23, %dma_start3A_24] : memref<10000x256xi32, #tpu.memory_space<hbm>> -> memref<10000x256xi32, #tpu.memory_space<hbm>>
    %dma_start3A_26 = tpu.memref_slice %arg13[%dma_start3A_16] : memref<2x!tpu.dma_semaphore, #tpu.memory_space<semaphore_mem>> -> memref<1x!tpu.dma_semaphore, #tpu.memory_space<semaphore_mem>>
    %dma_start3A_27 = tpu.memref_squeeze %dma_start3A_26 : memref<1x!tpu.dma_semaphore, #tpu.memory_space<semaphore_mem>> -> memref<!tpu.dma_semaphore, #tpu.memory_space<semaphore_mem>>
    tpu.enqueue_indirect_dma source(%dma_start3A_25 : memref<10000x256xi32, #tpu.memory_space<hbm>>) target(%dma_start3A_20 : memref<64x256xi32, #tpu.memory_space<vmem>>) offsets(%dma_start3A_22 : memref<64xi32, #tpu.memory_space<vmem>>) semaphore(%dma_start3A_27 : memref<!tpu.dma_semaphore, #tpu.memory_space<semaphore_mem>>)
    %scan3A = arith.constant 0 : i32
    %scan3A_28 = arith.constant 0 : i32
    %scan3A_29 = arith.constant 35 : i32
    %scan3A_30 = arith.addi %scan3A_28, %scan3A_29 : i32
    %scan3A_31 = arith.constant 1 : i32
    scf.for %scan3A_96 = %scan3A_28 to %scan3A_30 step %scan3A_31  : i32 {
      %rem3A = arith.constant 2 : i32
      %rem3A_97 = arith.remsi %scan3A_96, %rem3A : i32
      %add3A_98 = arith.constant 2 : i32
      %add3A_99 = arith.addi %scan3A_96, %add3A_98 : i32
      %sub3A = arith.constant 1 : i32
      %sub3A_100 = arith.subi %add3A_99, %sub3A : i32
      %lt3A = arith.constant 35 : i32
      %lt3A_101 = arith.cmpi slt, %sub3A_100, %lt3A : i32
      %convert_element_type3A = arith.extui %lt3A_101 : i1 to i32
      %cond3A = arith.constant 0 : i32
      %cond3A_102 = arith.cmpi ne, %convert_element_type3A, %cond3A : i32
      scf.if %cond3A_102 {
        %add3A_156 = arith.constant 2 : i32
        %add3A_157 = arith.addi %scan3A_96, %add3A_156 : i32
        %sub3A_158 = arith.constant 1 : i32
        %sub3A_159 = arith.subi %add3A_157, %sub3A_158 : i32
        %rem3A_160 = arith.constant 2 : i32
        %rem3A_161 = arith.remsi %sub3A_159, %rem3A_160 : i32
        %ge3A = arith.constant 1 : i32
        %ge3A_162 = arith.cmpi sge, %scan3A_96, %ge3A : i32
        %convert_element_type3A_163 = arith.extui %ge3A_162 : i1 to i32
        %cond3A_164 = arith.constant 0 : i32
        %cond3A_165 = arith.cmpi ne, %convert_element_type3A_163, %cond3A_164 : i32
        scf.if %cond3A_165 {
          %dma_wait3A_192 = arith.constant 0 : i32
          %dma_wait3A_193 = arith.constant 0 : i32
          %dma_wait3A_194 = tpu.memref_slice %arg10[%rem3A_161, %dma_wait3A_192, %dma_wait3A_193] : memref<2x64x256xi32, #tpu.memory_space<vmem>> -> memref<1x64x256xi32, #tpu.memory_space<vmem>>
          %dma_wait3A_195 = tpu.memref_squeeze %dma_wait3A_194 : memref<1x64x256xi32, #tpu.memory_space<vmem>> -> memref<64x256xi32, #tpu.memory_space<vmem>>
          %dma_wait3A_196 = arith.constant 0 : i32
          %dma_wait3A_197 = tpu.memref_slice %arg6[%mul3A_2, %dma_wait3A_196] : memref<71680x256xi32, #tpu.memory_space<hbm>> -> memref<64x256xi32, #tpu.memory_space<hbm>>
          %dma_wait3A_198 = tpu.memref_slice %arg14[%rem3A_161] : memref<2x!tpu.dma_semaphore, #tpu.memory_space<semaphore_mem>> -> memref<1x!tpu.dma_semaphore, #tpu.memory_space<semaphore_mem>>
          %dma_wait3A_199 = tpu.memref_squeeze %dma_wait3A_198 : memref<1x!tpu.dma_semaphore, #tpu.memory_space<semaphore_mem>> -> memref<!tpu.dma_semaphore, #tpu.memory_space<semaphore_mem>>
          %dma_wait3A_200 = arith.constant 0 : i32
          %dma_wait3A_201 = tpu.memref_slice %arg6[%mul3A_2, %dma_wait3A_200] : memref<71680x256xi32, #tpu.memory_space<hbm>> -> memref<64x256xi32, #tpu.memory_space<hbm>>
          %dma_wait3A_202 = arith.constant 0 : i32
          %dma_wait3A_203 = arith.constant 0 : i32
          %dma_wait3A_204 = tpu.memref_slice %arg10[%rem3A_161, %dma_wait3A_202, %dma_wait3A_203] : memref<2x64x256xi32, #tpu.memory_space<vmem>> -> memref<1x64x256xi32, #tpu.memory_space<vmem>>
          %dma_wait3A_205 = tpu.memref_squeeze %dma_wait3A_204 : memref<1x64x256xi32, #tpu.memory_space<vmem>> -> memref<64x256xi32, #tpu.memory_space<vmem>>
          tpu.wait_dma2 semaphore(%dma_wait3A_199 : memref<!tpu.dma_semaphore, #tpu.memory_space<semaphore_mem>>) src(%dma_wait3A_205 : memref<64x256xi32, #tpu.memory_space<vmem>>) dst(%dma_wait3A_201 : memref<64x256xi32, #tpu.memory_space<hbm>>)
          %dma_wait3A_206 = arith.constant 0 : i32
          %dma_wait3A_207 = arith.constant 0 : i32
          %dma_wait3A_208 = tpu.memref_slice %arg11[%rem3A_161, %dma_wait3A_206, %dma_wait3A_207] : memref<2x64x256xi32, #tpu.memory_space<vmem>> -> memref<1x64x256xi32, #tpu.memory_space<vmem>>
          %dma_wait3A_209 = tpu.memref_squeeze %dma_wait3A_208 : memref<1x64x256xi32, #tpu.memory_space<vmem>> -> memref<64x256xi32, #tpu.memory_space<vmem>>
          %dma_wait3A_210 = arith.constant 0 : i32
          %dma_wait3A_211 = tpu.memref_slice %arg7[%mul3A_2, %dma_wait3A_210] : memref<71680x256xi32, #tpu.memory_space<hbm>> -> memref<64x256xi32, #tpu.memory_space<hbm>>
          %dma_wait3A_212 = tpu.memref_slice %arg15[%rem3A_161] : memref<2x!tpu.dma_semaphore, #tpu.memory_space<semaphore_mem>> -> memref<1x!tpu.dma_semaphore, #tpu.memory_space<semaphore_mem>>
          %dma_wait3A_213 = tpu.memref_squeeze %dma_wait3A_212 : memref<1x!tpu.dma_semaphore, #tpu.memory_space<semaphore_mem>> -> memref<!tpu.dma_semaphore, #tpu.memory_space<semaphore_mem>>
          %dma_wait3A_214 = arith.constant 0 : i32
          %dma_wait3A_215 = tpu.memref_slice %arg7[%mul3A_2, %dma_wait3A_214] : memref<71680x256xi32, #tpu.memory_space<hbm>> -> memref<64x256xi32, #tpu.memory_space<hbm>>
          %dma_wait3A_216 = arith.constant 0 : i32
          %dma_wait3A_217 = arith.constant 0 : i32
          %dma_wait3A_218 = tpu.memref_slice %arg11[%rem3A_161, %dma_wait3A_216, %dma_wait3A_217] : memref<2x64x256xi32, #tpu.memory_space<vmem>> -> memref<1x64x256xi32, #tpu.memory_space<vmem>>
          %dma_wait3A_219 = tpu.memref_squeeze %dma_wait3A_218 : memref<1x64x256xi32, #tpu.memory_space<vmem>> -> memref<64x256xi32, #tpu.memory_space<vmem>>
          tpu.wait_dma2 semaphore(%dma_wait3A_213 : memref<!tpu.dma_semaphore, #tpu.memory_space<semaphore_mem>>) src(%dma_wait3A_219 : memref<64x256xi32, #tpu.memory_space<vmem>>) dst(%dma_wait3A_215 : memref<64x256xi32, #tpu.memory_space<hbm>>)
        } else {
        }
        %add3A_166 = arith.constant 2 : i32
        %add3A_167 = arith.addi %scan3A_96, %add3A_166 : i32
        %sub3A_168 = arith.constant 1 : i32
        %sub3A_169 = arith.subi %add3A_167, %sub3A_168 : i32
        %mul3A_170 = arith.constant 64 : i32
        %mul3A_171 = arith.muli %sub3A_169, %mul3A_170 : i32
        %dma_start3A_172 = arith.constant 0 : i32
        %dma_start3A_173 = arith.constant 0 : i32
        %dma_start3A_174 = tpu.memref_slice %arg10[%rem3A_161, %dma_start3A_172, %dma_start3A_173] : memref<2x64x256xi32, #tpu.memory_space<vmem>> -> memref<1x64x256xi32, #tpu.memory_space<vmem>>
        %dma_start3A_175 = tpu.memref_squeeze %dma_start3A_174 : memref<1x64x256xi32, #tpu.memory_space<vmem>> -> memref<64x256xi32, #tpu.memory_space<vmem>>
        %dma_start3A_176 = tpu.memref_slice %arg8[%mul3A_171] : memref<2240xi32, #tpu.memory_space<vmem>> -> memref<64xi32, #tpu.memory_space<vmem>>
        %dma_start3A_177 = arith.constant 0 : i32
        %dma_start3A_178 = arith.constant 0 : i32
        %dma_start3A_179 = tpu.memref_slice %arg2[%dma_start3A_177, %dma_start3A_178] : memref<10000x256xi32, #tpu.memory_space<hbm>> -> memref<10000x256xi32, #tpu.memory_space<hbm>>
        %dma_start3A_180 = tpu.memref_slice %arg12[%rem3A_161] : memref<2x!tpu.dma_semaphore, #tpu.memory_space<semaphore_mem>> -> memref<1x!tpu.dma_semaphore, #tpu.memory_space<semaphore_mem>>
        %dma_start3A_181 = tpu.memref_squeeze %dma_start3A_180 : memref<1x!tpu.dma_semaphore, #tpu.memory_space<semaphore_mem>> -> memref<!tpu.dma_semaphore, #tpu.memory_space<semaphore_mem>>
        tpu.enqueue_indirect_dma source(%dma_start3A_179 : memref<10000x256xi32, #tpu.memory_space<hbm>>) target(%dma_start3A_175 : memref<64x256xi32, #tpu.memory_space<vmem>>) offsets(%dma_start3A_176 : memref<64xi32, #tpu.memory_space<vmem>>) semaphore(%dma_start3A_181 : memref<!tpu.dma_semaphore, #tpu.memory_space<semaphore_mem>>)
        %dma_start3A_182 = arith.constant 0 : i32
        %dma_start3A_183 = arith.constant 0 : i32
        %dma_start3A_184 = tpu.memref_slice %arg11[%rem3A_161, %dma_start3A_182, %dma_start3A_183] : memref<2x64x256xi32, #tpu.memory_space<vmem>> -> memref<1x64x256xi32, #tpu.memory_space<vmem>>
        %dma_start3A_185 = tpu.memref_squeeze %dma_start3A_184 : memref<1x64x256xi32, #tpu.memory_space<vmem>> -> memref<64x256xi32, #tpu.memory_space<vmem>>
        %dma_start3A_186 = tpu.memref_slice %arg9[%mul3A_171] : memref<2240xi32, #tpu.memory_space<vmem>> -> memref<64xi32, #tpu.memory_space<vmem>>
        %dma_start3A_187 = arith.constant 0 : i32
        %dma_start3A_188 = arith.constant 0 : i32
        %dma_start3A_189 = tpu.memref_slice %arg3[%dma_start3A_187, %dma_start3A_188] : memref<10000x256xi32, #tpu.memory_space<hbm>> -> memref<10000x256xi32, #tpu.memory_space<hbm>>
        %dma_start3A_190 = tpu.memref_slice %arg13[%rem3A_161] : memref<2x!tpu.dma_semaphore, #tpu.memory_space<semaphore_mem>> -> memref<1x!tpu.dma_semaphore, #tpu.memory_space<semaphore_mem>>
        %dma_start3A_191 = tpu.memref_squeeze %dma_start3A_190 : memref<1x!tpu.dma_semaphore, #tpu.memory_space<semaphore_mem>> -> memref<!tpu.dma_semaphore, #tpu.memory_space<semaphore_mem>>
        tpu.enqueue_indirect_dma source(%dma_start3A_189 : memref<10000x256xi32, #tpu.memory_space<hbm>>) target(%dma_start3A_185 : memref<64x256xi32, #tpu.memory_space<vmem>>) offsets(%dma_start3A_186 : memref<64xi32, #tpu.memory_space<vmem>>) semaphore(%dma_start3A_191 : memref<!tpu.dma_semaphore, #tpu.memory_space<semaphore_mem>>)
      } else {
      }
      %dma_wait3A_103 = arith.constant 0 : i32
      %dma_wait3A_104 = arith.constant 0 : i32
      %dma_wait3A_105 = tpu.memref_slice %arg10[%rem3A_97, %dma_wait3A_103, %dma_wait3A_104] : memref<2x64x256xi32, #tpu.memory_space<vmem>> -> memref<1x64x256xi32, #tpu.memory_space<vmem>>
      %dma_wait3A_106 = tpu.memref_squeeze %dma_wait3A_105 : memref<1x64x256xi32, #tpu.memory_space<vmem>> -> memref<64x256xi32, #tpu.memory_space<vmem>>
      %dma_wait3A_107 = arith.constant 0 : i32
      %dma_wait3A_108 = tpu.memref_slice %arg8[%dma_wait3A_107] : memref<2240xi32, #tpu.memory_space<vmem>> -> memref<64xi32, #tpu.memory_space<vmem>>
      %dma_wait3A_109 = arith.constant 0 : i32
      %dma_wait3A_110 = arith.constant 0 : i32
      %dma_wait3A_111 = tpu.memref_slice %arg2[%dma_wait3A_109, %dma_wait3A_110] : memref<10000x256xi32, #tpu.memory_space<hbm>> -> memref<10000x256xi32, #tpu.memory_space<hbm>>
      %dma_wait3A_112 = tpu.memref_slice %arg12[%rem3A_97] : memref<2x!tpu.dma_semaphore, #tpu.memory_space<semaphore_mem>> -> memref<1x!tpu.dma_semaphore, #tpu.memory_space<semaphore_mem>>
      %dma_wait3A_113 = tpu.memref_squeeze %dma_wait3A_112 : memref<1x!tpu.dma_semaphore, #tpu.memory_space<semaphore_mem>> -> memref<!tpu.dma_semaphore, #tpu.memory_space<semaphore_mem>>
      tpu.wait_indirect_dma semaphore(%dma_wait3A_113 : memref<!tpu.dma_semaphore, #tpu.memory_space<semaphore_mem>>) src(%dma_wait3A_111 : memref<10000x256xi32, #tpu.memory_space<hbm>>) dst(%dma_wait3A_106 : memref<64x256xi32, #tpu.memory_space<vmem>>)
      %dma_wait3A_114 = arith.constant 0 : i32
      %dma_wait3A_115 = arith.constant 0 : i32
      %dma_wait3A_116 = tpu.memref_slice %arg11[%rem3A_97, %dma_wait3A_114, %dma_wait3A_115] : memref<2x64x256xi32, #tpu.memory_space<vmem>> -> memref<1x64x256xi32, #tpu.memory_space<vmem>>
      %dma_wait3A_117 = tpu.memref_squeeze %dma_wait3A_116 : memref<1x64x256xi32, #tpu.memory_space<vmem>> -> memref<64x256xi32, #tpu.memory_space<vmem>>
      %dma_wait3A_118 = arith.constant 0 : i32
      %dma_wait3A_119 = tpu.memref_slice %arg9[%dma_wait3A_118] : memref<2240xi32, #tpu.memory_space<vmem>> -> memref<64xi32, #tpu.memory_space<vmem>>
      %dma_wait3A_120 = arith.constant 0 : i32
      %dma_wait3A_121 = arith.constant 0 : i32
      %dma_wait3A_122 = tpu.memref_slice %arg3[%dma_wait3A_120, %dma_wait3A_121] : memref<10000x256xi32, #tpu.memory_space<hbm>> -> memref<10000x256xi32, #tpu.memory_space<hbm>>
      %dma_wait3A_123 = tpu.memref_slice %arg13[%rem3A_97] : memref<2x!tpu.dma_semaphore, #tpu.memory_space<semaphore_mem>> -> memref<1x!tpu.dma_semaphore, #tpu.memory_space<semaphore_mem>>
      %dma_wait3A_124 = tpu.memref_squeeze %dma_wait3A_123 : memref<1x!tpu.dma_semaphore, #tpu.memory_space<semaphore_mem>> -> memref<!tpu.dma_semaphore, #tpu.memory_space<semaphore_mem>>
      tpu.wait_indirect_dma semaphore(%dma_wait3A_124 : memref<!tpu.dma_semaphore, #tpu.memory_space<semaphore_mem>>) src(%dma_wait3A_122 : memref<10000x256xi32, #tpu.memory_space<hbm>>) dst(%dma_wait3A_117 : memref<64x256xi32, #tpu.memory_space<vmem>>)
      %mul3A_125 = arith.constant 64 : i32
      %mul3A_126 = arith.muli %scan3A_96, %mul3A_125 : i32
      %add3A_127 = arith.addi %mul3A_2, %mul3A_126 : i32
      %dma_start3A_128 = arith.constant 0 : i32
      %dma_start3A_129 = arith.constant 0 : i32
      %dma_start3A_130 = tpu.memref_slice %arg10[%rem3A_97, %dma_start3A_128, %dma_start3A_129] : memref<2x64x256xi32, #tpu.memory_space<vmem>> -> memref<1x64x256xi32, #tpu.memory_space<vmem>>
      %dma_start3A_131 = tpu.memref_squeeze %dma_start3A_130 : memref<1x64x256xi32, #tpu.memory_space<vmem>> -> memref<64x256xi32, #tpu.memory_space<vmem>>
      %dma_start3A_132 = arith.constant 0 : i32
      %dma_start3A_133 = tpu.memref_slice %arg6[%add3A_127, %dma_start3A_132] : memref<71680x256xi32, #tpu.memory_space<hbm>> -> memref<64x256xi32, #tpu.memory_space<hbm>>
      %dma_start3A_134 = tpu.memref_slice %arg14[%rem3A_97] : memref<2x!tpu.dma_semaphore, #tpu.memory_space<semaphore_mem>> -> memref<1x!tpu.dma_semaphore, #tpu.memory_space<semaphore_mem>>
      %dma_start3A_135 = tpu.memref_squeeze %dma_start3A_134 : memref<1x!tpu.dma_semaphore, #tpu.memory_space<semaphore_mem>> -> memref<!tpu.dma_semaphore, #tpu.memory_space<semaphore_mem>>
      %dma_start3A_136 = arith.constant 0 : i32
      %dma_start3A_137 = tpu.memref_slice %arg6[%add3A_127, %dma_start3A_136] : memref<71680x256xi32, #tpu.memory_space<hbm>> -> memref<64x256xi32, #tpu.memory_space<hbm>>
      %dma_start3A_138 = arith.constant 0 : i32
      %dma_start3A_139 = arith.constant 0 : i32
      %dma_start3A_140 = tpu.memref_slice %arg10[%rem3A_97, %dma_start3A_138, %dma_start3A_139] : memref<2x64x256xi32, #tpu.memory_space<vmem>> -> memref<1x64x256xi32, #tpu.memory_space<vmem>>
      %dma_start3A_141 = tpu.memref_squeeze %dma_start3A_140 : memref<1x64x256xi32, #tpu.memory_space<vmem>> -> memref<64x256xi32, #tpu.memory_space<vmem>>
      tpu.enqueue_dma source(%dma_start3A_141 : memref<64x256xi32, #tpu.memory_space<vmem>>) target(%dma_start3A_137 : memref<64x256xi32, #tpu.memory_space<hbm>>) target_semaphore(%dma_start3A_135 : memref<!tpu.dma_semaphore, #tpu.memory_space<semaphore_mem>>)
      %dma_start3A_142 = arith.constant 0 : i32
      %dma_start3A_143 = arith.constant 0 : i32
      %dma_start3A_144 = tpu.memref_slice %arg11[%rem3A_97, %dma_start3A_142, %dma_start3A_143] : memref<2x64x256xi32, #tpu.memory_space<vmem>> -> memref<1x64x256xi32, #tpu.memory_space<vmem>>
      %dma_start3A_145 = tpu.memref_squeeze %dma_start3A_144 : memref<1x64x256xi32, #tpu.memory_space<vmem>> -> memref<64x256xi32, #tpu.memory_space<vmem>>
      %dma_start3A_146 = arith.constant 0 : i32
      %dma_start3A_147 = tpu.memref_slice %arg7[%add3A_127, %dma_start3A_146] : memref<71680x256xi32, #tpu.memory_space<hbm>> -> memref<64x256xi32, #tpu.memory_space<hbm>>
      %dma_start3A_148 = tpu.memref_slice %arg15[%rem3A_97] : memref<2x!tpu.dma_semaphore, #tpu.memory_space<semaphore_mem>> -> memref<1x!tpu.dma_semaphore, #tpu.memory_space<semaphore_mem>>
      %dma_start3A_149 = tpu.memref_squeeze %dma_start3A_148 : memref<1x!tpu.dma_semaphore, #tpu.memory_space<semaphore_mem>> -> memref<!tpu.dma_semaphore, #tpu.memory_space<semaphore_mem>>
      %dma_start3A_150 = arith.constant 0 : i32
      %dma_start3A_151 = tpu.memref_slice %arg7[%add3A_127, %dma_start3A_150] : memref<71680x256xi32, #tpu.memory_space<hbm>> -> memref<64x256xi32, #tpu.memory_space<hbm>>
      %dma_start3A_152 = arith.constant 0 : i32
      %dma_start3A_153 = arith.constant 0 : i32
      %dma_start3A_154 = tpu.memref_slice %arg11[%rem3A_97, %dma_start3A_152, %dma_start3A_153] : memref<2x64x256xi32, #tpu.memory_space<vmem>> -> memref<1x64x256xi32, #tpu.memory_space<vmem>>
      %dma_start3A_155 = tpu.memref_squeeze %dma_start3A_154 : memref<1x64x256xi32, #tpu.memory_space<vmem>> -> memref<64x256xi32, #tpu.memory_space<vmem>>
      tpu.enqueue_dma source(%dma_start3A_155 : memref<64x256xi32, #tpu.memory_space<vmem>>) target(%dma_start3A_151 : memref<64x256xi32, #tpu.memory_space<hbm>>) target_semaphore(%dma_start3A_149 : memref<!tpu.dma_semaphore, #tpu.memory_space<semaphore_mem>>)
    }
    %scan3A_32 = arith.constant 35 : i32
    %dma_wait3A = arith.constant 0 : i32
    %dma_wait3A_33 = arith.constant 0 : i32
    %dma_wait3A_34 = arith.constant 0 : i32
    %dma_wait3A_35 = arith.constant 0 : i32
    %dma_wait3A_36 = tpu.memref_slice %arg10[%dma_wait3A, %dma_wait3A_34, %dma_wait3A_35] : memref<2x64x256xi32, #tpu.memory_space<vmem>> -> memref<1x64x256xi32, #tpu.memory_space<vmem>>
    %dma_wait3A_37 = tpu.memref_squeeze %dma_wait3A_36 : memref<1x64x256xi32, #tpu.memory_space<vmem>> -> memref<64x256xi32, #tpu.memory_space<vmem>>
    %dma_wait3A_38 = arith.constant 0 : i32
    %dma_wait3A_39 = tpu.memref_slice %arg6[%mul3A_2, %dma_wait3A_38] : memref<71680x256xi32, #tpu.memory_space<hbm>> -> memref<64x256xi32, #tpu.memory_space<hbm>>
    %dma_wait3A_40 = tpu.memref_slice %arg14[%dma_wait3A_33] : memref<2x!tpu.dma_semaphore, #tpu.memory_space<semaphore_mem>> -> memref<1x!tpu.dma_semaphore, #tpu.memory_space<semaphore_mem>>
    %dma_wait3A_41 = tpu.memref_squeeze %dma_wait3A_40 : memref<1x!tpu.dma_semaphore, #tpu.memory_space<semaphore_mem>> -> memref<!tpu.dma_semaphore, #tpu.memory_space<semaphore_mem>>
    %dma_wait3A_42 = arith.constant 0 : i32
    %dma_wait3A_43 = tpu.memref_slice %arg6[%mul3A_2, %dma_wait3A_42] : memref<71680x256xi32, #tpu.memory_space<hbm>> -> memref<64x256xi32, #tpu.memory_space<hbm>>
    %dma_wait3A_44 = arith.constant 0 : i32
    %dma_wait3A_45 = arith.constant 0 : i32
    %dma_wait3A_46 = tpu.memref_slice %arg10[%dma_wait3A, %dma_wait3A_44, %dma_wait3A_45] : memref<2x64x256xi32, #tpu.memory_space<vmem>> -> memref<1x64x256xi32, #tpu.memory_space<vmem>>
    %dma_wait3A_47 = tpu.memref_squeeze %dma_wait3A_46 : memref<1x64x256xi32, #tpu.memory_space<vmem>> -> memref<64x256xi32, #tpu.memory_space<vmem>>
    tpu.wait_dma2 semaphore(%dma_wait3A_41 : memref<!tpu.dma_semaphore, #tpu.memory_space<semaphore_mem>>) src(%dma_wait3A_47 : memref<64x256xi32, #tpu.memory_space<vmem>>) dst(%dma_wait3A_43 : memref<64x256xi32, #tpu.memory_space<hbm>>)
    %dma_wait3A_48 = arith.constant 0 : i32
    %dma_wait3A_49 = arith.constant 0 : i32
    %dma_wait3A_50 = arith.constant 0 : i32
    %dma_wait3A_51 = arith.constant 0 : i32
    %dma_wait3A_52 = tpu.memref_slice %arg11[%dma_wait3A_48, %dma_wait3A_50, %dma_wait3A_51] : memref<2x64x256xi32, #tpu.memory_space<vmem>> -> memref<1x64x256xi32, #tpu.memory_space<vmem>>
    %dma_wait3A_53 = tpu.memref_squeeze %dma_wait3A_52 : memref<1x64x256xi32, #tpu.memory_space<vmem>> -> memref<64x256xi32, #tpu.memory_space<vmem>>
    %dma_wait3A_54 = arith.constant 0 : i32
    %dma_wait3A_55 = tpu.memref_slice %arg7[%mul3A_2, %dma_wait3A_54] : memref<71680x256xi32, #tpu.memory_space<hbm>> -> memref<64x256xi32, #tpu.memory_space<hbm>>
    %dma_wait3A_56 = tpu.memref_slice %arg15[%dma_wait3A_49] : memref<2x!tpu.dma_semaphore, #tpu.memory_space<semaphore_mem>> -> memref<1x!tpu.dma_semaphore, #tpu.memory_space<semaphore_mem>>
    %dma_wait3A_57 = tpu.memref_squeeze %dma_wait3A_56 : memref<1x!tpu.dma_semaphore, #tpu.memory_space<semaphore_mem>> -> memref<!tpu.dma_semaphore, #tpu.memory_space<semaphore_mem>>
    %dma_wait3A_58 = arith.constant 0 : i32
    %dma_wait3A_59 = tpu.memref_slice %arg7[%mul3A_2, %dma_wait3A_58] : memref<71680x256xi32, #tpu.memory_space<hbm>> -> memref<64x256xi32, #tpu.memory_space<hbm>>
    %dma_wait3A_60 = arith.constant 0 : i32
    %dma_wait3A_61 = arith.constant 0 : i32
    %dma_wait3A_62 = tpu.memref_slice %arg11[%dma_wait3A_48, %dma_wait3A_60, %dma_wait3A_61] : memref<2x64x256xi32, #tpu.memory_space<vmem>> -> memref<1x64x256xi32, #tpu.memory_space<vmem>>
    %dma_wait3A_63 = tpu.memref_squeeze %dma_wait3A_62 : memref<1x64x256xi32, #tpu.memory_space<vmem>> -> memref<64x256xi32, #tpu.memory_space<vmem>>
    tpu.wait_dma2 semaphore(%dma_wait3A_57 : memref<!tpu.dma_semaphore, #tpu.memory_space<semaphore_mem>>) src(%dma_wait3A_63 : memref<64x256xi32, #tpu.memory_space<vmem>>) dst(%dma_wait3A_59 : memref<64x256xi32, #tpu.memory_space<hbm>>)
    %dma_wait3A_64 = arith.constant 1 : i32
    %dma_wait3A_65 = arith.constant 1 : i32
    %dma_wait3A_66 = arith.constant 0 : i32
    %dma_wait3A_67 = arith.constant 0 : i32
    %dma_wait3A_68 = tpu.memref_slice %arg10[%dma_wait3A_64, %dma_wait3A_66, %dma_wait3A_67] : memref<2x64x256xi32, #tpu.memory_space<vmem>> -> memref<1x64x256xi32, #tpu.memory_space<vmem>>
    %dma_wait3A_69 = tpu.memref_squeeze %dma_wait3A_68 : memref<1x64x256xi32, #tpu.memory_space<vmem>> -> memref<64x256xi32, #tpu.memory_space<vmem>>
    %dma_wait3A_70 = arith.constant 0 : i32
    %dma_wait3A_71 = tpu.memref_slice %arg6[%mul3A_2, %dma_wait3A_70] : memref<71680x256xi32, #tpu.memory_space<hbm>> -> memref<64x256xi32, #tpu.memory_space<hbm>>
    %dma_wait3A_72 = tpu.memref_slice %arg14[%dma_wait3A_65] : memref<2x!tpu.dma_semaphore, #tpu.memory_space<semaphore_mem>> -> memref<1x!tpu.dma_semaphore, #tpu.memory_space<semaphore_mem>>
    %dma_wait3A_73 = tpu.memref_squeeze %dma_wait3A_72 : memref<1x!tpu.dma_semaphore, #tpu.memory_space<semaphore_mem>> -> memref<!tpu.dma_semaphore, #tpu.memory_space<semaphore_mem>>
    %dma_wait3A_74 = arith.constant 0 : i32
    %dma_wait3A_75 = tpu.memref_slice %arg6[%mul3A_2, %dma_wait3A_74] : memref<71680x256xi32, #tpu.memory_space<hbm>> -> memref<64x256xi32, #tpu.memory_space<hbm>>
    %dma_wait3A_76 = arith.constant 0 : i32
    %dma_wait3A_77 = arith.constant 0 : i32
    %dma_wait3A_78 = tpu.memref_slice %arg10[%dma_wait3A_64, %dma_wait3A_76, %dma_wait3A_77] : memref<2x64x256xi32, #tpu.memory_space<vmem>> -> memref<1x64x256xi32, #tpu.memory_space<vmem>>
    %dma_wait3A_79 = tpu.memref_squeeze %dma_wait3A_78 : memref<1x64x256xi32, #tpu.memory_space<vmem>> -> memref<64x256xi32, #tpu.memory_space<vmem>>
    tpu.wait_dma2 semaphore(%dma_wait3A_73 : memref<!tpu.dma_semaphore, #tpu.memory_space<semaphore_mem>>) src(%dma_wait3A_79 : memref<64x256xi32, #tpu.memory_space<vmem>>) dst(%dma_wait3A_75 : memref<64x256xi32, #tpu.memory_space<hbm>>)
    %dma_wait3A_80 = arith.constant 1 : i32
    %dma_wait3A_81 = arith.constant 1 : i32
    %dma_wait3A_82 = arith.constant 0 : i32
    %dma_wait3A_83 = arith.constant 0 : i32
    %dma_wait3A_84 = tpu.memref_slice %arg11[%dma_wait3A_80, %dma_wait3A_82, %dma_wait3A_83] : memref<2x64x256xi32, #tpu.memory_space<vmem>> -> memref<1x64x256xi32, #tpu.memory_space<vmem>>
    %dma_wait3A_85 = tpu.memref_squeeze %dma_wait3A_84 : memref<1x64x256xi32, #tpu.memory_space<vmem>> -> memref<64x256xi32, #tpu.memory_space<vmem>>
    %dma_wait3A_86 = arith.constant 0 : i32
    %dma_wait3A_87 = tpu.memref_slice %arg7[%mul3A_2, %dma_wait3A_86] : memref<71680x256xi32, #tpu.memory_space<hbm>> -> memref<64x256xi32, #tpu.memory_space<hbm>>
    %dma_wait3A_88 = tpu.memref_slice %arg15[%dma_wait3A_81] : memref<2x!tpu.dma_semaphore, #tpu.memory_space<semaphore_mem>> -> memref<1x!tpu.dma_semaphore, #tpu.memory_space<semaphore_mem>>
    %dma_wait3A_89 = tpu.memref_squeeze %dma_wait3A_88 : memref<1x!tpu.dma_semaphore, #tpu.memory_space<semaphore_mem>> -> memref<!tpu.dma_semaphore, #tpu.memory_space<semaphore_mem>>
    %dma_wait3A_90 = arith.constant 0 : i32
    %dma_wait3A_91 = tpu.memref_slice %arg7[%mul3A_2, %dma_wait3A_90] : memref<71680x256xi32, #tpu.memory_space<hbm>> -> memref<64x256xi32, #tpu.memory_space<hbm>>
    %dma_wait3A_92 = arith.constant 0 : i32
    %dma_wait3A_93 = arith.constant 0 : i32
    %dma_wait3A_94 = tpu.memref_slice %arg11[%dma_wait3A_80, %dma_wait3A_92, %dma_wait3A_93] : memref<2x64x256xi32, #tpu.memory_space<vmem>> -> memref<1x64x256xi32, #tpu.memory_space<vmem>>
    %dma_wait3A_95 = tpu.memref_squeeze %dma_wait3A_94 : memref<1x64x256xi32, #tpu.memory_space<vmem>> -> memref<64x256xi32, #tpu.memory_space<vmem>>
    tpu.wait_dma2 semaphore(%dma_wait3A_89 : memref<!tpu.dma_semaphore, #tpu.memory_space<semaphore_mem>>) src(%dma_wait3A_95 : memref<64x256xi32, #tpu.memory_space<vmem>>) dst(%dma_wait3A_91 : memref<64x256xi32, #tpu.memory_space<hbm>>)
    return
  }
}

module attributes {stable_mosaic.version = 14 : i64} {
  func.func @body(%arg0: i32, %arg1: memref<2000x256xf32, #tpu.memory_space<vmem>>, %arg2: memref<256x1024xf32, #tpu.memory_space<vmem>>, %arg3: memref<2000x256xi32, #tpu.memory_space<vmem>>, %arg4: memref<2000x256xi32, #tpu.memory_space<vmem>>) attributes {dimension_semantics = [#tpu.dimension_semantics<arbitrary>], iteration_bounds = array<i64: 5>, scalar_prefetch = 0 : i64, scratch_operands = 0 : i64, tpu.core_type = #tpu.core_type<tc>, window_params = [{transform_indices = @transform_0, window_bounds = array<i64: 2000, 256>}, {pipeline_mode = #tpu.pipeline_mode<synchronous>, transform_indices = @transform_1, window_bounds = array<i64: 256, 1024>}, {transform_indices = @transform_2, window_bounds = array<i64: 2000, 256>}, {transform_indices = @transform_3, window_bounds = array<i64: 2000, 256>}]} {
    %get3A = arith.constant 0 : index
    %get3A_0 = arith.constant 0 : index
    %get3A_1 = vector.load %arg1[%get3A, %get3A_0] : memref<2000x256xf32, #tpu.memory_space<vmem>>, vector<2000x256xf32>
    %jit3A = arith.constant -1.000000e+01 : f32
    %jit3A_2 = arith.constant 1.000000e+01 : f32
    %max3A = vector.broadcast %jit3A : f32 to vector<2000x256xf32>
    %max3A_3 = arith.maximumf %max3A, %get3A_1 : vector<2000x256xf32>
    %min3A = vector.broadcast %jit3A_2 : f32 to vector<2000x256xf32>
    %min3A_4 = arith.minimumf %min3A, %max3A_3 : vector<2000x256xf32>
    %convert_element_type3A = arith.truncf %min3A_4 : vector<2000x256xf32> to vector<2000x256xbf16>
    %get3A_5 = arith.constant 0 : index
    %get3A_6 = arith.constant 0 : index
    %get3A_7 = vector.load %arg2[%get3A_5, %get3A_6] : memref<256x1024xf32, #tpu.memory_space<vmem>>, vector<256x1024xf32>
    %convert_element_type3A_8 = arith.truncf %get3A_7 : vector<256x1024xf32> to vector<256x1024xbf16>
    %dot_general3A = arith.constant dense<0.000000e+00> : vector<2000x1024xf32>
    %dot_general3A_9 = tpu.matmul %convert_element_type3A, %convert_element_type3A_8, %dot_general3A {dimension_numbers = #tpu.dot_dimension_numbers<[1], [0], [0], [1], [0, 0, 1, 1], [], []>, transpose_lhs_hint = false} : vector<2000x256xbf16>, vector<256x1024xbf16>, vector<2000x1024xf32> -> vector<2000x1024xf32>
    %slice3A = vector.extract_strided_slice %dot_general3A_9 {offsets = [0, 0], sizes = [2000, 512], strides = [1, 1]} : vector<2000x1024xf32> to vector<2000x512xf32>
    %bitcast_convert_type3A = tpu.bitcast %slice3A : vector<2000x512xf32> -> vector<2000x512xi32>
    %add3A = arith.constant 32767 : i32
    %add3A_10 = vector.broadcast %add3A : i32 to vector<2000x512xi32>
    %add3A_11 = arith.addi %bitcast_convert_type3A, %add3A_10 : vector<2000x512xi32>
    %shift_right_logical3A = arith.constant 16 : i32
    %shift_right_logical3A_12 = vector.broadcast %shift_right_logical3A : i32 to vector<2000x512xi32>
    %shift_right_logical3A_13 = arith.shrui %bitcast_convert_type3A, %shift_right_logical3A_12 : vector<2000x512xi32>
    %and3A = arith.constant 1 : i32
    %and3A_14 = vector.broadcast %and3A : i32 to vector<2000x512xi32>
    %and3A_15 = arith.andi %shift_right_logical3A_13, %and3A_14 : vector<2000x512xi32>
    %add3A_16 = arith.addi %add3A_11, %and3A_15 : vector<2000x512xi32>
    %shift_right_logical3A_17 = arith.constant 16 : i32
    %shift_right_logical3A_18 = vector.broadcast %shift_right_logical3A_17 : i32 to vector<2000x512xi32>
    %shift_right_logical3A_19 = arith.shrui %add3A_16, %shift_right_logical3A_18 : vector<2000x512xi32>
    %slice3A_20 = vector.extract_strided_slice %shift_right_logical3A_19 {offsets = [0, 0], sizes = [2000, 256], strides = [1, 1]} : vector<2000x512xi32> to vector<2000x256xi32>
    %shift_left3A = arith.constant 16 : i32
    %shift_left3A_21 = vector.broadcast %shift_left3A : i32 to vector<2000x256xi32>
    %shift_left3A_22 = arith.shli %slice3A_20, %shift_left3A_21 : vector<2000x256xi32>
    %slice3A_23 = vector.extract_strided_slice %shift_right_logical3A_19 {offsets = [0, 256], sizes = [2000, 256], strides = [1, 1]} : vector<2000x512xi32> to vector<2000x256xi32>
    %or3A = arith.ori %shift_left3A_22, %slice3A_23 : vector<2000x256xi32>
    %bitcast_convert_type3A_24 = tpu.bitcast %or3A : vector<2000x256xi32> -> vector<2000x256xi32>
    %swap3A = arith.constant 0 : index
    %swap3A_25 = arith.constant 0 : index
    %swap3A_26 = vector.load %arg3[%swap3A, %swap3A_25] : memref<2000x256xi32, #tpu.memory_space<vmem>>, vector<2000x256xi32>
    tpu.vector_store %arg3[%swap3A, %swap3A_25], %bitcast_convert_type3A_24 {strides = array<i32>} : memref<2000x256xi32, #tpu.memory_space<vmem>>, vector<2000x256xi32>,
    %slice3A_27 = vector.extract_strided_slice %dot_general3A_9 {offsets = [0, 512], sizes = [2000, 512], strides = [1, 1]} : vector<2000x1024xf32> to vector<2000x512xf32>
    %bitcast_convert_type3A_28 = tpu.bitcast %slice3A_27 : vector<2000x512xf32> -> vector<2000x512xi32>
    %add3A_29 = arith.constant 32767 : i32
    %add3A_30 = vector.broadcast %add3A_29 : i32 to vector<2000x512xi32>
    %add3A_31 = arith.addi %bitcast_convert_type3A_28, %add3A_30 : vector<2000x512xi32>
    %shift_right_logical3A_32 = arith.constant 16 : i32
    %shift_right_logical3A_33 = vector.broadcast %shift_right_logical3A_32 : i32 to vector<2000x512xi32>
    %shift_right_logical3A_34 = arith.shrui %bitcast_convert_type3A_28, %shift_right_logical3A_33 : vector<2000x512xi32>
    %and3A_35 = arith.constant 1 : i32
    %and3A_36 = vector.broadcast %and3A_35 : i32 to vector<2000x512xi32>
    %and3A_37 = arith.andi %shift_right_logical3A_34, %and3A_36 : vector<2000x512xi32>
    %add3A_38 = arith.addi %add3A_31, %and3A_37 : vector<2000x512xi32>
    %shift_right_logical3A_39 = arith.constant 16 : i32
    %shift_right_logical3A_40 = vector.broadcast %shift_right_logical3A_39 : i32 to vector<2000x512xi32>
    %shift_right_logical3A_41 = arith.shrui %add3A_38, %shift_right_logical3A_40 : vector<2000x512xi32>
    %slice3A_42 = vector.extract_strided_slice %shift_right_logical3A_41 {offsets = [0, 0], sizes = [2000, 256], strides = [1, 1]} : vector<2000x512xi32> to vector<2000x256xi32>
    %shift_left3A_43 = arith.constant 16 : i32
    %shift_left3A_44 = vector.broadcast %shift_left3A_43 : i32 to vector<2000x256xi32>
    %shift_left3A_45 = arith.shli %slice3A_42, %shift_left3A_44 : vector<2000x256xi32>
    %slice3A_46 = vector.extract_strided_slice %shift_right_logical3A_41 {offsets = [0, 256], sizes = [2000, 256], strides = [1, 1]} : vector<2000x512xi32> to vector<2000x256xi32>
    %or3A_47 = arith.ori %shift_left3A_45, %slice3A_46 : vector<2000x256xi32>
    %bitcast_convert_type3A_48 = tpu.bitcast %or3A_47 : vector<2000x256xi32> -> vector<2000x256xi32>
    %swap3A_49 = arith.constant 0 : index
    %swap3A_50 = arith.constant 0 : index
    %swap3A_51 = vector.load %arg4[%swap3A_49, %swap3A_50] : memref<2000x256xi32, #tpu.memory_space<vmem>>, vector<2000x256xi32>
    tpu.vector_store %arg4[%swap3A_49, %swap3A_50], %bitcast_convert_type3A_48 {strides = array<i32>} : memref<2000x256xi32, #tpu.memory_space<vmem>>, vector<2000x256xi32>,
    return
  }
  func.func @transform_0(%arg0: i32) -> (i32, i32) {
    %c0_i32 = arith.constant 0 : i32
    %c0_i32_0 = arith.constant 0 : i32
    return %arg0, %c0_i32 : i32, i32
  }
  func.func @transform_1(%arg0: i32) -> (i32, i32) {
    %c0_i32 = arith.constant 0 : i32
    %c0_i32_0 = arith.constant 0 : i32
    %c0_i32_1 = arith.constant 0 : i32
    return %c0_i32, %c0_i32_0 : i32, i32
  }
  func.func @transform_2(%arg0: i32) -> (i32, i32) {
    %c0_i32 = arith.constant 0 : i32
    %c0_i32_0 = arith.constant 0 : i32
    return %arg0, %c0_i32 : i32, i32
  }
  func.func @transform_3(%arg0: i32) -> (i32, i32) {
    %c0_i32 = arith.constant 0 : i32
    %c0_i32_0 = arith.constant 0 : i32
    return %arg0, %c0_i32 : i32, i32
  }
}

module attributes {stable_mosaic.version = 14 : i64} {
  func.func @body(%arg0: i32, %arg1: memref<640x256xi32, #tpu.memory_space<vmem>>, %arg2: memref<640x256xi32, #tpu.memory_space<vmem>>, %arg3: memref<256xf32, #tpu.memory_space<vmem>>, %arg4: memref<256xf32, #tpu.memory_space<vmem>>, %arg5: memref<256xf32, #tpu.memory_space<vmem>>, %arg6: memref<256x128xf32, #tpu.memory_space<vmem>>, %arg7: memref<128xf32, #tpu.memory_space<vmem>>, %arg8: memref<128xf32, #tpu.memory_space<vmem>>, %arg9: memref<128xf32, #tpu.memory_space<vmem>>, %arg10: memref<128xf32, #tpu.memory_space<vmem>>, %arg11: memref<1xf32, #tpu.memory_space<vmem>>, %arg12: memref<128xf32, #tpu.memory_space<vmem>>, %arg13: memref<128xf32, #tpu.memory_space<vmem>>, %arg14: memref<128xf32, #tpu.memory_space<vmem>>, %arg15: memref<128x64xf32, #tpu.memory_space<vmem>>, %arg16: memref<64xf32, #tpu.memory_space<vmem>>, %arg17: memref<64xf32, #tpu.memory_space<vmem>>, %arg18: memref<64xf32, #tpu.memory_space<vmem>>, %arg19: memref<64x4xf32, #tpu.memory_space<vmem>>, %arg20: memref<4xf32, #tpu.memory_space<vmem>>, %arg21: memref<1x1x640xf32, #tpu.memory_space<vmem>>, %arg22: memref<1x4x640xf32, #tpu.memory_space<vmem>>) attributes {dimension_semantics = [#tpu.dimension_semantics<arbitrary>], iteration_bounds = array<i64: 138>, scalar_prefetch = 0 : i64, scratch_operands = 0 : i64, tpu.core_type = #tpu.core_type<tc>, window_params = [{transform_indices = @transform_0, window_bounds = array<i64: 640, 256>}, {transform_indices = @transform_1, window_bounds = array<i64: 640, 256>}, {pipeline_mode = #tpu.pipeline_mode<synchronous>, transform_indices = @transform_2, window_bounds = array<i64: 256>}, {pipeline_mode = #tpu.pipeline_mode<synchronous>, transform_indices = @transform_3, window_bounds = array<i64: 256>}, {pipeline_mode = #tpu.pipeline_mode<synchronous>, transform_indices = @transform_4, window_bounds = array<i64: 256>}, {pipeline_mode = #tpu.pipeline_mode<synchronous>, transform_indices = @transform_5, window_bounds = array<i64: 256, 128>}, {pipeline_mode = #tpu.pipeline_mode<synchronous>, transform_indices = @transform_6, window_bounds = array<i64: 128>}, {pipeline_mode = #tpu.pipeline_mode<synchronous>, transform_indices = @transform_7, window_bounds = array<i64: 128>}, {pipeline_mode = #tpu.pipeline_mode<synchronous>, transform_indices = @transform_8, window_bounds = array<i64: 128>}, {pipeline_mode = #tpu.pipeline_mode<synchronous>, transform_indices = @transform_9, window_bounds = array<i64: 128>}, {pipeline_mode = #tpu.pipeline_mode<synchronous>, transform_indices = @transform_10, window_bounds = array<i64: 1>}, {pipeline_mode = #tpu.pipeline_mode<synchronous>, transform_indices = @transform_11, window_bounds = array<i64: 128>}, {pipeline_mode = #tpu.pipeline_mode<synchronous>, transform_indices = @transform_12, window_bounds = array<i64: 128>}, {pipeline_mode = #tpu.pipeline_mode<synchronous>, transform_indices = @transform_13, window_bounds = array<i64: 128>}, {pipeline_mode = #tpu.pipeline_mode<synchronous>, transform_indices = @transform_14, window_bounds = array<i64: 128, 64>}, {pipeline_mode = #tpu.pipeline_mode<synchronous>, transform_indices = @transform_15, window_bounds = array<i64: 64>}, {pipeline_mode = #tpu.pipeline_mode<synchronous>, transform_indices = @transform_16, window_bounds = array<i64: 64>}, {pipeline_mode = #tpu.pipeline_mode<synchronous>, transform_indices = @transform_17, window_bounds = array<i64: 64>}, {pipeline_mode = #tpu.pipeline_mode<synchronous>, transform_indices = @transform_18, window_bounds = array<i64: 64, 4>}, {pipeline_mode = #tpu.pipeline_mode<synchronous>, transform_indices = @transform_19, window_bounds = array<i64: 4>}, {transform_indices = @transform_20, window_bounds = array<i64: 1, 1, 640>}, {transform_indices = @transform_21, window_bounds = array<i64: 1, 4, 640>}]} {
    %get3A = arith.constant 0 : index
    %get3A_0 = arith.constant 0 : index
    %get3A_1 = vector.load %arg1[%get3A, %get3A_0] : memref<640x256xi32, #tpu.memory_space<vmem>>, vector<640x256xi32>
    %bitcast_convert_type3A = tpu.bitcast %get3A_1 : vector<640x256xi32> -> vector<640x256xf32>
    %slice3A = vector.extract_strided_slice %get3A_1 {offsets = [0, 0], sizes = [640, 128], strides = [1, 1]} : vector<640x256xi32> to vector<640x128xi32>
    %bitcast_convert_type3A_2 = tpu.bitcast %slice3A : vector<640x128xi32> -> vector<640x128xi32>
    %shift_left3A = arith.constant 16 : i32
    %shift_left3A_3 = vector.broadcast %shift_left3A : i32 to vector<640x128xi32>
    %shift_left3A_4 = arith.shli %bitcast_convert_type3A_2, %shift_left3A_3 : vector<640x128xi32>
    %bitcast_convert_type3A_5 = tpu.bitcast %shift_left3A_4 : vector<640x128xi32> -> vector<640x128xf32>
    %get3A_6 = arith.constant 0 : index
    %get3A_7 = arith.constant 0 : index
    %get3A_8 = vector.load %arg2[%get3A_6, %get3A_7] : memref<640x256xi32, #tpu.memory_space<vmem>>, vector<640x256xi32>
    %bitcast_convert_type3A_9 = tpu.bitcast %get3A_8 : vector<640x256xi32> -> vector<640x256xf32>
    %slice3A_10 = vector.extract_strided_slice %get3A_8 {offsets = [0, 0], sizes = [640, 128], strides = [1, 1]} : vector<640x256xi32> to vector<640x128xi32>
    %bitcast_convert_type3A_11 = tpu.bitcast %slice3A_10 : vector<640x128xi32> -> vector<640x128xi32>
    %shift_left3A_12 = arith.constant 16 : i32
    %shift_left3A_13 = vector.broadcast %shift_left3A_12 : i32 to vector<640x128xi32>
    %shift_left3A_14 = arith.shli %bitcast_convert_type3A_11, %shift_left3A_13 : vector<640x128xi32>
    %bitcast_convert_type3A_15 = tpu.bitcast %shift_left3A_14 : vector<640x128xi32> -> vector<640x128xf32>
    %add3A = arith.addf %bitcast_convert_type3A, %bitcast_convert_type3A_9 : vector<640x256xf32>
    %get3A_16 = arith.constant 0 : index
    %get3A_17 = vector.load %arg3[%get3A_16] : memref<256xf32, #tpu.memory_space<vmem>>, vector<256xf32>
    %broadcast_in_dim3A = vector.shape_cast %get3A_17 : vector<256xf32> to vector<1x256xf32>
    %add3A_18 = vector.broadcast %broadcast_in_dim3A : vector<1x256xf32> to vector<640x256xf32>
    %add3A_19 = arith.addf %add3A, %add3A_18 : vector<640x256xf32>
    %add3A_20 = arith.addf %bitcast_convert_type3A_5, %bitcast_convert_type3A_15 : vector<640x128xf32>
    %get3A_21 = arith.constant 0 : index
    %get3A_22 = vector.load %arg12[%get3A_21] : memref<128xf32, #tpu.memory_space<vmem>>, vector<128xf32>
    %broadcast_in_dim3A_23 = vector.shape_cast %get3A_22 : vector<128xf32> to vector<1x128xf32>
    %add3A_24 = vector.broadcast %broadcast_in_dim3A_23 : vector<1x128xf32> to vector<640x128xf32>
    %add3A_25 = arith.addf %add3A_20, %add3A_24 : vector<640x128xf32>
    %get3A_26 = arith.constant 0 : index
    %get3A_27 = vector.load %arg4[%get3A_26] : memref<256xf32, #tpu.memory_space<vmem>>, vector<256xf32>
    %get3A_28 = arith.constant 0 : index
    %get3A_29 = vector.load %arg5[%get3A_28] : memref<256xf32, #tpu.memory_space<vmem>>, vector<256xf32>
    %reduce_sum3A = arith.constant dense<0.000000e+00> : vector<640xf32>
    %reduce_sum3A_30 = vector.multi_reduction <add>, %add3A_19, %reduce_sum3A [1] : vector<640x256xf32> to vector<640xf32>
    %broadcast_in_dim3A_31 = vector.shape_cast %reduce_sum3A_30 : vector<640xf32> to vector<640x1xf32>
    %div3A = arith.constant 2.560000e+02 : f32
    %div3A_32 = vector.broadcast %div3A : f32 to vector<640x1xf32>
    %div3A_33 = arith.divf %broadcast_in_dim3A_31, %div3A_32 : vector<640x1xf32>
    %sub3A = vector.broadcast %div3A_33 : vector<640x1xf32> to vector<640x256xf32>
    %sub3A_34 = arith.subf %add3A_19, %sub3A : vector<640x256xf32>
    %integer_pow3A = arith.mulf %sub3A_34, %sub3A_34 : vector<640x256xf32>
    %reduce_sum3A_35 = arith.constant dense<0.000000e+00> : vector<640xf32>
    %reduce_sum3A_36 = vector.multi_reduction <add>, %integer_pow3A, %reduce_sum3A_35 [1] : vector<640x256xf32> to vector<640xf32>
    %broadcast_in_dim3A_37 = vector.shape_cast %reduce_sum3A_36 : vector<640xf32> to vector<640x1xf32>
    %div3A_38 = arith.constant 2.560000e+02 : f32
    %div3A_39 = vector.broadcast %div3A_38 : f32 to vector<640x1xf32>
    %div3A_40 = arith.divf %broadcast_in_dim3A_37, %div3A_39 : vector<640x1xf32>
    %sub3A_41 = vector.broadcast %div3A_33 : vector<640x1xf32> to vector<640x256xf32>
    %sub3A_42 = arith.subf %add3A_19, %sub3A_41 : vector<640x256xf32>
    %add3A_43 = arith.constant 9.99999974E-6 : f32
    %add3A_44 = vector.broadcast %add3A_43 : f32 to vector<640x1xf32>
    %add3A_45 = arith.addf %div3A_40, %add3A_44 : vector<640x1xf32>
    %rsqrt3A = math.rsqrt %add3A_45 : vector<640x1xf32>
    %broadcast_in_dim3A_46 = vector.shape_cast %get3A_27 : vector<256xf32> to vector<1x256xf32>
    %mul3A = vector.broadcast %rsqrt3A : vector<640x1xf32> to vector<640x256xf32>
    %mul3A_47 = vector.broadcast %broadcast_in_dim3A_46 : vector<1x256xf32> to vector<640x256xf32>
    %mul3A_48 = arith.mulf %mul3A, %mul3A_47 : vector<640x256xf32>
    %mul3A_49 = arith.mulf %sub3A_42, %mul3A_48 : vector<640x256xf32>
    %broadcast_in_dim3A_50 = vector.shape_cast %get3A_29 : vector<256xf32> to vector<1x256xf32>
    %add3A_51 = vector.broadcast %broadcast_in_dim3A_50 : vector<1x256xf32> to vector<640x256xf32>
    %add3A_52 = arith.addf %mul3A_49, %add3A_51 : vector<640x256xf32>
    %max3A = arith.constant 0.000000e+00 : f32
    %max3A_53 = vector.broadcast %max3A : f32 to vector<640x256xf32>
    %max3A_54 = arith.maximumf %add3A_52, %max3A_53 : vector<640x256xf32>
    %convert_element_type3A = arith.truncf %max3A_54 : vector<640x256xf32> to vector<640x256xbf16>
    %get3A_55 = arith.constant 0 : index
    %get3A_56 = arith.constant 0 : index
    %get3A_57 = vector.load %arg6[%get3A_55, %get3A_56] : memref<256x128xf32, #tpu.memory_space<vmem>>, vector<256x128xf32>
    %convert_element_type3A_58 = arith.truncf %get3A_57 : vector<256x128xf32> to vector<256x128xbf16>
    %dot_general3A = arith.constant dense<0.000000e+00> : vector<640x128xf32>
    %dot_general3A_59 = tpu.matmul %convert_element_type3A, %convert_element_type3A_58, %dot_general3A {dimension_numbers = #tpu.dot_dimension_numbers<[1], [0], [0], [1], [0, 0, 1, 1], [], []>, transpose_lhs_hint = false} : vector<640x256xbf16>, vector<256x128xbf16>, vector<640x128xf32> -> vector<640x128xf32>
    %get3A_60 = arith.constant 0 : index
    %get3A_61 = vector.load %arg7[%get3A_60] : memref<128xf32, #tpu.memory_space<vmem>>, vector<128xf32>
    %broadcast_in_dim3A_62 = vector.shape_cast %get3A_61 : vector<128xf32> to vector<1x128xf32>
    %add3A_63 = vector.broadcast %broadcast_in_dim3A_62 : vector<1x128xf32> to vector<640x128xf32>
    %add3A_64 = arith.addf %dot_general3A_59, %add3A_63 : vector<640x128xf32>
    %get3A_65 = arith.constant 0 : index
    %get3A_66 = vector.load %arg8[%get3A_65] : memref<128xf32, #tpu.memory_space<vmem>>, vector<128xf32>
    %get3A_67 = arith.constant 0 : index
    %get3A_68 = vector.load %arg9[%get3A_67] : memref<128xf32, #tpu.memory_space<vmem>>, vector<128xf32>
    %reduce_sum3A_69 = arith.constant dense<0.000000e+00> : vector<640xf32>
    %reduce_sum3A_70 = vector.multi_reduction <add>, %add3A_64, %reduce_sum3A_69 [1] : vector<640x128xf32> to vector<640xf32>
    %broadcast_in_dim3A_71 = vector.shape_cast %reduce_sum3A_70 : vector<640xf32> to vector<640x1xf32>
    %div3A_72 = arith.constant 1.280000e+02 : f32
    %div3A_73 = vector.broadcast %div3A_72 : f32 to vector<640x1xf32>
    %div3A_74 = arith.divf %broadcast_in_dim3A_71, %div3A_73 : vector<640x1xf32>
    %sub3A_75 = vector.broadcast %div3A_74 : vector<640x1xf32> to vector<640x128xf32>
    %sub3A_76 = arith.subf %add3A_64, %sub3A_75 : vector<640x128xf32>
    %integer_pow3A_77 = arith.mulf %sub3A_76, %sub3A_76 : vector<640x128xf32>
    %reduce_sum3A_78 = arith.constant dense<0.000000e+00> : vector<640xf32>
    %reduce_sum3A_79 = vector.multi_reduction <add>, %integer_pow3A_77, %reduce_sum3A_78 [1] : vector<640x128xf32> to vector<640xf32>
    %broadcast_in_dim3A_80 = vector.shape_cast %reduce_sum3A_79 : vector<640xf32> to vector<640x1xf32>
    %div3A_81 = arith.constant 1.280000e+02 : f32
    %div3A_82 = vector.broadcast %div3A_81 : f32 to vector<640x1xf32>
    %div3A_83 = arith.divf %broadcast_in_dim3A_80, %div3A_82 : vector<640x1xf32>
    %sub3A_84 = vector.broadcast %div3A_74 : vector<640x1xf32> to vector<640x128xf32>
    %sub3A_85 = arith.subf %add3A_64, %sub3A_84 : vector<640x128xf32>
    %add3A_86 = arith.constant 9.99999974E-6 : f32
    %add3A_87 = vector.broadcast %add3A_86 : f32 to vector<640x1xf32>
    %add3A_88 = arith.addf %div3A_83, %add3A_87 : vector<640x1xf32>
    %rsqrt3A_89 = math.rsqrt %add3A_88 : vector<640x1xf32>
    %broadcast_in_dim3A_90 = vector.shape_cast %get3A_66 : vector<128xf32> to vector<1x128xf32>
    %mul3A_91 = vector.broadcast %rsqrt3A_89 : vector<640x1xf32> to vector<640x128xf32>
    %mul3A_92 = vector.broadcast %broadcast_in_dim3A_90 : vector<1x128xf32> to vector<640x128xf32>
    %mul3A_93 = arith.mulf %mul3A_91, %mul3A_92 : vector<640x128xf32>
    %mul3A_94 = arith.mulf %sub3A_85, %mul3A_93 : vector<640x128xf32>
    %broadcast_in_dim3A_95 = vector.shape_cast %get3A_68 : vector<128xf32> to vector<1x128xf32>
    %add3A_96 = vector.broadcast %broadcast_in_dim3A_95 : vector<1x128xf32> to vector<640x128xf32>
    %add3A_97 = arith.addf %mul3A_94, %add3A_96 : vector<640x128xf32>
    %max3A_98 = arith.constant 0.000000e+00 : f32
    %max3A_99 = vector.broadcast %max3A_98 : f32 to vector<640x128xf32>
    %max3A_100 = arith.maximumf %add3A_97, %max3A_99 : vector<640x128xf32>
    %get3A_101 = arith.constant 0 : index
    %get3A_102 = vector.load %arg10[%get3A_101] : memref<128xf32, #tpu.memory_space<vmem>>, vector<128xf32>
    %broadcast_in_dim3A_103 = vector.shape_cast %get3A_102 : vector<128xf32> to vector<1x128xf32>
    %mul3A_104 = vector.broadcast %broadcast_in_dim3A_103 : vector<1x128xf32> to vector<640x128xf32>
    %mul3A_105 = arith.mulf %max3A_100, %mul3A_104 : vector<640x128xf32>
    %reduce_sum3A_106 = arith.constant dense<0.000000e+00> : vector<640xf32>
    %reduce_sum3A_107 = vector.multi_reduction <add>, %mul3A_105, %reduce_sum3A_106 [1] : vector<640x128xf32> to vector<640xf32>
    %get3A_108 = arith.constant 0 : index
    %get3A_109 = vector.load %arg11[%get3A_108] : memref<1xf32, #tpu.memory_space<vmem>>, vector<1xf32>
    %get3A_110 = vector.extract %get3A_109[0] : f32 from vector<1xf32>
    %add3A_111 = vector.broadcast %get3A_110 : f32 to vector<640xf32>
    %add3A_112 = arith.addf %reduce_sum3A_107, %add3A_111 : vector<640xf32>
    %jit3A = arith.constant -2.000000e+01 : f32
    %jit3A_113 = arith.constant 2.000000e+01 : f32
    %max3A_114 = vector.broadcast %jit3A : f32 to vector<640xf32>
    %max3A_115 = arith.maximumf %max3A_114, %add3A_112 : vector<640xf32>
    %min3A = vector.broadcast %jit3A_113 : f32 to vector<640xf32>
    %min3A_116 = arith.minimumf %min3A, %max3A_115 : vector<640xf32>
    %swap3A = arith.constant 0 : index
    %swap3A_117 = arith.constant 0 : index
    %swap3A_118 = arith.constant 0 : index
    %swap3A_119 = vector.load %arg21[%swap3A, %swap3A_117, %swap3A_118] : memref<1x1x640xf32, #tpu.memory_space<vmem>>, vector<1x1x640xf32>
    %swap3A_120 = vector.shape_cast %swap3A_119 : vector<1x1x640xf32> to vector<640xf32>
    %swap3A_121 = vector.shape_cast %min3A_116 : vector<640xf32> to vector<1x1x640xf32>
    tpu.vector_store %arg21[%swap3A, %swap3A_117, %swap3A_118], %swap3A_121 {strides = array<i32>} : memref<1x1x640xf32, #tpu.memory_space<vmem>>, vector<1x1x640xf32>,
    %get3A_122 = arith.constant 0 : index
    %get3A_123 = vector.load %arg13[%get3A_122] : memref<128xf32, #tpu.memory_space<vmem>>, vector<128xf32>
    %get3A_124 = arith.constant 0 : index
    %get3A_125 = vector.load %arg14[%get3A_124] : memref<128xf32, #tpu.memory_space<vmem>>, vector<128xf32>
    %reduce_sum3A_126 = arith.constant dense<0.000000e+00> : vector<640xf32>
    %reduce_sum3A_127 = vector.multi_reduction <add>, %add3A_25, %reduce_sum3A_126 [1] : vector<640x128xf32> to vector<640xf32>
    %broadcast_in_dim3A_128 = vector.shape_cast %reduce_sum3A_127 : vector<640xf32> to vector<640x1xf32>
    %div3A_129 = arith.constant 1.280000e+02 : f32
    %div3A_130 = vector.broadcast %div3A_129 : f32 to vector<640x1xf32>
    %div3A_131 = arith.divf %broadcast_in_dim3A_128, %div3A_130 : vector<640x1xf32>
    %sub3A_132 = vector.broadcast %div3A_131 : vector<640x1xf32> to vector<640x128xf32>
    %sub3A_133 = arith.subf %add3A_25, %sub3A_132 : vector<640x128xf32>
    %integer_pow3A_134 = arith.mulf %sub3A_133, %sub3A_133 : vector<640x128xf32>
    %reduce_sum3A_135 = arith.constant dense<0.000000e+00> : vector<640xf32>
    %reduce_sum3A_136 = vector.multi_reduction <add>, %integer_pow3A_134, %reduce_sum3A_135 [1] : vector<640x128xf32> to vector<640xf32>
    %broadcast_in_dim3A_137 = vector.shape_cast %reduce_sum3A_136 : vector<640xf32> to vector<640x1xf32>
    %div3A_138 = arith.constant 1.280000e+02 : f32
    %div3A_139 = vector.broadcast %div3A_138 : f32 to vector<640x1xf32>
    %div3A_140 = arith.divf %broadcast_in_dim3A_137, %div3A_139 : vector<640x1xf32>
    %sub3A_141 = vector.broadcast %div3A_131 : vector<640x1xf32> to vector<640x128xf32>
    %sub3A_142 = arith.subf %add3A_25, %sub3A_141 : vector<640x128xf32>
    %add3A_143 = arith.constant 9.99999974E-6 : f32
    %add3A_144 = vector.broadcast %add3A_143 : f32 to vector<640x1xf32>
    %add3A_145 = arith.addf %div3A_140, %add3A_144 : vector<640x1xf32>
    %rsqrt3A_146 = math.rsqrt %add3A_145 : vector<640x1xf32>
    %broadcast_in_dim3A_147 = vector.shape_cast %get3A_123 : vector<128xf32> to vector<1x128xf32>
    %mul3A_148 = vector.broadcast %rsqrt3A_146 : vector<640x1xf32> to vector<640x128xf32>
    %mul3A_149 = vector.broadcast %broadcast_in_dim3A_147 : vector<1x128xf32> to vector<640x128xf32>
    %mul3A_150 = arith.mulf %mul3A_148, %mul3A_149 : vector<640x128xf32>
    %mul3A_151 = arith.mulf %sub3A_142, %mul3A_150 : vector<640x128xf32>
    %broadcast_in_dim3A_152 = vector.shape_cast %get3A_125 : vector<128xf32> to vector<1x128xf32>
    %add3A_153 = vector.broadcast %broadcast_in_dim3A_152 : vector<1x128xf32> to vector<640x128xf32>
    %add3A_154 = arith.addf %mul3A_151, %add3A_153 : vector<640x128xf32>
    %max3A_155 = arith.constant 0.000000e+00 : f32
    %max3A_156 = vector.broadcast %max3A_155 : f32 to vector<640x128xf32>
    %max3A_157 = arith.maximumf %add3A_154, %max3A_156 : vector<640x128xf32>
    %convert_element_type3A_158 = arith.truncf %max3A_157 : vector<640x128xf32> to vector<640x128xbf16>
    %get3A_159 = arith.constant 0 : index
    %get3A_160 = arith.constant 0 : index
    %get3A_161 = vector.load %arg15[%get3A_159, %get3A_160] : memref<128x64xf32, #tpu.memory_space<vmem>>, vector<128x64xf32>
    %convert_element_type3A_162 = arith.truncf %get3A_161 : vector<128x64xf32> to vector<128x64xbf16>
    %dot_general3A_163 = arith.constant dense<0.000000e+00> : vector<640x64xf32>
    %dot_general3A_164 = tpu.matmul %convert_element_type3A_158, %convert_element_type3A_162, %dot_general3A_163 {dimension_numbers = #tpu.dot_dimension_numbers<[1], [0], [0], [1], [0, 0, 1, 1], [], []>, transpose_lhs_hint = false} : vector<640x128xbf16>, vector<128x64xbf16>, vector<640x64xf32> -> vector<640x64xf32>
    %get3A_165 = arith.constant 0 : index
    %get3A_166 = vector.load %arg16[%get3A_165] : memref<64xf32, #tpu.memory_space<vmem>>, vector<64xf32>
    %broadcast_in_dim3A_167 = vector.shape_cast %get3A_166 : vector<64xf32> to vector<1x64xf32>
    %add3A_168 = vector.broadcast %broadcast_in_dim3A_167 : vector<1x64xf32> to vector<640x64xf32>
    %add3A_169 = arith.addf %dot_general3A_164, %add3A_168 : vector<640x64xf32>
    %get3A_170 = arith.constant 0 : index
    %get3A_171 = vector.load %arg17[%get3A_170] : memref<64xf32, #tpu.memory_space<vmem>>, vector<64xf32>
    %get3A_172 = arith.constant 0 : index
    %get3A_173 = vector.load %arg18[%get3A_172] : memref<64xf32, #tpu.memory_space<vmem>>, vector<64xf32>
    %reduce_sum3A_174 = arith.constant dense<0.000000e+00> : vector<640xf32>
    %reduce_sum3A_175 = vector.multi_reduction <add>, %add3A_169, %reduce_sum3A_174 [1] : vector<640x64xf32> to vector<640xf32>
    %broadcast_in_dim3A_176 = vector.shape_cast %reduce_sum3A_175 : vector<640xf32> to vector<640x1xf32>
    %div3A_177 = arith.constant 6.400000e+01 : f32
    %div3A_178 = vector.broadcast %div3A_177 : f32 to vector<640x1xf32>
    %div3A_179 = arith.divf %broadcast_in_dim3A_176, %div3A_178 : vector<640x1xf32>
    %sub3A_180 = vector.broadcast %div3A_179 : vector<640x1xf32> to vector<640x64xf32>
    %sub3A_181 = arith.subf %add3A_169, %sub3A_180 : vector<640x64xf32>
    %integer_pow3A_182 = arith.mulf %sub3A_181, %sub3A_181 : vector<640x64xf32>
    %reduce_sum3A_183 = arith.constant dense<0.000000e+00> : vector<640xf32>
    %reduce_sum3A_184 = vector.multi_reduction <add>, %integer_pow3A_182, %reduce_sum3A_183 [1] : vector<640x64xf32> to vector<640xf32>
    %broadcast_in_dim3A_185 = vector.shape_cast %reduce_sum3A_184 : vector<640xf32> to vector<640x1xf32>
    %div3A_186 = arith.constant 6.400000e+01 : f32
    %div3A_187 = vector.broadcast %div3A_186 : f32 to vector<640x1xf32>
    %div3A_188 = arith.divf %broadcast_in_dim3A_185, %div3A_187 : vector<640x1xf32>
    %sub3A_189 = vector.broadcast %div3A_179 : vector<640x1xf32> to vector<640x64xf32>
    %sub3A_190 = arith.subf %add3A_169, %sub3A_189 : vector<640x64xf32>
    %add3A_191 = arith.constant 9.99999974E-6 : f32
    %add3A_192 = vector.broadcast %add3A_191 : f32 to vector<640x1xf32>
    %add3A_193 = arith.addf %div3A_188, %add3A_192 : vector<640x1xf32>
    %rsqrt3A_194 = math.rsqrt %add3A_193 : vector<640x1xf32>
    %broadcast_in_dim3A_195 = vector.shape_cast %get3A_171 : vector<64xf32> to vector<1x64xf32>
    %mul3A_196 = vector.broadcast %rsqrt3A_194 : vector<640x1xf32> to vector<640x64xf32>
    %mul3A_197 = vector.broadcast %broadcast_in_dim3A_195 : vector<1x64xf32> to vector<640x64xf32>
    %mul3A_198 = arith.mulf %mul3A_196, %mul3A_197 : vector<640x64xf32>
    %mul3A_199 = arith.mulf %sub3A_190, %mul3A_198 : vector<640x64xf32>
    %broadcast_in_dim3A_200 = vector.shape_cast %get3A_173 : vector<64xf32> to vector<1x64xf32>
    %add3A_201 = vector.broadcast %broadcast_in_dim3A_200 : vector<1x64xf32> to vector<640x64xf32>
    %add3A_202 = arith.addf %mul3A_199, %add3A_201 : vector<640x64xf32>
    %max3A_203 = arith.constant 0.000000e+00 : f32
    %max3A_204 = vector.broadcast %max3A_203 : f32 to vector<640x64xf32>
    %max3A_205 = arith.maximumf %add3A_202, %max3A_204 : vector<640x64xf32>
    %convert_element_type3A_206 = arith.truncf %max3A_205 : vector<640x64xf32> to vector<640x64xbf16>
    %get3A_207 = arith.constant 0 : index
    %get3A_208 = arith.constant 0 : index
    %get3A_209 = vector.load %arg19[%get3A_207, %get3A_208] : memref<64x4xf32, #tpu.memory_space<vmem>>, vector<64x4xf32>
    %convert_element_type3A_210 = arith.truncf %get3A_209 : vector<64x4xf32> to vector<64x4xbf16>
    %dot_general3A_211 = arith.constant dense<0.000000e+00> : vector<640x4xf32>
    %dot_general3A_212 = tpu.matmul %convert_element_type3A_206, %convert_element_type3A_210, %dot_general3A_211 {dimension_numbers = #tpu.dot_dimension_numbers<[1], [0], [0], [1], [0, 0, 1, 1], [], []>, transpose_lhs_hint = false} : vector<640x64xbf16>, vector<64x4xbf16>, vector<640x4xf32> -> vector<640x4xf32>
    %get3A_213 = arith.constant 0 : index
    %get3A_214 = vector.load %arg20[%get3A_213] : memref<4xf32, #tpu.memory_space<vmem>>, vector<4xf32>
    %broadcast_in_dim3A_215 = vector.shape_cast %get3A_214 : vector<4xf32> to vector<1x4xf32>
    %add3A_216 = vector.broadcast %broadcast_in_dim3A_215 : vector<1x4xf32> to vector<640x4xf32>
    %add3A_217 = arith.addf %dot_general3A_212, %add3A_216 : vector<640x4xf32>
    %jit3A_218 = arith.constant -2.000000e+01 : f32
    %jit3A_219 = arith.constant 2.000000e+01 : f32
    %max3A_220 = vector.broadcast %jit3A_218 : f32 to vector<640x4xf32>
    %max3A_221 = arith.maximumf %max3A_220, %add3A_217 : vector<640x4xf32>
    %min3A_222 = vector.broadcast %jit3A_219 : f32 to vector<640x4xf32>
    %min3A_223 = arith.minimumf %min3A_222, %max3A_221 : vector<640x4xf32>
    %transpose3A = tpu.transpose %min3A_223, [1, 0] : vector<640x4xf32> -> vector<4x640xf32>
    %swap3A_224 = arith.constant 0 : index
    %swap3A_225 = arith.constant 0 : index
    %swap3A_226 = arith.constant 0 : index
    %swap3A_227 = vector.load %arg22[%swap3A_224, %swap3A_225, %swap3A_226] : memref<1x4x640xf32, #tpu.memory_space<vmem>>, vector<1x4x640xf32>
    %swap3A_228 = vector.shape_cast %swap3A_227 : vector<1x4x640xf32> to vector<4x640xf32>
    %swap3A_229 = vector.shape_cast %transpose3A : vector<4x640xf32> to vector<1x4x640xf32>
    tpu.vector_store %arg22[%swap3A_224, %swap3A_225, %swap3A_226], %swap3A_229 {strides = array<i32>} : memref<1x4x640xf32, #tpu.memory_space<vmem>>, vector<1x4x640xf32>,
    return
  }
  func.func @transform_0(%arg0: i32) -> (i32, i32) {
    %c0_i32 = arith.constant 0 : i32
    %c0_i32_0 = arith.constant 0 : i32
    return %arg0, %c0_i32 : i32, i32
  }
  func.func @transform_1(%arg0: i32) -> (i32, i32) {
    %c0_i32 = arith.constant 0 : i32
    %c0_i32_0 = arith.constant 0 : i32
    return %arg0, %c0_i32 : i32, i32
  }
  func.func @transform_2(%arg0: i32) -> i32 {
    %c0_i32 = arith.constant 0 : i32
    %c0_i32_0 = arith.constant 0 : i32
    return %c0_i32 : i32
  }
  func.func @transform_3(%arg0: i32) -> i32 {
    %c0_i32 = arith.constant 0 : i32
    %c0_i32_0 = arith.constant 0 : i32
    return %c0_i32 : i32
  }
  func.func @transform_4(%arg0: i32) -> i32 {
    %c0_i32 = arith.constant 0 : i32
    %c0_i32_0 = arith.constant 0 : i32
    return %c0_i32 : i32
  }
  func.func @transform_5(%arg0: i32) -> (i32, i32) {
    %c0_i32 = arith.constant 0 : i32
    %c0_i32_0 = arith.constant 0 : i32
    %c0_i32_1 = arith.constant 0 : i32
    return %c0_i32, %c0_i32_0 : i32, i32
  }
  func.func @transform_6(%arg0: i32) -> i32 {
    %c0_i32 = arith.constant 0 : i32
    %c0_i32_0 = arith.constant 0 : i32
    return %c0_i32 : i32
  }
  func.func @transform_7(%arg0: i32) -> i32 {
    %c0_i32 = arith.constant 0 : i32
    %c0_i32_0 = arith.constant 0 : i32
    return %c0_i32 : i32
  }
  func.func @transform_8(%arg0: i32) -> i32 {
    %c0_i32 = arith.constant 0 : i32
    %c0_i32_0 = arith.constant 0 : i32
    return %c0_i32 : i32
  }
  func.func @transform_9(%arg0: i32) -> i32 {
    %c0_i32 = arith.constant 0 : i32
    %c0_i32_0 = arith.constant 0 : i32
    return %c0_i32 : i32
  }
  func.func @transform_10(%arg0: i32) -> i32 {
    %c0_i32 = arith.constant 0 : i32
    %c0_i32_0 = arith.constant 0 : i32
    return %c0_i32 : i32
  }
  func.func @transform_11(%arg0: i32) -> i32 {
    %c0_i32 = arith.constant 0 : i32
    %c0_i32_0 = arith.constant 0 : i32
    return %c0_i32 : i32
  }
  func.func @transform_12(%arg0: i32) -> i32 {
    %c0_i32 = arith.constant 0 : i32
    %c0_i32_0 = arith.constant 0 : i32
    return %c0_i32 : i32
  }
  func.func @transform_13(%arg0: i32) -> i32 {
    %c0_i32 = arith.constant 0 : i32
    %c0_i32_0 = arith.constant 0 : i32
    return %c0_i32 : i32
  }
  func.func @transform_14(%arg0: i32) -> (i32, i32) {
    %c0_i32 = arith.constant 0 : i32
    %c0_i32_0 = arith.constant 0 : i32
    %c0_i32_1 = arith.constant 0 : i32
    return %c0_i32, %c0_i32_0 : i32, i32
  }
  func.func @transform_15(%arg0: i32) -> i32 {
    %c0_i32 = arith.constant 0 : i32
    %c0_i32_0 = arith.constant 0 : i32
    return %c0_i32 : i32
  }
  func.func @transform_16(%arg0: i32) -> i32 {
    %c0_i32 = arith.constant 0 : i32
    %c0_i32_0 = arith.constant 0 : i32
    return %c0_i32 : i32
  }
  func.func @transform_17(%arg0: i32) -> i32 {
    %c0_i32 = arith.constant 0 : i32
    %c0_i32_0 = arith.constant 0 : i32
    return %c0_i32 : i32
  }
  func.func @transform_18(%arg0: i32) -> (i32, i32) {
    %c0_i32 = arith.constant 0 : i32
    %c0_i32_0 = arith.constant 0 : i32
    %c0_i32_1 = arith.constant 0 : i32
    return %c0_i32, %c0_i32_0 : i32, i32
  }
  func.func @transform_19(%arg0: i32) -> i32 {
    %c0_i32 = arith.constant 0 : i32
    %c0_i32_0 = arith.constant 0 : i32
    return %c0_i32 : i32
  }
  func.func @transform_20(%arg0: i32) -> (i32, i32, i32) {
    %c0_i32 = arith.constant 0 : i32
    %c0_i32_0 = arith.constant 0 : i32
    %c0_i32_1 = arith.constant 0 : i32
    return %arg0, %c0_i32, %c0_i32_0 : i32, i32, i32
  }
  func.func @transform_21(%arg0: i32) -> (i32, i32, i32) {
    %c0_i32 = arith.constant 0 : i32
    %c0_i32_0 = arith.constant 0 : i32
    %c0_i32_1 = arith.constant 0 : i32
    return %arg0, %c0_i32, %c0_i32_0 : i32, i32, i32
  }
}

module attributes {stable_mosaic.version = 14 : i64} {
  func.func @body(%arg0: i32, %arg1: memref<640x256xi32, #tpu.memory_space<vmem>>, %arg2: memref<640x256xi32, #tpu.memory_space<vmem>>, %arg3: memref<256xf32, #tpu.memory_space<vmem>>, %arg4: memref<256xf32, #tpu.memory_space<vmem>>, %arg5: memref<256xf32, #tpu.memory_space<vmem>>, %arg6: memref<256x128xf32, #tpu.memory_space<vmem>>, %arg7: memref<128xf32, #tpu.memory_space<vmem>>, %arg8: memref<128xf32, #tpu.memory_space<vmem>>, %arg9: memref<128xf32, #tpu.memory_space<vmem>>, %arg10: memref<128xf32, #tpu.memory_space<vmem>>, %arg11: memref<1xf32, #tpu.memory_space<vmem>>, %arg12: memref<128xf32, #tpu.memory_space<vmem>>, %arg13: memref<128xf32, #tpu.memory_space<vmem>>, %arg14: memref<128xf32, #tpu.memory_space<vmem>>, %arg15: memref<128x64xf32, #tpu.memory_space<vmem>>, %arg16: memref<64xf32, #tpu.memory_space<vmem>>, %arg17: memref<64xf32, #tpu.memory_space<vmem>>, %arg18: memref<64xf32, #tpu.memory_space<vmem>>, %arg19: memref<64x4xf32, #tpu.memory_space<vmem>>, %arg20: memref<4xf32, #tpu.memory_space<vmem>>, %arg21: memref<1x1x640xf32, #tpu.memory_space<vmem>>, %arg22: memref<1x4x640xf32, #tpu.memory_space<vmem>>) attributes {dimension_semantics = [#tpu.dimension_semantics<arbitrary>], iteration_bounds = array<i64: 112>, scalar_prefetch = 0 : i64, scratch_operands = 0 : i64, tpu.core_type = #tpu.core_type<tc>, window_params = [{transform_indices = @transform_0, window_bounds = array<i64: 640, 256>}, {transform_indices = @transform_1, window_bounds = array<i64: 640, 256>}, {pipeline_mode = #tpu.pipeline_mode<synchronous>, transform_indices = @transform_2, window_bounds = array<i64: 256>}, {pipeline_mode = #tpu.pipeline_mode<synchronous>, transform_indices = @transform_3, window_bounds = array<i64: 256>}, {pipeline_mode = #tpu.pipeline_mode<synchronous>, transform_indices = @transform_4, window_bounds = array<i64: 256>}, {pipeline_mode = #tpu.pipeline_mode<synchronous>, transform_indices = @transform_5, window_bounds = array<i64: 256, 128>}, {pipeline_mode = #tpu.pipeline_mode<synchronous>, transform_indices = @transform_6, window_bounds = array<i64: 128>}, {pipeline_mode = #tpu.pipeline_mode<synchronous>, transform_indices = @transform_7, window_bounds = array<i64: 128>}, {pipeline_mode = #tpu.pipeline_mode<synchronous>, transform_indices = @transform_8, window_bounds = array<i64: 128>}, {pipeline_mode = #tpu.pipeline_mode<synchronous>, transform_indices = @transform_9, window_bounds = array<i64: 128>}, {pipeline_mode = #tpu.pipeline_mode<synchronous>, transform_indices = @transform_10, window_bounds = array<i64: 1>}, {pipeline_mode = #tpu.pipeline_mode<synchronous>, transform_indices = @transform_11, window_bounds = array<i64: 128>}, {pipeline_mode = #tpu.pipeline_mode<synchronous>, transform_indices = @transform_12, window_bounds = array<i64: 128>}, {pipeline_mode = #tpu.pipeline_mode<synchronous>, transform_indices = @transform_13, window_bounds = array<i64: 128>}, {pipeline_mode = #tpu.pipeline_mode<synchronous>, transform_indices = @transform_14, window_bounds = array<i64: 128, 64>}, {pipeline_mode = #tpu.pipeline_mode<synchronous>, transform_indices = @transform_15, window_bounds = array<i64: 64>}, {pipeline_mode = #tpu.pipeline_mode<synchronous>, transform_indices = @transform_16, window_bounds = array<i64: 64>}, {pipeline_mode = #tpu.pipeline_mode<synchronous>, transform_indices = @transform_17, window_bounds = array<i64: 64>}, {pipeline_mode = #tpu.pipeline_mode<synchronous>, transform_indices = @transform_18, window_bounds = array<i64: 64, 4>}, {pipeline_mode = #tpu.pipeline_mode<synchronous>, transform_indices = @transform_19, window_bounds = array<i64: 4>}, {transform_indices = @transform_20, window_bounds = array<i64: 1, 1, 640>}, {transform_indices = @transform_21, window_bounds = array<i64: 1, 4, 640>}]} {
    %get3A = arith.constant 0 : index
    %get3A_0 = arith.constant 0 : index
    %get3A_1 = vector.load %arg1[%get3A, %get3A_0] : memref<640x256xi32, #tpu.memory_space<vmem>>, vector<640x256xi32>
    %bitcast_convert_type3A = tpu.bitcast %get3A_1 : vector<640x256xi32> -> vector<640x256xf32>
    %slice3A = vector.extract_strided_slice %get3A_1 {offsets = [0, 0], sizes = [640, 128], strides = [1, 1]} : vector<640x256xi32> to vector<640x128xi32>
    %bitcast_convert_type3A_2 = tpu.bitcast %slice3A : vector<640x128xi32> -> vector<640x128xi32>
    %shift_left3A = arith.constant 16 : i32
    %shift_left3A_3 = vector.broadcast %shift_left3A : i32 to vector<640x128xi32>
    %shift_left3A_4 = arith.shli %bitcast_convert_type3A_2, %shift_left3A_3 : vector<640x128xi32>
    %bitcast_convert_type3A_5 = tpu.bitcast %shift_left3A_4 : vector<640x128xi32> -> vector<640x128xf32>
    %get3A_6 = arith.constant 0 : index
    %get3A_7 = arith.constant 0 : index
    %get3A_8 = vector.load %arg2[%get3A_6, %get3A_7] : memref<640x256xi32, #tpu.memory_space<vmem>>, vector<640x256xi32>
    %bitcast_convert_type3A_9 = tpu.bitcast %get3A_8 : vector<640x256xi32> -> vector<640x256xf32>
    %slice3A_10 = vector.extract_strided_slice %get3A_8 {offsets = [0, 0], sizes = [640, 128], strides = [1, 1]} : vector<640x256xi32> to vector<640x128xi32>
    %bitcast_convert_type3A_11 = tpu.bitcast %slice3A_10 : vector<640x128xi32> -> vector<640x128xi32>
    %shift_left3A_12 = arith.constant 16 : i32
    %shift_left3A_13 = vector.broadcast %shift_left3A_12 : i32 to vector<640x128xi32>
    %shift_left3A_14 = arith.shli %bitcast_convert_type3A_11, %shift_left3A_13 : vector<640x128xi32>
    %bitcast_convert_type3A_15 = tpu.bitcast %shift_left3A_14 : vector<640x128xi32> -> vector<640x128xf32>
    %add3A = arith.addf %bitcast_convert_type3A, %bitcast_convert_type3A_9 : vector<640x256xf32>
    %get3A_16 = arith.constant 0 : index
    %get3A_17 = vector.load %arg3[%get3A_16] : memref<256xf32, #tpu.memory_space<vmem>>, vector<256xf32>
    %broadcast_in_dim3A = vector.shape_cast %get3A_17 : vector<256xf32> to vector<1x256xf32>
    %add3A_18 = vector.broadcast %broadcast_in_dim3A : vector<1x256xf32> to vector<640x256xf32>
    %add3A_19 = arith.addf %add3A, %add3A_18 : vector<640x256xf32>
    %add3A_20 = arith.addf %bitcast_convert_type3A_5, %bitcast_convert_type3A_15 : vector<640x128xf32>
    %get3A_21 = arith.constant 0 : index
    %get3A_22 = vector.load %arg12[%get3A_21] : memref<128xf32, #tpu.memory_space<vmem>>, vector<128xf32>
    %broadcast_in_dim3A_23 = vector.shape_cast %get3A_22 : vector<128xf32> to vector<1x128xf32>
    %add3A_24 = vector.broadcast %broadcast_in_dim3A_23 : vector<1x128xf32> to vector<640x128xf32>
    %add3A_25 = arith.addf %add3A_20, %add3A_24 : vector<640x128xf32>
    %get3A_26 = arith.constant 0 : index
    %get3A_27 = vector.load %arg4[%get3A_26] : memref<256xf32, #tpu.memory_space<vmem>>, vector<256xf32>
    %get3A_28 = arith.constant 0 : index
    %get3A_29 = vector.load %arg5[%get3A_28] : memref<256xf32, #tpu.memory_space<vmem>>, vector<256xf32>
    %reduce_sum3A = arith.constant dense<0.000000e+00> : vector<640xf32>
    %reduce_sum3A_30 = vector.multi_reduction <add>, %add3A_19, %reduce_sum3A [1] : vector<640x256xf32> to vector<640xf32>
    %broadcast_in_dim3A_31 = vector.shape_cast %reduce_sum3A_30 : vector<640xf32> to vector<640x1xf32>
    %div3A = arith.constant 2.560000e+02 : f32
    %div3A_32 = vector.broadcast %div3A : f32 to vector<640x1xf32>
    %div3A_33 = arith.divf %broadcast_in_dim3A_31, %div3A_32 : vector<640x1xf32>
    %sub3A = vector.broadcast %div3A_33 : vector<640x1xf32> to vector<640x256xf32>
    %sub3A_34 = arith.subf %add3A_19, %sub3A : vector<640x256xf32>
    %integer_pow3A = arith.mulf %sub3A_34, %sub3A_34 : vector<640x256xf32>
    %reduce_sum3A_35 = arith.constant dense<0.000000e+00> : vector<640xf32>
    %reduce_sum3A_36 = vector.multi_reduction <add>, %integer_pow3A, %reduce_sum3A_35 [1] : vector<640x256xf32> to vector<640xf32>
    %broadcast_in_dim3A_37 = vector.shape_cast %reduce_sum3A_36 : vector<640xf32> to vector<640x1xf32>
    %div3A_38 = arith.constant 2.560000e+02 : f32
    %div3A_39 = vector.broadcast %div3A_38 : f32 to vector<640x1xf32>
    %div3A_40 = arith.divf %broadcast_in_dim3A_37, %div3A_39 : vector<640x1xf32>
    %sub3A_41 = vector.broadcast %div3A_33 : vector<640x1xf32> to vector<640x256xf32>
    %sub3A_42 = arith.subf %add3A_19, %sub3A_41 : vector<640x256xf32>
    %add3A_43 = arith.constant 9.99999974E-6 : f32
    %add3A_44 = vector.broadcast %add3A_43 : f32 to vector<640x1xf32>
    %add3A_45 = arith.addf %div3A_40, %add3A_44 : vector<640x1xf32>
    %rsqrt3A = math.rsqrt %add3A_45 : vector<640x1xf32>
    %broadcast_in_dim3A_46 = vector.shape_cast %get3A_27 : vector<256xf32> to vector<1x256xf32>
    %mul3A = vector.broadcast %rsqrt3A : vector<640x1xf32> to vector<640x256xf32>
    %mul3A_47 = vector.broadcast %broadcast_in_dim3A_46 : vector<1x256xf32> to vector<640x256xf32>
    %mul3A_48 = arith.mulf %mul3A, %mul3A_47 : vector<640x256xf32>
    %mul3A_49 = arith.mulf %sub3A_42, %mul3A_48 : vector<640x256xf32>
    %broadcast_in_dim3A_50 = vector.shape_cast %get3A_29 : vector<256xf32> to vector<1x256xf32>
    %add3A_51 = vector.broadcast %broadcast_in_dim3A_50 : vector<1x256xf32> to vector<640x256xf32>
    %add3A_52 = arith.addf %mul3A_49, %add3A_51 : vector<640x256xf32>
    %max3A = arith.constant 0.000000e+00 : f32
    %max3A_53 = vector.broadcast %max3A : f32 to vector<640x256xf32>
    %max3A_54 = arith.maximumf %add3A_52, %max3A_53 : vector<640x256xf32>
    %convert_element_type3A = arith.truncf %max3A_54 : vector<640x256xf32> to vector<640x256xbf16>
    %get3A_55 = arith.constant 0 : index
    %get3A_56 = arith.constant 0 : index
    %get3A_57 = vector.load %arg6[%get3A_55, %get3A_56] : memref<256x128xf32, #tpu.memory_space<vmem>>, vector<256x128xf32>
    %convert_element_type3A_58 = arith.truncf %get3A_57 : vector<256x128xf32> to vector<256x128xbf16>
    %dot_general3A = arith.constant dense<0.000000e+00> : vector<640x128xf32>
    %dot_general3A_59 = tpu.matmul %convert_element_type3A, %convert_element_type3A_58, %dot_general3A {dimension_numbers = #tpu.dot_dimension_numbers<[1], [0], [0], [1], [0, 0, 1, 1], [], []>, transpose_lhs_hint = false} : vector<640x256xbf16>, vector<256x128xbf16>, vector<640x128xf32> -> vector<640x128xf32>
    %get3A_60 = arith.constant 0 : index
    %get3A_61 = vector.load %arg7[%get3A_60] : memref<128xf32, #tpu.memory_space<vmem>>, vector<128xf32>
    %broadcast_in_dim3A_62 = vector.shape_cast %get3A_61 : vector<128xf32> to vector<1x128xf32>
    %add3A_63 = vector.broadcast %broadcast_in_dim3A_62 : vector<1x128xf32> to vector<640x128xf32>
    %add3A_64 = arith.addf %dot_general3A_59, %add3A_63 : vector<640x128xf32>
    %get3A_65 = arith.constant 0 : index
    %get3A_66 = vector.load %arg8[%get3A_65] : memref<128xf32, #tpu.memory_space<vmem>>, vector<128xf32>
    %get3A_67 = arith.constant 0 : index
    %get3A_68 = vector.load %arg9[%get3A_67] : memref<128xf32, #tpu.memory_space<vmem>>, vector<128xf32>
    %reduce_sum3A_69 = arith.constant dense<0.000000e+00> : vector<640xf32>
    %reduce_sum3A_70 = vector.multi_reduction <add>, %add3A_64, %reduce_sum3A_69 [1] : vector<640x128xf32> to vector<640xf32>
    %broadcast_in_dim3A_71 = vector.shape_cast %reduce_sum3A_70 : vector<640xf32> to vector<640x1xf32>
    %div3A_72 = arith.constant 1.280000e+02 : f32
    %div3A_73 = vector.broadcast %div3A_72 : f32 to vector<640x1xf32>
    %div3A_74 = arith.divf %broadcast_in_dim3A_71, %div3A_73 : vector<640x1xf32>
    %sub3A_75 = vector.broadcast %div3A_74 : vector<640x1xf32> to vector<640x128xf32>
    %sub3A_76 = arith.subf %add3A_64, %sub3A_75 : vector<640x128xf32>
    %integer_pow3A_77 = arith.mulf %sub3A_76, %sub3A_76 : vector<640x128xf32>
    %reduce_sum3A_78 = arith.constant dense<0.000000e+00> : vector<640xf32>
    %reduce_sum3A_79 = vector.multi_reduction <add>, %integer_pow3A_77, %reduce_sum3A_78 [1] : vector<640x128xf32> to vector<640xf32>
    %broadcast_in_dim3A_80 = vector.shape_cast %reduce_sum3A_79 : vector<640xf32> to vector<640x1xf32>
    %div3A_81 = arith.constant 1.280000e+02 : f32
    %div3A_82 = vector.broadcast %div3A_81 : f32 to vector<640x1xf32>
    %div3A_83 = arith.divf %broadcast_in_dim3A_80, %div3A_82 : vector<640x1xf32>
    %sub3A_84 = vector.broadcast %div3A_74 : vector<640x1xf32> to vector<640x128xf32>
    %sub3A_85 = arith.subf %add3A_64, %sub3A_84 : vector<640x128xf32>
    %add3A_86 = arith.constant 9.99999974E-6 : f32
    %add3A_87 = vector.broadcast %add3A_86 : f32 to vector<640x1xf32>
    %add3A_88 = arith.addf %div3A_83, %add3A_87 : vector<640x1xf32>
    %rsqrt3A_89 = math.rsqrt %add3A_88 : vector<640x1xf32>
    %broadcast_in_dim3A_90 = vector.shape_cast %get3A_66 : vector<128xf32> to vector<1x128xf32>
    %mul3A_91 = vector.broadcast %rsqrt3A_89 : vector<640x1xf32> to vector<640x128xf32>
    %mul3A_92 = vector.broadcast %broadcast_in_dim3A_90 : vector<1x128xf32> to vector<640x128xf32>
    %mul3A_93 = arith.mulf %mul3A_91, %mul3A_92 : vector<640x128xf32>
    %mul3A_94 = arith.mulf %sub3A_85, %mul3A_93 : vector<640x128xf32>
    %broadcast_in_dim3A_95 = vector.shape_cast %get3A_68 : vector<128xf32> to vector<1x128xf32>
    %add3A_96 = vector.broadcast %broadcast_in_dim3A_95 : vector<1x128xf32> to vector<640x128xf32>
    %add3A_97 = arith.addf %mul3A_94, %add3A_96 : vector<640x128xf32>
    %max3A_98 = arith.constant 0.000000e+00 : f32
    %max3A_99 = vector.broadcast %max3A_98 : f32 to vector<640x128xf32>
    %max3A_100 = arith.maximumf %add3A_97, %max3A_99 : vector<640x128xf32>
    %get3A_101 = arith.constant 0 : index
    %get3A_102 = vector.load %arg10[%get3A_101] : memref<128xf32, #tpu.memory_space<vmem>>, vector<128xf32>
    %broadcast_in_dim3A_103 = vector.shape_cast %get3A_102 : vector<128xf32> to vector<1x128xf32>
    %mul3A_104 = vector.broadcast %broadcast_in_dim3A_103 : vector<1x128xf32> to vector<640x128xf32>
    %mul3A_105 = arith.mulf %max3A_100, %mul3A_104 : vector<640x128xf32>
    %reduce_sum3A_106 = arith.constant dense<0.000000e+00> : vector<640xf32>
    %reduce_sum3A_107 = vector.multi_reduction <add>, %mul3A_105, %reduce_sum3A_106 [1] : vector<640x128xf32> to vector<640xf32>
    %get3A_108 = arith.constant 0 : index
    %get3A_109 = vector.load %arg11[%get3A_108] : memref<1xf32, #tpu.memory_space<vmem>>, vector<1xf32>
    %get3A_110 = vector.extract %get3A_109[0] : f32 from vector<1xf32>
    %add3A_111 = vector.broadcast %get3A_110 : f32 to vector<640xf32>
    %add3A_112 = arith.addf %reduce_sum3A_107, %add3A_111 : vector<640xf32>
    %jit3A = arith.constant -2.000000e+01 : f32
    %jit3A_113 = arith.constant 2.000000e+01 : f32
    %max3A_114 = vector.broadcast %jit3A : f32 to vector<640xf32>
    %max3A_115 = arith.maximumf %max3A_114, %add3A_112 : vector<640xf32>
    %min3A = vector.broadcast %jit3A_113 : f32 to vector<640xf32>
    %min3A_116 = arith.minimumf %min3A, %max3A_115 : vector<640xf32>
    %swap3A = arith.constant 0 : index
    %swap3A_117 = arith.constant 0 : index
    %swap3A_118 = arith.constant 0 : index
    %swap3A_119 = vector.load %arg21[%swap3A, %swap3A_117, %swap3A_118] : memref<1x1x640xf32, #tpu.memory_space<vmem>>, vector<1x1x640xf32>
    %swap3A_120 = vector.shape_cast %swap3A_119 : vector<1x1x640xf32> to vector<640xf32>
    %swap3A_121 = vector.shape_cast %min3A_116 : vector<640xf32> to vector<1x1x640xf32>
    tpu.vector_store %arg21[%swap3A, %swap3A_117, %swap3A_118], %swap3A_121 {strides = array<i32>} : memref<1x1x640xf32, #tpu.memory_space<vmem>>, vector<1x1x640xf32>,
    %get3A_122 = arith.constant 0 : index
    %get3A_123 = vector.load %arg13[%get3A_122] : memref<128xf32, #tpu.memory_space<vmem>>, vector<128xf32>
    %get3A_124 = arith.constant 0 : index
    %get3A_125 = vector.load %arg14[%get3A_124] : memref<128xf32, #tpu.memory_space<vmem>>, vector<128xf32>
    %reduce_sum3A_126 = arith.constant dense<0.000000e+00> : vector<640xf32>
    %reduce_sum3A_127 = vector.multi_reduction <add>, %add3A_25, %reduce_sum3A_126 [1] : vector<640x128xf32> to vector<640xf32>
    %broadcast_in_dim3A_128 = vector.shape_cast %reduce_sum3A_127 : vector<640xf32> to vector<640x1xf32>
    %div3A_129 = arith.constant 1.280000e+02 : f32
    %div3A_130 = vector.broadcast %div3A_129 : f32 to vector<640x1xf32>
    %div3A_131 = arith.divf %broadcast_in_dim3A_128, %div3A_130 : vector<640x1xf32>
    %sub3A_132 = vector.broadcast %div3A_131 : vector<640x1xf32> to vector<640x128xf32>
    %sub3A_133 = arith.subf %add3A_25, %sub3A_132 : vector<640x128xf32>
    %integer_pow3A_134 = arith.mulf %sub3A_133, %sub3A_133 : vector<640x128xf32>
    %reduce_sum3A_135 = arith.constant dense<0.000000e+00> : vector<640xf32>
    %reduce_sum3A_136 = vector.multi_reduction <add>, %integer_pow3A_134, %reduce_sum3A_135 [1] : vector<640x128xf32> to vector<640xf32>
    %broadcast_in_dim3A_137 = vector.shape_cast %reduce_sum3A_136 : vector<640xf32> to vector<640x1xf32>
    %div3A_138 = arith.constant 1.280000e+02 : f32
    %div3A_139 = vector.broadcast %div3A_138 : f32 to vector<640x1xf32>
    %div3A_140 = arith.divf %broadcast_in_dim3A_137, %div3A_139 : vector<640x1xf32>
    %sub3A_141 = vector.broadcast %div3A_131 : vector<640x1xf32> to vector<640x128xf32>
    %sub3A_142 = arith.subf %add3A_25, %sub3A_141 : vector<640x128xf32>
    %add3A_143 = arith.constant 9.99999974E-6 : f32
    %add3A_144 = vector.broadcast %add3A_143 : f32 to vector<640x1xf32>
    %add3A_145 = arith.addf %div3A_140, %add3A_144 : vector<640x1xf32>
    %rsqrt3A_146 = math.rsqrt %add3A_145 : vector<640x1xf32>
    %broadcast_in_dim3A_147 = vector.shape_cast %get3A_123 : vector<128xf32> to vector<1x128xf32>
    %mul3A_148 = vector.broadcast %rsqrt3A_146 : vector<640x1xf32> to vector<640x128xf32>
    %mul3A_149 = vector.broadcast %broadcast_in_dim3A_147 : vector<1x128xf32> to vector<640x128xf32>
    %mul3A_150 = arith.mulf %mul3A_148, %mul3A_149 : vector<640x128xf32>
    %mul3A_151 = arith.mulf %sub3A_142, %mul3A_150 : vector<640x128xf32>
    %broadcast_in_dim3A_152 = vector.shape_cast %get3A_125 : vector<128xf32> to vector<1x128xf32>
    %add3A_153 = vector.broadcast %broadcast_in_dim3A_152 : vector<1x128xf32> to vector<640x128xf32>
    %add3A_154 = arith.addf %mul3A_151, %add3A_153 : vector<640x128xf32>
    %max3A_155 = arith.constant 0.000000e+00 : f32
    %max3A_156 = vector.broadcast %max3A_155 : f32 to vector<640x128xf32>
    %max3A_157 = arith.maximumf %add3A_154, %max3A_156 : vector<640x128xf32>
    %convert_element_type3A_158 = arith.truncf %max3A_157 : vector<640x128xf32> to vector<640x128xbf16>
    %get3A_159 = arith.constant 0 : index
    %get3A_160 = arith.constant 0 : index
    %get3A_161 = vector.load %arg15[%get3A_159, %get3A_160] : memref<128x64xf32, #tpu.memory_space<vmem>>, vector<128x64xf32>
    %convert_element_type3A_162 = arith.truncf %get3A_161 : vector<128x64xf32> to vector<128x64xbf16>
    %dot_general3A_163 = arith.constant dense<0.000000e+00> : vector<640x64xf32>
    %dot_general3A_164 = tpu.matmul %convert_element_type3A_158, %convert_element_type3A_162, %dot_general3A_163 {dimension_numbers = #tpu.dot_dimension_numbers<[1], [0], [0], [1], [0, 0, 1, 1], [], []>, transpose_lhs_hint = false} : vector<640x128xbf16>, vector<128x64xbf16>, vector<640x64xf32> -> vector<640x64xf32>
    %get3A_165 = arith.constant 0 : index
    %get3A_166 = vector.load %arg16[%get3A_165] : memref<64xf32, #tpu.memory_space<vmem>>, vector<64xf32>
    %broadcast_in_dim3A_167 = vector.shape_cast %get3A_166 : vector<64xf32> to vector<1x64xf32>
    %add3A_168 = vector.broadcast %broadcast_in_dim3A_167 : vector<1x64xf32> to vector<640x64xf32>
    %add3A_169 = arith.addf %dot_general3A_164, %add3A_168 : vector<640x64xf32>
    %get3A_170 = arith.constant 0 : index
    %get3A_171 = vector.load %arg17[%get3A_170] : memref<64xf32, #tpu.memory_space<vmem>>, vector<64xf32>
    %get3A_172 = arith.constant 0 : index
    %get3A_173 = vector.load %arg18[%get3A_172] : memref<64xf32, #tpu.memory_space<vmem>>, vector<64xf32>
    %reduce_sum3A_174 = arith.constant dense<0.000000e+00> : vector<640xf32>
    %reduce_sum3A_175 = vector.multi_reduction <add>, %add3A_169, %reduce_sum3A_174 [1] : vector<640x64xf32> to vector<640xf32>
    %broadcast_in_dim3A_176 = vector.shape_cast %reduce_sum3A_175 : vector<640xf32> to vector<640x1xf32>
    %div3A_177 = arith.constant 6.400000e+01 : f32
    %div3A_178 = vector.broadcast %div3A_177 : f32 to vector<640x1xf32>
    %div3A_179 = arith.divf %broadcast_in_dim3A_176, %div3A_178 : vector<640x1xf32>
    %sub3A_180 = vector.broadcast %div3A_179 : vector<640x1xf32> to vector<640x64xf32>
    %sub3A_181 = arith.subf %add3A_169, %sub3A_180 : vector<640x64xf32>
    %integer_pow3A_182 = arith.mulf %sub3A_181, %sub3A_181 : vector<640x64xf32>
    %reduce_sum3A_183 = arith.constant dense<0.000000e+00> : vector<640xf32>
    %reduce_sum3A_184 = vector.multi_reduction <add>, %integer_pow3A_182, %reduce_sum3A_183 [1] : vector<640x64xf32> to vector<640xf32>
    %broadcast_in_dim3A_185 = vector.shape_cast %reduce_sum3A_184 : vector<640xf32> to vector<640x1xf32>
    %div3A_186 = arith.constant 6.400000e+01 : f32
    %div3A_187 = vector.broadcast %div3A_186 : f32 to vector<640x1xf32>
    %div3A_188 = arith.divf %broadcast_in_dim3A_185, %div3A_187 : vector<640x1xf32>
    %sub3A_189 = vector.broadcast %div3A_179 : vector<640x1xf32> to vector<640x64xf32>
    %sub3A_190 = arith.subf %add3A_169, %sub3A_189 : vector<640x64xf32>
    %add3A_191 = arith.constant 9.99999974E-6 : f32
    %add3A_192 = vector.broadcast %add3A_191 : f32 to vector<640x1xf32>
    %add3A_193 = arith.addf %div3A_188, %add3A_192 : vector<640x1xf32>
    %rsqrt3A_194 = math.rsqrt %add3A_193 : vector<640x1xf32>
    %broadcast_in_dim3A_195 = vector.shape_cast %get3A_171 : vector<64xf32> to vector<1x64xf32>
    %mul3A_196 = vector.broadcast %rsqrt3A_194 : vector<640x1xf32> to vector<640x64xf32>
    %mul3A_197 = vector.broadcast %broadcast_in_dim3A_195 : vector<1x64xf32> to vector<640x64xf32>
    %mul3A_198 = arith.mulf %mul3A_196, %mul3A_197 : vector<640x64xf32>
    %mul3A_199 = arith.mulf %sub3A_190, %mul3A_198 : vector<640x64xf32>
    %broadcast_in_dim3A_200 = vector.shape_cast %get3A_173 : vector<64xf32> to vector<1x64xf32>
    %add3A_201 = vector.broadcast %broadcast_in_dim3A_200 : vector<1x64xf32> to vector<640x64xf32>
    %add3A_202 = arith.addf %mul3A_199, %add3A_201 : vector<640x64xf32>
    %max3A_203 = arith.constant 0.000000e+00 : f32
    %max3A_204 = vector.broadcast %max3A_203 : f32 to vector<640x64xf32>
    %max3A_205 = arith.maximumf %add3A_202, %max3A_204 : vector<640x64xf32>
    %convert_element_type3A_206 = arith.truncf %max3A_205 : vector<640x64xf32> to vector<640x64xbf16>
    %get3A_207 = arith.constant 0 : index
    %get3A_208 = arith.constant 0 : index
    %get3A_209 = vector.load %arg19[%get3A_207, %get3A_208] : memref<64x4xf32, #tpu.memory_space<vmem>>, vector<64x4xf32>
    %convert_element_type3A_210 = arith.truncf %get3A_209 : vector<64x4xf32> to vector<64x4xbf16>
    %dot_general3A_211 = arith.constant dense<0.000000e+00> : vector<640x4xf32>
    %dot_general3A_212 = tpu.matmul %convert_element_type3A_206, %convert_element_type3A_210, %dot_general3A_211 {dimension_numbers = #tpu.dot_dimension_numbers<[1], [0], [0], [1], [0, 0, 1, 1], [], []>, transpose_lhs_hint = false} : vector<640x64xbf16>, vector<64x4xbf16>, vector<640x4xf32> -> vector<640x4xf32>
    %get3A_213 = arith.constant 0 : index
    %get3A_214 = vector.load %arg20[%get3A_213] : memref<4xf32, #tpu.memory_space<vmem>>, vector<4xf32>
    %broadcast_in_dim3A_215 = vector.shape_cast %get3A_214 : vector<4xf32> to vector<1x4xf32>
    %add3A_216 = vector.broadcast %broadcast_in_dim3A_215 : vector<1x4xf32> to vector<640x4xf32>
    %add3A_217 = arith.addf %dot_general3A_212, %add3A_216 : vector<640x4xf32>
    %jit3A_218 = arith.constant -2.000000e+01 : f32
    %jit3A_219 = arith.constant 2.000000e+01 : f32
    %max3A_220 = vector.broadcast %jit3A_218 : f32 to vector<640x4xf32>
    %max3A_221 = arith.maximumf %max3A_220, %add3A_217 : vector<640x4xf32>
    %min3A_222 = vector.broadcast %jit3A_219 : f32 to vector<640x4xf32>
    %min3A_223 = arith.minimumf %min3A_222, %max3A_221 : vector<640x4xf32>
    %transpose3A = tpu.transpose %min3A_223, [1, 0] : vector<640x4xf32> -> vector<4x640xf32>
    %swap3A_224 = arith.constant 0 : index
    %swap3A_225 = arith.constant 0 : index
    %swap3A_226 = arith.constant 0 : index
    %swap3A_227 = vector.load %arg22[%swap3A_224, %swap3A_225, %swap3A_226] : memref<1x4x640xf32, #tpu.memory_space<vmem>>, vector<1x4x640xf32>
    %swap3A_228 = vector.shape_cast %swap3A_227 : vector<1x4x640xf32> to vector<4x640xf32>
    %swap3A_229 = vector.shape_cast %transpose3A : vector<4x640xf32> to vector<1x4x640xf32>
    tpu.vector_store %arg22[%swap3A_224, %swap3A_225, %swap3A_226], %swap3A_229 {strides = array<i32>} : memref<1x4x640xf32, #tpu.memory_space<vmem>>, vector<1x4x640xf32>,
    return
  }
  func.func @transform_0(%arg0: i32) -> (i32, i32) {
    %c0_i32 = arith.constant 0 : i32
    %c0_i32_0 = arith.constant 0 : i32
    return %arg0, %c0_i32 : i32, i32
  }
  func.func @transform_1(%arg0: i32) -> (i32, i32) {
    %c0_i32 = arith.constant 0 : i32
    %c0_i32_0 = arith.constant 0 : i32
    return %arg0, %c0_i32 : i32, i32
  }
  func.func @transform_2(%arg0: i32) -> i32 {
    %c0_i32 = arith.constant 0 : i32
    %c0_i32_0 = arith.constant 0 : i32
    return %c0_i32 : i32
  }
  func.func @transform_3(%arg0: i32) -> i32 {
    %c0_i32 = arith.constant 0 : i32
    %c0_i32_0 = arith.constant 0 : i32
    return %c0_i32 : i32
  }
  func.func @transform_4(%arg0: i32) -> i32 {
    %c0_i32 = arith.constant 0 : i32
    %c0_i32_0 = arith.constant 0 : i32
    return %c0_i32 : i32
  }
  func.func @transform_5(%arg0: i32) -> (i32, i32) {
    %c0_i32 = arith.constant 0 : i32
    %c0_i32_0 = arith.constant 0 : i32
    %c0_i32_1 = arith.constant 0 : i32
    return %c0_i32, %c0_i32_0 : i32, i32
  }
  func.func @transform_6(%arg0: i32) -> i32 {
    %c0_i32 = arith.constant 0 : i32
    %c0_i32_0 = arith.constant 0 : i32
    return %c0_i32 : i32
  }
  func.func @transform_7(%arg0: i32) -> i32 {
    %c0_i32 = arith.constant 0 : i32
    %c0_i32_0 = arith.constant 0 : i32
    return %c0_i32 : i32
  }
  func.func @transform_8(%arg0: i32) -> i32 {
    %c0_i32 = arith.constant 0 : i32
    %c0_i32_0 = arith.constant 0 : i32
    return %c0_i32 : i32
  }
  func.func @transform_9(%arg0: i32) -> i32 {
    %c0_i32 = arith.constant 0 : i32
    %c0_i32_0 = arith.constant 0 : i32
    return %c0_i32 : i32
  }
  func.func @transform_10(%arg0: i32) -> i32 {
    %c0_i32 = arith.constant 0 : i32
    %c0_i32_0 = arith.constant 0 : i32
    return %c0_i32 : i32
  }
  func.func @transform_11(%arg0: i32) -> i32 {
    %c0_i32 = arith.constant 0 : i32
    %c0_i32_0 = arith.constant 0 : i32
    return %c0_i32 : i32
  }
  func.func @transform_12(%arg0: i32) -> i32 {
    %c0_i32 = arith.constant 0 : i32
    %c0_i32_0 = arith.constant 0 : i32
    return %c0_i32 : i32
  }
  func.func @transform_13(%arg0: i32) -> i32 {
    %c0_i32 = arith.constant 0 : i32
    %c0_i32_0 = arith.constant 0 : i32
    return %c0_i32 : i32
  }
  func.func @transform_14(%arg0: i32) -> (i32, i32) {
    %c0_i32 = arith.constant 0 : i32
    %c0_i32_0 = arith.constant 0 : i32
    %c0_i32_1 = arith.constant 0 : i32
    return %c0_i32, %c0_i32_0 : i32, i32
  }
  func.func @transform_15(%arg0: i32) -> i32 {
    %c0_i32 = arith.constant 0 : i32
    %c0_i32_0 = arith.constant 0 : i32
    return %c0_i32 : i32
  }
  func.func @transform_16(%arg0: i32) -> i32 {
    %c0_i32 = arith.constant 0 : i32
    %c0_i32_0 = arith.constant 0 : i32
    return %c0_i32 : i32
  }
  func.func @transform_17(%arg0: i32) -> i32 {
    %c0_i32 = arith.constant 0 : i32
    %c0_i32_0 = arith.constant 0 : i32
    return %c0_i32 : i32
  }
  func.func @transform_18(%arg0: i32) -> (i32, i32) {
    %c0_i32 = arith.constant 0 : i32
    %c0_i32_0 = arith.constant 0 : i32
    %c0_i32_1 = arith.constant 0 : i32
    return %c0_i32, %c0_i32_0 : i32, i32
  }
  func.func @transform_19(%arg0: i32) -> i32 {
    %c0_i32 = arith.constant 0 : i32
    %c0_i32_0 = arith.constant 0 : i32
    return %c0_i32 : i32
  }
  func.func @transform_20(%arg0: i32) -> (i32, i32, i32) {
    %c0_i32 = arith.constant 0 : i32
    %c0_i32_0 = arith.constant 0 : i32
    %c0_i32_1 = arith.constant 0 : i32
    return %arg0, %c0_i32, %c0_i32_0 : i32, i32, i32
  }
  func.func @transform_21(%arg0: i32) -> (i32, i32, i32) {
    %c0_i32 = arith.constant 0 : i32
    %c0_i32_0 = arith.constant 0 : i32
    %c0_i32_1 = arith.constant 0 : i32
    return %arg0, %c0_i32, %c0_i32_0 : i32, i32, i32
  }
}

</mosaic_0001>

<sc_bundles>
// kernel: kernel.10.cloned.1.call-start
scs
__scs_entry_jumppad:
0x0: {  	(pc) =	sbr.rel $0x88, $3  }
0x1: {  	(tag) =	ssettag $0x0;
	lr =	simm.s32 $0x1  }
0x2: {  	[smem:$0x3F8B] =	sst lr;
	_ =	strace $0xD0000000  }
0x3: {  	_ = 	snop  }
0x4: {  	_ = 	snop  }
0x5: {  	_ = 	snop  }
0x6: {  	_ = 	snop  }
0x7: {  	_ = 	snop  }
__scs_overlays_trampoline_lowered:
0x8: {  	[smem:$0x3F9A] =	sst s0  }
0x9: {  	[smem:$0x3F9B] =	sst s1  }
0xa: {  	[smem:$0x3F9C] =	sst s2  }
0xb: {  	[smem:$0x3F9D] =	sst s3  }
0xc: {  	[smem:$0x3F9E] =	sst s4  }
0xd: {  	[smem:$0x3F9F] =	sst s5  }
0xe: {  	[smem:$0x3FA0] =	sst s6  }
0xf: {  	[smem:$0x3FA1] =	sst s7  }
0x10: {  	[smem:$0x3FA2] =	sst s8  }
0x11: {  	[smem:$0x3FA3] =	sst s9;
	s0 =	simm.s32 @!p0 $0x0  }
0x12: {  	s1 =	sld [smem:$0x3F89];
	s0 =	simm.s32 @p0 $0x1  }
0x13: {  	[smem:$0x3FA4] =	sst s0;
	s0 =	simm.s32 @!p1 $0x0  }
0x14: {  	s2 =	sld [smem:$0x3F88];
	s0 =	simm.s32 @p1 $0x1  }
0x15: {  	[smem:$0x3FA5] =	sst s0;
	s0 =	simm.s32 @!p2 $0x0  }
0x16: {  	s3 =	sld [smem:$0x3FDB];
	s0 =	simm.s32 @p2 $0x1  }
0x17: {  	s4 =	simm.s32 $0x1BF5;
	[smem:$0x3FA7] =	sst s0  }
0x18: {  	s0 =	sld [smem:$0x3F8A];
	_ =	swait.ge [sflag:s4], $0x0  }
0x19: {  	s7 =	sld [smem:$0x3F8B]  }
0x1a: {  	s8 =	sadd.s32 $0xFFFFE003, lr  }
0x1b: {  	s9 =	sadd.s32 $0xFFFFFEF7, lr;
	s5 =	simm.s32 $0xFFFFFFFF;
	p2 =	slt.u32 s8, $0xFFFFF086  }
0x1c: {  	p1 =	slt.u32 s9, $0xF7A;
	s5 =	simm.s32 @!p2 $0x0  }
0x1d: {  	s5 =	simm.s32 @p1 $0x1;
	p0 =	seq.s32 s7, s2  }
0x1e: {  	s7 =	smul.u32 @!p0 $0xF7A, s2;
	p2 =	seq.s32 @!p0 s5, $0x0  }
0x1f: {  	s9 =	smul.u32 $0xF7A, s1;
	s8 =	simm.s32 @!p0 $0x1BF5;
	p2 =	por !p2, p0  }
0x20: {  	[sflag:s8] =	ssyncset.s32 @!p0 $0xFFFFF086;
	s6 =	sadd.s32 @!p0 s3, s7;
	s7 =	simm.s32 @!p0 $0x108  }
0x21: {  	s3 =	sadd.s32 s3, s9;
	s6 =	sadd.s32 @!p0 $0x88, s6;
	s7 =	simm.s32 @p2 $0x1082  }
0x22: {  	[simem:s7], [sflag:s8] =	dma.local @!p0 [hbm:s6], $0xF7A  }
0x23: {  	s9 =	sor.u32 $0xD0000000, s2;
	s6 =	simm.s32 $0x108;
	_ =	swait.ge @!p0 [sflag:s8], $0x0  }
0x24: {  	s3 =	sadd.s32 $0x88, s3;
	s6 =	simm.s32 @!p1 $0x1082;
	[sflag:s4] =	ssyncset.s32 $0xFFFFF086  }
0x25: {  	[simem:s6], [sflag:s4] =	dma.local [hbm:s3], $0xF7A  }
0x26: {  	[smem:$0x3F8B] =	sst s1;
	(tag) =	ssettag s2;
	_ =	strace s9  }
0x27: {  	s1 =	sld [smem:$0x3F9B]  }
0x28: {  	s2 =	sld [smem:$0x3F9C]  }
0x29: {  	s4 =	sld [smem:$0x3F9E]  }
0x2a: {  	p0 =	seq.s32 s5, $0x0;
	s5 =	sld [smem:$0x3F9F]  }
0x2b: {  	s6 =	sld [smem:$0x3FA0]  }
0x2c: {  	s7 =	sld [smem:$0x3FA1]  }
0x2d: {  	s3 =	simm.s32 $0x108;
	s8 =	sld [smem:$0x3FA2]  }
0x2e: {  	s3 =	simm.s32 @!p0 $0x1082;
	s9 =	sld [smem:$0x3FA3]  }
0x2f: {  	lr =	sadd.s32 s0, s3;
	s0 =	sld [smem:$0x3F9A]  }
0x30: {  	s3 =	sld [smem:$0x3F9D]  }
0x31: {  	[smem:$0x3FA6] =	sst s10  }
0x32: {  	s10 =	sld [smem:$0x3FA4];
	_ =	sdelay $0x3  }
0x33: {  	p0 =	seq.s32 s10, $0x1;
	s10 =	sld [smem:$0x3FA6];
	_ =	sdelay $0x3  }
0x34: {  	[smem:$0x3FA6] =	sst s10  }
0x35: {  	s10 =	sld [smem:$0x3FA5];
	_ =	sdelay $0x3  }
0x36: {  	p1 =	seq.s32 s10, $0x1;
	s10 =	sld [smem:$0x3FA6];
	_ =	sdelay $0x3  }
0x37: {  	[smem:$0x3FA6] =	sst s10  }
0x38: {  	s10 =	sld [smem:$0x3FA7]  }
0x39: {  	_ = 	snop;
	(pc) =	sbr.ind lr, $3  }
0x3a: {  	_ = 	snop  }
0x3b: {  	_ = 	snop  }
0x3c: {  	p2 =	seq.s32 s10, $0x1;
	s10 =	sld [smem:$0x3FA6]  }
0x3d: {  	_ =	shalt  }
0x3e: {  	_ =	shalt  }
0x3f: {  	_ =	shalt  }
0x40: {  	_ =	shalt  }
0x41: {  	_ =	shalt  }
0x42: {  	_ =	shalt  }
0x43: {  	_ =	shalt  }
0x44: {  	_ =	shalt  }
0x45: {  	_ =	shalt  }
0x46: {  	_ =	shalt  }
0x47: {  	_ =	shalt  }
0x48: {  	_ =	shalt  }
0x49: {  	_ =	shalt  }
0x4a: {  	_ =	shalt  }
0x4b: {  	_ =	shalt  }
0x4c: {  	_ =	shalt  }
0x4d: {  	_ =	shalt  }
0x4e: {  	_ =	shalt  }
0x4f: {  	_ =	shalt  }
0x50: {  	_ =	shalt  }
0x51: {  	_ =	shalt  }
0x52: {  	_ =	shalt  }
0x53: {  	_ =	shalt  }
0x54: {  	_ =	shalt  }
0x55: {  	_ =	shalt  }
0x56: {  	_ =	shalt  }
0x57: {  	_ =	shalt  }
0x58: {  	_ =	shalt  }
0x59: {  	_ =	shalt  }
0x5a: {  	_ =	shalt  }
0x5b: {  	_ =	shalt  }
0x5c: {  	_ =	shalt  }
0x5d: {  	_ =	shalt  }
0x5e: {  	_ =	shalt  }
0x5f: {  	_ =	shalt  }
0x60: {  	_ =	shalt  }
0x61: {  	_ =	shalt  }
0x62: {  	_ =	shalt  }
0x63: {  	_ =	shalt  }
0x64: {  	_ =	shalt  }
0x65: {  	_ =	shalt  }
0x66: {  	_ =	shalt  }
0x67: {  	_ =	shalt  }
0x68: {  	_ =	shalt  }
0x69: {  	_ =	shalt  }
0x6a: {  	_ =	shalt  }
0x6b: {  	_ =	shalt  }
0x6c: {  	_ =	shalt  }
0x6d: {  	_ =	shalt  }
0x6e: {  	_ =	shalt  }
0x6f: {  	_ =	shalt  }
0x70: {  	_ =	shalt  }
0x71: {  	_ =	shalt  }
0x72: {  	_ =	shalt  }
0x73: {  	_ =	shalt  }
0x74: {  	_ =	shalt  }
0x75: {  	_ =	shalt  }
0x76: {  	_ =	shalt  }
0x77: {  	_ =	shalt  }
0x78: {  	_ =	shalt  }
0x79: {  	_ =	shalt  }
0x7a: {  	_ =	shalt  }
0x7b: {  	_ =	shalt  }
0x7c: {  	_ =	shalt  }
0x7d: {  	_ =	shalt  }
0x7e: {  	_ =	shalt  }
0x7f: {  	_ =	shalt  }
0x80: {  	_ =	shalt  }
0x81: {  	_ =	shalt  }
0x82: {  	_ =	shalt  }
0x83: {  	_ =	shalt  }
0x84: {  	_ =	shalt  }
0x85: {  	_ =	shalt  }
0x86: {  	_ =	shalt  }
0x87: {  	_ =	shalt  }
.Lfunc_end0:
.L_simem_size_0:
called_computation.1_lowered:
.L_overlay_start_0:
0x88: {  	s2 =	sld [smem:$0x3FD9]  }
0x89: {  	s3 =	sld [smem:$0x3FFE];
	_ =	sdelay $0x1  }
0x8a: {  	s1 =	srdreg.scid  }
0x8b: {  	s0 =	sand.u32 $0x1, s1  }
0x8c: {  	s14 =	sshll.u32 s0, $0xA;
	s2 =	sadd.s32 s3, s2  }
0x8d: {  	s2 =	sadd.s32 s2, s14  }
0x8e: {  	[smem:$0x3FB2] =	sst s2  }
0x8f: {  	_ = 	snop  }
0x90: {  	s2 =	sld [smem:$0x3FD0];
	_ =	sdelay $0x2  }
0x91: {  	s15 =	simm.s32 $0xB;
	s4 =	simm.s32 $0x10  }
0x92: {  	[smem:s4], [sflag:s15] =	dma.local [hbm:s2], $0x1  }
0x93: {  	_ =	swait.eq [sflag:s15], $0x1  }
0x94: {  	[sflag:s15] =	ssyncset.done $0x0  }
0x95: {  	s16 =	sld [smem:$0x10];
	[sflag:s15] =	ssyncadd.s32 $0xFFFFFFFF  }
0x96: {  	s17 =	sld [smem:$0x11];
	(tm) =	ssettm $0x1  }
0x97: {  	s18 =	sld [smem:$0x3FFB];
	_ =	sdelay $0x3  }
0x98: {  	_ =	strace s18  }
0x99: {  	s4 =	sld [smem:$0x3FFC];
	_ =	sdelay $0x3  }
0x9a: {  	_ =	strace s4  }
0x9b: {  	s4 =	sld [smem:$0x3FFD];
	_ =	sdelay $0x3  }
0x9c: {  	_ =	strace s4  }
0x9d: {  	_ =	strace $0x8FFFFFFF  }
0x9e: {  	s19 =	sld [smem:$0x3FDB];
	_ =	sdelay $0x1  }
0x9f: {  	s5 =	simm.s32 $_scs_section_size  }
0xa0: {  	s6 =	simm.s32 $_size__tile_overlayer_lowered;
	s7 =	simm.s32 $_tile_overlayer_lowered  }
0xa1: {  	s22 =	simm.s32 $0x1BFF;
	s21 =	sshll.u32 s7, $0x1;
	s4 =	sadd.s32 s5, s19  }
0xa2: {  	s8 =	simm.s32 $0x0;
	s20 =	sshll.u32 s6, $0x1;
	s6 =	sadd.s32 s21, s4  }
0xa3: {  	[timem:s8], [sflag:s22] =	dma.local [hbm:s6], s20  }
0xa4: {  	_ =	swait.ge [sflag:s22], s20  }
0xa5: {  	s5 =	ssub.s32 $0x0, s20;
	[sflag:s22] =	ssyncset.done $0x0  }
0xa6: {  	[sflag:s22] =	ssyncadd.s32 s5;
	_ =	sdelay $0x1  }
0xa7: {  	s23 =	simm.s32 $0x1B8B  }
0xa8: {  	_ =	swait.ge [sflag:s23], $0x1  }
0xa9: {  	[sflag:s23] =	ssyncset.done $0x0  }
0xaa: {  	s25 =	simm.s32 $0x1B8E;
	s24 =	sld [smem:$0x3FFE];
	[sflag:s23] =	ssyncadd.s32 $0xFFFFFFFF  }
0xab: {  	s26 =	simm.s32 $execute0_lowered;
	[smem:$0x3FD2] =	sst s25  }
0xac: {  	s6 =	sshll.u32 s26, $0x1;
	_ =	strace $0x80000046;
	[dreg:$0x1] =	wrdreg $0xFFFFFFFF  }
0xad: {  	s28 =	simm.s32 $_size_execute0_lowered;
	s4 =	sadd.s32 s4, s6;
	[dreg:$0x0] =	wrdreg $0x0  }
0xae: {  	s6 =	sshll.u32 s28, $0x1;
	[dreg:$0x2] =	wrdreg s4  }
0xaf: {  	[dreg:$0x3] =	wrdreg s6  }
0xb0: {  	[dreg:$0x4] =	wrdreg $0xC0  }
0xb1: {  	_ =	task [dreg:s8], $0x5FFFF  }
0xb2: {  	[dreg:$0x1] =	wrdreg $0xFFFFFFFF  }
0xb3: {  	[dreg:$0x0] =	wrdreg $0x60  }
0xb4: {  	[dreg:$0x2] =	wrdreg s24  }
0xb5: {  	[dreg:$0x3] =	wrdreg s17  }
0xb6: {  	[dreg:$0x4] =	wrdreg s16  }
0xb7: {  	[dreg:$0x5] =	wrdreg $0xA  }
0xb8: {  	_ =	task.clear_ibuf [dreg:s8], $0x6FFFF;
	_ =	strace $0x90000046  }
0xb9: {  	s29 =	simm.s32 $0xA;
	_ =	strace $0x80000048  }
0xba: {  	_ =	swait.ge [sflag:s29], $0x1  }
0xbb: {  	[sflag:s29] =	ssyncadd.s32 $0xFFFFFFFF  }
0xbc: {  	_ =	strace $0x90000048  }
0xbd: {  	_ =	sfence  }
0xbe: {  	s30 =	sld [smem:$0x0];
	_ =	sdelay $0x2  }
0xbf: {  	s31 =	sshll.u32 s1, $0xD;
	s1 =	sshrl.u32 s1, $0x2  }
0xc0: {  	s3 =	sand.u32 $0x4000, s31;
	s1 =	sadd.s32 s1, s30  }
0xc1: {  	s0 =	sor.u32 s3, s0;
	s1 =	sshll.u32 s1, $0x11  }
0xc2: {  	s0 =	sor.u32 s1, s0  }
0xc3: {  	s0 =	sadd.s32 $0x8F2B, s0  }
0xc4: {  	[sflag:s0] =	ssyncadd.remote.s32 $0x1  }
0xc5: {  	_ =	sfence.sel $0xFFFF  }
0xc6: {  	[dreg:$0x0] =	wrdreg $0xFFFFFFFF;
	(pc) =	sbr.abs _section_cstart, $3  }
0xc7: {  	[dreg:$0x1] =	wrdreg $0xFFFFFFFF  }
0xc8: {  	_ =	task.clear_ibuf [dreg:s8], $0x2FFFF;
	_ =	strace $0x9FFFFFFF  }
0xc9: {  	(tm) =	ssettm $0x7FFFFFFF  }
tec
execute0_lowered:
.L_overlay_start_1:
0x0: {  	(tag) =	ssettag $0x1  }
0x1: {  	s0 =	rddreg [dreg:$0x0]  }
0x2: {  	s1 =	rddreg [dreg:$0x1]  }
0x3: {  	s6 =	rddreg [dreg:$0x2]  }
0x4: {  	s3 =	srdreg.scid;
	s11 =	stileid.u32;
	s2 =	simm.s32 $0x0  }
0x5: {  	s14 =	simm.s32 $0x1600;
	s22 =	simm.s32 $0x9600;
	s30 =	simm.s32 $0xCE00  }
0x6: {  	s31 =	simm.s32 $0x5;
	s15 =	simm.s32 $0x1;
	s16 =	simm.s32 $0x3  }
0x7: {  	s17 =	simm.s32 $0x0;
	s5 =	sand.u32 $0x1, s3;
	s26 =	sshll.u32 s11, $0x1  }
0x8: {  	[smem:$0x7FF] =	sst s2;
	s3 =	sadd.s32 $0x3600, s0;
	s4 =	sadd.s32 $0x51800, s0  }
0x9: {  	s10 =	sadd.s32 $0x9FA00, s0;
	s0 =	sadd.s32 $0x351A00, s0;
	s11 =	smul.u32 $0x159000, s11  }
0xa: {  	s7 =	sor.u32 s5, s26;
	s9 =	ssub.s32 $0x2, s5;
	s13 =	smul.u32 $0xAC800, s5  }
0xb: {  	_ =	strace $0x80000047;
	s8 =	smul.u32 $0x159, s7;
	s12 =	sshrl.u32 s9, $0x1  }
0xc: {  	s7 =	smul.u32 $0xAC800, s7;
	s9 =	ssub.s32 s9, s12;
	s11 =	sadd.s32 s13, s11  }
.Ltmp0:
0xd: {  	s12 =	simm.s32 $0x9;
	s13 =	simm.s32 $0x8;
	(pc) =	sbr.rel .LBB2_1-.Ltmp0, $4  }
0xe: {  	s7 =	sshrl.u32 s7, $0x3;
	s5 =	sadd.s32 s1, s8;
	s6 =	sadd.s32 s6, s8  }
0xf: {  	v2 =	vlaneseq.u32;
	s9 =	smax.u32 s9, $0x1;
	s29 =	sshrl.u32 s11, $0x3;
	s1 =	simm.s32 $0x6  }
0x10: {  	vm0 =	vmmov $0xffff;
	v1 =	vshrl.u32 v2, $0x3;
	s28 =	sadd.s32 $0x15800, s7;
	s21 =	sadd.s32 s29, s0;
	s20 =	sadd.s32 s29, s10  }
0x11: {  	v0 =	vand.u32 $0x7, v2;
	v2 =	vor.u32 $0x8, v2;
	v1 =	vmul.u32 $0x8, v1;
	s7 =	sadd.s32 s10, s28;
	s8 =	sadd.s32 s0, s28;
	s0 =	simm.s32 $0x7  }
.LBB2_5:
0x12: {  	_ =	swait.ge [sflag:s31], $0x4000  }
0x13: {  	[sflag:s31] =	ssyncset.done $0x0  }
0x14: {  	[sflag:s31] =	ssyncadd.s32 $0xFFFFC000  }
0x15: {  	_ =	swait.ge [sflag:s0], $0x4000  }
0x16: {  	[sflag:s0] =	ssyncset.done $0x0  }
0x17: {  	[sflag:s0] =	ssyncadd.s32 $0xFFFFC000  }
0x18: {  	_ =	swait.ge [sflag:s1], $0x4000  }
0x19: {  	[sflag:s1] =	ssyncset.done $0x0  }
0x1a: {  	[sflag:s1] =	ssyncadd.s32 $0xFFFFC000  }
0x1b: {  	_ =	swait.ge [sflag:s13], $0x4000  }
0x1c: {  	[sflag:s13] =	ssyncset.done $0x0  }
0x1d: {  	[sflag:s13] =	ssyncadd.s32 $0xFFFFC000  }
0x1e: {  	v3 =	vld.msk [tilespmem:$0xAC0], $0xff;
	_ =	sdelay $0x4  }
0x1f: {  	v4 =	vshll.u32 v3, $0x1  }
0x20: {  	v3 =	vand.u32 $0x7, v3;
	v4 =	vand.u32 $0xFFFFFFF0, v4  }
0x21: {  	v3 =	vor.u32 v3, v4  }
0x22: {  	v3 =	vperm.xlane v3, v0;
	_ =	sdelay $0x1  }
0x23: {  	v3 =	vadd.s32 v1, v3;
	_ =	sdelay $0x4  }
0x24: {  	[tilespmem:s14], [sflag:$0x1] =	stream.indirect_vreg.gather [hbm4b:s3+s2], $0x80, v3, vm0, $0xb8;
	[tilespmem:$0x11600] =	vst v63  }
0x25: {  	_ =	swait.ge [sflag:s15], $0x800  }
0x26: {  	[sflag:s15] =	ssyncset.done $0x0  }
0x27: {  	[sflag:s15] =	ssyncadd.s32 $0xFFFFF800  }
0x28: {  	v3 =	vld.msk [tilespmem:$0x15C0], $0xff;
	_ =	sdelay $0x4  }
0x29: {  	v63 =	vshll.u32 v3, $0x1  }
0x2a: {  	v3 =	vand.u32 $0x7, v3;
	v4 =	vand.u32 $0xFFFFFFF0, v63  }
0x2b: {  	v3 =	vor.u32 v3, v4  }
0x2c: {  	v3 =	vperm.xlane v3, v0;
	_ =	sdelay $0x1  }
0x2d: {  	v3 =	vadd.s32 v1, v3;
	_ =	sdelay $0x4  }
0x2e: {  	[tilespmem:s22], [sflag:$0x3] =	stream.indirect_vreg.gather [hbm4b:s4+s2], $0x80, v3, vm0, $0xb8;
	[tilespmem:$0x11600] =	vst v63  }
0x2f: {  	_ =	swait.ge [sflag:s16], $0x800  }
0x30: {  	[sflag:s16] =	ssyncset.done $0x0  }
0x31: {  	[sflag:s16] =	ssyncadd.s32 $0xFFFFF800  }
0x32: {  	[hbm4b:s7+s2] =	stream.linear.scatter [tilespmem:s14], [sflag:$0x9], $0x800, $0x38;
	[tilespmem:$0x11600] =	vst v63  }
0x33: {  	s17 =	sadd.s32 $0x1, s17;
	_ =	swait.ge [sflag:s12], $0x800  }
0x34: {  	p0 =	sne.s32 s17, s9;
	[sflag:s12] =	ssyncset.done $0x0  }
.Ltmp1:
0x35: {  	[sflag:s12] =	ssyncadd.s32 $0xFFFFF800;
	(pc) =	sbr.rel @!p0 .LBB2_6-.Ltmp1, $4  }
0x36: {  	[hbm4b:s8+s2] =	stream.linear.scatter [tilespmem:s22], [sflag:$0x9], $0x800, $0x38;
	[tilespmem:$0x11600] =	vst v63  }
0x37: {  	_ =	swait.ge [sflag:s12], $0x800  }
0x38: {  	[sflag:s12] =	ssyncset.done $0x0  }
0x39: {  	[sflag:s12] =	ssyncadd.s32 $0xFFFFF800  }
.LBB2_1:
0x3a: {  	[tilespmem:s2], [sflag:$0x9] =	stream.linear.gather [hbm4b:s5+s2], $0xAC8, $0x38;
	[tilespmem:$0x11600] =	vst v63  }
0x3b: {  	_ =	swait.ge [sflag:s12], $0xAC8  }
0x3c: {  	[sflag:s12] =	ssyncset.done $0x0  }
0x3d: {  	s10 =	simm.s32 $0xB00;
	[sflag:s12] =	ssyncadd.s32 $0xFFFFF538  }
0x3e: {  	[tilespmem:s10], [sflag:$0x9] =	stream.linear.gather [hbm4b:s6+s2], $0xAC8, $0x38;
	[tilespmem:$0x11600] =	vst v63  }
0x3f: {  	_ =	swait.ge [sflag:s12], $0xAC8  }
0x40: {  	[sflag:s12] =	ssyncset.done $0x0  }
0x41: {  	[sflag:s12] =	ssyncadd.s32 $0xFFFFF538  }
0x42: {  	v3 =	vld [tilespmem:$0x0];
	_ =	sdelay $0x4  }
0x43: {  	v4 =	vshll.u32 v3, $0x1  }
0x44: {  	v3 =	vand.u32 $0x7, v3;
	v4 =	vand.u32 $0xFFFFFFF0, v4  }
0x45: {  	v3 =	vor.u32 v3, v4  }
0x46: {  	v4 =	vperm.xlane v3, v0;
	_ =	sdelay $0x1  }
0x47: {  	v3 =	vperm.xlane v3, v2;
	v4 =	vadd.s32 v1, v4;
	_ =	sdelay $0x1  }
0x48: {  	v3 =	vadd.s32 v1, v3;
	_ =	sdelay $0x2  }
0x49: {  	[tilespmem:s14], [sflag:$0x1] =	stream.indirect_vreg.gather [hbm4b:s3+s2], $0x80, v4, vm0, $0xb8;
	[tilespmem:$0x11600] =	vst v63  }
0x4a: {  	s25 =	simm.s32 $0x1E00  }
0x4b: {  	[tilespmem:s25], [sflag:$0x1] =	stream.indirect_vreg.gather [hbm4b:s3+s2], $0x80, v3, vm0, $0xb8;
	[tilespmem:$0x11600] =	vst v63  }
0x4c: {  	v3 =	vld [tilespmem:$0x10];
	_ =	sdelay $0x4  }
0x4d: {  	v57 =	vshll.u32 v3, $0x1  }
0x4e: {  	v3 =	vand.u32 $0x7, v3;
	v4 =	vand.u32 $0xFFFFFFF0, v57  }
0x4f: {  	v3 =	vor.u32 v3, v4  }
0x50: {  	v4 =	vperm.xlane v3, v0;
	_ =	sdelay $0x1  }
0x51: {  	v3 =	vperm.xlane v3, v2;
	v4 =	vadd.s32 v1, v4;
	_ =	sdelay $0x1  }
0x52: {  	v3 =	vadd.s32 v1, v3;
	_ =	sdelay $0x1  }
0x53: {  	s26 =	simm.s32 $0x2600  }
0x54: {  	[tilespmem:s26], [sflag:$0x1] =	stream.indirect_vreg.gather [hbm4b:s3+s2], $0x80, v4, vm0, $0xb8;
	[tilespmem:$0x11600] =	vst v63  }
0x55: {  	s28 =	simm.s32 $0x2E00  }
0x56: {  	[tilespmem:s28], [sflag:$0x1] =	stream.indirect_vreg.gather [hbm4b:s3+s2], $0x80, v3, vm0, $0xb8;
	[tilespmem:$0x11600] =	vst v63  }
0x57: {  	v3 =	vld [tilespmem:$0x20];
	_ =	sdelay $0x4  }
0x58: {  	v58 =	vshll.u32 v3, $0x1  }
0x59: {  	v3 =	vand.u32 $0x7, v3;
	v4 =	vand.u32 $0xFFFFFFF0, v58  }
0x5a: {  	v3 =	vor.u32 v3, v4  }
0x5b: {  	v4 =	vperm.xlane v3, v0;
	_ =	sdelay $0x1  }
0x5c: {  	v3 =	vperm.xlane v3, v2;
	v4 =	vadd.s32 v1, v4;
	_ =	sdelay $0x1  }
0x5d: {  	v3 =	vadd.s32 v1, v3;
	_ =	sdelay $0x1  }
0x5e: {  	s29 =	simm.s32 $0x3600  }
0x5f: {  	[tilespmem:s29], [sflag:$0x1] =	stream.indirect_vreg.gather [hbm4b:s3+s2], $0x80, v4, vm0, $0xb8;
	[tilespmem:$0x11600] =	vst v63  }
0x60: {  	s11 =	simm.s32 $0x3E00  }
0x61: {  	[tilespmem:s11], [sflag:$0x1] =	stream.indirect_vreg.gather [hbm4b:s3+s2], $0x80, v3, vm0, $0xb8;
	[tilespmem:$0x11600] =	vst v63  }
0x62: {  	v3 =	vld [tilespmem:$0x30];
	_ =	sdelay $0x4  }
0x63: {  	v59 =	vshll.u32 v3, $0x1  }
0x64: {  	v3 =	vand.u32 $0x7, v3;
	v4 =	vand.u32 $0xFFFFFFF0, v59  }
0x65: {  	v3 =	vor.u32 v3, v4  }
0x66: {  	v4 =	vperm.xlane v3, v0;
	_ =	sdelay $0x1  }
0x67: {  	v3 =	vperm.xlane v3, v2;
	v4 =	vadd.s32 v1, v4;
	_ =	sdelay $0x1  }
0x68: {  	v3 =	vadd.s32 v1, v3;
	_ =	sdelay $0x1  }
0x69: {  	s18 =	simm.s32 $0x4600  }
0x6a: {  	[tilespmem:s18], [sflag:$0x1] =	stream.indirect_vreg.gather [hbm4b:s3+s2], $0x80, v4, vm0, $0xb8;
	[tilespmem:$0x11600] =	vst v63  }
0x6b: {  	s19 =	simm.s32 $0x4E00  }
0x6c: {  	[tilespmem:s19], [sflag:$0x1] =	stream.indirect_vreg.gather [hbm4b:s3+s2], $0x80, v3, vm0, $0xb8;
	[tilespmem:$0x11600] =	vst v63  }
0x6d: {  	v3 =	vld [tilespmem:$0xB00];
	_ =	sdelay $0x4  }
0x6e: {  	v60 =	vshll.u32 v3, $0x1  }
0x6f: {  	v3 =	vand.u32 $0x7, v3;
	v4 =	vand.u32 $0xFFFFFFF0, v60  }
0x70: {  	v3 =	vor.u32 v3, v4  }
0x71: {  	v4 =	vperm.xlane v3, v0;
	_ =	sdelay $0x1  }
0x72: {  	v3 =	vperm.xlane v3, v2;
	v4 =	vadd.s32 v1, v4;
	_ =	sdelay $0x1  }
0x73: {  	v3 =	vadd.s32 v1, v3;
	_ =	sdelay $0x2  }
0x74: {  	[tilespmem:s22], [sflag:$0x3] =	stream.indirect_vreg.gather [hbm4b:s4+s2], $0x80, v4, vm0, $0xb8;
	[tilespmem:$0x11600] =	vst v63  }
0x75: {  	s23 =	simm.s32 $0x9E00  }
0x76: {  	[tilespmem:s23], [sflag:$0x3] =	stream.indirect_vreg.gather [hbm4b:s4+s2], $0x80, v3, vm0, $0xb8;
	[tilespmem:$0x11600] =	vst v63  }
0x77: {  	v3 =	vld [tilespmem:$0xB10];
	_ =	sdelay $0x4  }
0x78: {  	v61 =	vshll.u32 v3, $0x1  }
0x79: {  	v3 =	vand.u32 $0x7, v3;
	v4 =	vand.u32 $0xFFFFFFF0, v61  }
0x7a: {  	v3 =	vor.u32 v3, v4  }
0x7b: {  	v4 =	vperm.xlane v3, v0;
	_ =	sdelay $0x1  }
0x7c: {  	v3 =	vperm.xlane v3, v2;
	v4 =	vadd.s32 v1, v4;
	_ =	sdelay $0x1  }
0x7d: {  	v3 =	vadd.s32 v1, v3;
	_ =	sdelay $0x1  }
0x7e: {  	s24 =	simm.s32 $0xA600  }
0x7f: {  	[tilespmem:s24], [sflag:$0x3] =	stream.indirect_vreg.gather [hbm4b:s4+s2], $0x80, v4, vm0, $0xb8;
	[tilespmem:$0x11600] =	vst v63  }
0x80: {  	s25 =	simm.s32 $0xAE00  }
0x81: {  	[tilespmem:s25], [sflag:$0x3] =	stream.indirect_vreg.gather [hbm4b:s4+s2], $0x80, v3, vm0, $0xb8;
	[tilespmem:$0x11600] =	vst v63  }
0x82: {  	v3 =	vld [tilespmem:$0xB20];
	_ =	sdelay $0x4  }
0x83: {  	v62 =	vshll.u32 v3, $0x1  }
0x84: {  	v3 =	vand.u32 $0x7, v3;
	v4 =	vand.u32 $0xFFFFFFF0, v62  }
0x85: {  	v3 =	vor.u32 v3, v4  }
0x86: {  	v4 =	vperm.xlane v3, v0;
	_ =	sdelay $0x1  }
0x87: {  	v3 =	vperm.xlane v3, v2;
	v4 =	vadd.s32 v1, v4;
	_ =	sdelay $0x1  }
0x88: {  	v3 =	vadd.s32 v1, v3;
	_ =	sdelay $0x1  }
0x89: {  	s26 =	simm.s32 $0xB600  }
0x8a: {  	[tilespmem:s26], [sflag:$0x3] =	stream.indirect_vreg.gather [hbm4b:s4+s2], $0x80, v4, vm0, $0xb8;
	[tilespmem:$0x11600] =	vst v63  }
0x8b: {  	s28 =	simm.s32 $0xBE00  }
0x8c: {  	[tilespmem:s28], [sflag:$0x3] =	stream.indirect_vreg.gather [hbm4b:s4+s2], $0x80, v3, vm0, $0xb8;
	[tilespmem:$0x11600] =	vst v63  }
0x8d: {  	v3 =	vld [tilespmem:$0xB30];
	_ =	sdelay $0x4  }
0x8e: {  	v63 =	vshll.u32 v3, $0x1  }
0x8f: {  	v3 =	vand.u32 $0x7, v3;
	v4 =	vand.u32 $0xFFFFFFF0, v63  }
0x90: {  	v3 =	vor.u32 v3, v4  }
0x91: {  	v4 =	vperm.xlane v3, v0;
	_ =	sdelay $0x1  }
0x92: {  	v3 =	vperm.xlane v3, v2;
	v4 =	vadd.s32 v1, v4;
	_ =	sdelay $0x1  }
0x93: {  	v3 =	vadd.s32 v1, v3  }
.Ltmp2:
0x94: {  	_ = 	snop;
	(pc) =	sbr.rel .LBB2_2-.Ltmp2, $4  }
0x95: {  	s10 =	smov.u32 s21;
	s29 =	simm.s32 $0xC600;
	s11 =	smov.u32 s20  }
0x96: {  	[tilespmem:s29], [sflag:$0x3] =	stream.indirect_vreg.gather [hbm4b:s4+s2], $0x80, v4, vm0, $0xb8;
	[tilespmem:$0x11600] =	vst v63  }
0x97: {  	s18 =	simm.s32 $0xB70;
	s19 =	simm.s32 $0x70;
	s23 =	simm.s32 $0x0  }
0x98: {  	[tilespmem:s30], [sflag:$0x3] =	stream.indirect_vreg.gather [hbm4b:s4+s2], $0x80, v3, vm0, $0xb8;
	[tilespmem:$0x11600] =	vst v63  }
.LBB2_4:
0x99: {  	s23 =	sand.u32 $0x1, s23  }
0x9a: {  	s25 =	sadd.s32 $0x1, s23  }
0x9b: {  	_ =	swait.ge [sflag:s25], $0x4000  }
0x9c: {  	[sflag:s25] =	ssyncset.done $0x0  }
0x9d: {  	s28 =	sadd.s32 $0x3, s23;
	[sflag:s25] =	ssyncadd.s32 $0xFFFFC000  }
0x9e: {  	p0 =	sne.s32 s24, $0x2B;
	s18 =	sadd.s32 $0x40, s18;
	_ =	swait.ge [sflag:s28], $0x4000  }
0x9f: {  	s26 =	sshll.u32 s23, $0xE;
	s29 =	sadd.s32 $0x5, s23;
	[sflag:s28] =	ssyncset.done $0x0  }
.Ltmp3:
0xa0: {  	[sflag:s28] =	ssyncadd.s32 $0xFFFFC000;
	s28 =	sor.u32 $0x1600, s26;
	(pc) =	sbr.rel @!p0 .LBB2_5-.Ltmp3, $4  }
0xa1: {  	[hbm4b:s11+s2] =	stream.linear.scatter [tilespmem:s28], [sflag:s29], $0x4000, $0x38;
	[tilespmem:$0x11600] =	vst v63  }
0xa2: {  	s19 =	sadd.s32 $0x40, s19;
	s23 =	sadd.s32 $0x7, s23;
	s29 =	sor.u32 $0x9600, s26  }
0xa3: {  	[hbm4b:s10+s2] =	stream.linear.scatter [tilespmem:s29], [sflag:s23], $0x4000, $0x38;
	[tilespmem:$0x11600] =	vst v63  }
0xa4: {  	s11 =	sadd.s32 $0x800, s11;
	s10 =	sadd.s32 $0x800, s10;
	s23 =	smov.u32 s24  }
.LBB2_2:
0xa5: {  	p0 =	seq.s32 s23, $0x2A  }
.Ltmp4:
0xa6: {  	_ = 	snop;
	(pc) =	sbr.rel @p0 .LBB2_4-.Ltmp4, $2  }
0xa7: {  	_ =	sdelay $0x2  }
0xa8: {  	s24 =	sadd.s32 $0x1, s23  }
0xa9: {  	s26 =	sand.u32 $0x1, s24;
	p0 =	seq.s32 s23, $0x0  }
0xaa: {  	s25 =	sadd.s32 @!p0 $0x5, s26  }
0xab: {  	_ =	swait.ge @!p0 [sflag:s25], $0x4000  }
0xac: {  	[sflag:s25] =	ssyncset.done @!p0 $0x0  }
0xad: {  	[sflag:s25] =	ssyncadd.s32 @!p0 $0xFFFFC000;
	s25 =	sadd.s32 @!p0 $0x7, s26  }
0xae: {  	_ =	swait.ge @!p0 [sflag:s25], $0x4000  }
0xaf: {  	[sflag:s25] =	ssyncset.done @!p0 $0x0  }
0xb0: {  	[sflag:s25] =	ssyncadd.s32 @!p0 $0xFFFFC000  }
0xb1: {  	v3 =	vld [tilespmem:s19+$0xFFFFFFD0];
	_ =	sdelay $0x4  }
0xb2: {  	v4 =	vshll.u32 v3, $0x1  }
0xb3: {  	v3 =	vand.u32 $0x7, v3;
	v4 =	vand.u32 $0xFFFFFFF0, v4  }
0xb4: {  	v3 =	vor.u32 v3, v4  }
0xb5: {  	v4 =	vperm.xlane v3, v0;
	_ =	sdelay $0x1  }
0xb6: {  	v3 =	vperm.xlane v3, v2;
	v4 =	vadd.s32 v1, v4;
	_ =	sdelay $0x1  }
0xb7: {  	v3 =	vadd.s32 v1, v3  }
0xb8: {  	s25 =	sshll.u32 s26, $0xE  }
0xb9: {  	s29 =	sadd.s32 $0x1, s26;
	s28 =	sor.u32 $0x1600, s25  }
0xba: {  	[tilespmem:s28], [sflag:s29] =	stream.indirect_vreg.gather [hbm4b:s3+s2], $0x80, v4, vm0, $0xb8;
	[tilespmem:$0x11600] =	vst v63  }
0xbb: {  	s28 =	sor.u32 $0x1E00, s25  }
0xbc: {  	[tilespmem:s28], [sflag:s29] =	stream.indirect_vreg.gather [hbm4b:s3+s2], $0x80, v3, vm0, $0xb8;
	[tilespmem:$0x11600] =	vst v63  }
0xbd: {  	v3 =	vld [tilespmem:s19+$0xFFFFFFE0];
	_ =	sdelay $0x4  }
0xbe: {  	v57 =	vshll.u32 v3, $0x1  }
0xbf: {  	v3 =	vand.u32 $0x7, v3;
	v4 =	vand.u32 $0xFFFFFFF0, v57  }
0xc0: {  	v3 =	vor.u32 v3, v4  }
0xc1: {  	v4 =	vperm.xlane v3, v0;
	_ =	sdelay $0x1  }
0xc2: {  	v3 =	vperm.xlane v3, v2;
	v4 =	vadd.s32 v1, v4;
	_ =	sdelay $0x1  }
0xc3: {  	v3 =	vadd.s32 v1, v3;
	_ =	sdelay $0x1  }
0xc4: {  	s28 =	sor.u32 $0x2600, s25  }
0xc5: {  	[tilespmem:s28], [sflag:s29] =	stream.indirect_vreg.gather [hbm4b:s3+s2], $0x80, v4, vm0, $0xb8;
	[tilespmem:$0x11600] =	vst v63  }
0xc6: {  	s28 =	sor.u32 $0x2E00, s25  }
0xc7: {  	[tilespmem:s28], [sflag:s29] =	stream.indirect_vreg.gather [hbm4b:s3+s2], $0x80, v3, vm0, $0xb8;
	[tilespmem:$0x11600] =	vst v63  }
0xc8: {  	v3 =	vld [tilespmem:s19+$0xFFFFFFF0];
	_ =	sdelay $0x4  }
0xc9: {  	v58 =	vshll.u32 v3, $0x1  }
0xca: {  	v3 =	vand.u32 $0x7, v3;
	v4 =	vand.u32 $0xFFFFFFF0, v58  }
0xcb: {  	v3 =	vor.u32 v3, v4  }
0xcc: {  	v4 =	vperm.xlane v3, v0;
	_ =	sdelay $0x1  }
0xcd: {  	v3 =	vperm.xlane v3, v2;
	v4 =	vadd.s32 v1, v4;
	_ =	sdelay $0x1  }
0xce: {  	v3 =	vadd.s32 v1, v3;
	_ =	sdelay $0x1  }
0xcf: {  	s28 =	sor.u32 $0x3600, s25  }
0xd0: {  	[tilespmem:s28], [sflag:s29] =	stream.indirect_vreg.gather [hbm4b:s3+s2], $0x80, v4, vm0, $0xb8;
	[tilespmem:$0x11600] =	vst v63  }
0xd1: {  	s28 =	sor.u32 $0x3E00, s25  }
0xd2: {  	[tilespmem:s28], [sflag:s29] =	stream.indirect_vreg.gather [hbm4b:s3+s2], $0x80, v3, vm0, $0xb8;
	[tilespmem:$0x11600] =	vst v63  }
0xd3: {  	v3 =	vld [tilespmem:s19+$0x0];
	_ =	sdelay $0x4  }
0xd4: {  	v59 =	vshll.u32 v3, $0x1  }
0xd5: {  	v3 =	vand.u32 $0x7, v3;
	v4 =	vand.u32 $0xFFFFFFF0, v59  }
0xd6: {  	v3 =	vor.u32 v3, v4  }
0xd7: {  	v4 =	vperm.xlane v3, v0;
	_ =	sdelay $0x1  }
0xd8: {  	v3 =	vperm.xlane v3, v2;
	v4 =	vadd.s32 v1, v4;
	_ =	sdelay $0x1  }
0xd9: {  	v3 =	vadd.s32 v1, v3;
	_ =	sdelay $0x1  }
0xda: {  	s28 =	sadd.s32 $0x4600, s25  }
0xdb: {  	[tilespmem:s28], [sflag:s29] =	stream.indirect_vreg.gather [hbm4b:s3+s2], $0x80, v4, vm0, $0xb8;
	[tilespmem:$0x11600] =	vst v63  }
0xdc: {  	s28 =	sadd.s32 $0x4E00, s25  }
0xdd: {  	[tilespmem:s28], [sflag:s29] =	stream.indirect_vreg.gather [hbm4b:s3+s2], $0x80, v3, vm0, $0xb8;
	[tilespmem:$0x11600] =	vst v63  }
0xde: {  	v3 =	vld [tilespmem:s18+$0xFFFFFFD0];
	_ =	sdelay $0x4  }
0xdf: {  	v60 =	vshll.u32 v3, $0x1  }
0xe0: {  	v3 =	vand.u32 $0x7, v3;
	v4 =	vand.u32 $0xFFFFFFF0, v60  }
0xe1: {  	v3 =	vor.u32 v3, v4  }
0xe2: {  	v4 =	vperm.xlane v3, v0;
	_ =	sdelay $0x1  }
0xe3: {  	v3 =	vperm.xlane v3, v2;
	v4 =	vadd.s32 v1, v4;
	_ =	sdelay $0x1  }
0xe4: {  	v3 =	vadd.s32 v1, v3;
	_ =	sdelay $0x1  }
0xe5: {  	s26 =	sadd.s32 $0x3, s26;
	s29 =	sor.u32 $0x9600, s25  }
0xe6: {  	[tilespmem:s29], [sflag:s26] =	stream.indirect_vreg.gather [hbm4b:s4+s2], $0x80, v4, vm0, $0xb8;
	[tilespmem:$0x11600] =	vst v63  }
0xe7: {  	s29 =	sor.u32 $0x9E00, s25  }
0xe8: {  	[tilespmem:s29], [sflag:s26] =	stream.indirect_vreg.gather [hbm4b:s4+s2], $0x80, v3, vm0, $0xb8;
	[tilespmem:$0x11600] =	vst v63  }
0xe9: {  	v3 =	vld [tilespmem:s18+$0xFFFFFFE0];
	_ =	sdelay $0x4  }
0xea: {  	v61 =	vshll.u32 v3, $0x1  }
0xeb: {  	v3 =	vand.u32 $0x7, v3;
	v4 =	vand.u32 $0xFFFFFFF0, v61  }
0xec: {  	v3 =	vor.u32 v3, v4  }
0xed: {  	v4 =	vperm.xlane v3, v0;
	_ =	sdelay $0x1  }
0xee: {  	v3 =	vperm.xlane v3, v2;
	v4 =	vadd.s32 v1, v4;
	_ =	sdelay $0x1  }
0xef: {  	v3 =	vadd.s32 v1, v3;
	_ =	sdelay $0x1  }
0xf0: {  	s29 =	sor.u32 $0xA600, s25  }
0xf1: {  	[tilespmem:s29], [sflag:s26] =	stream.indirect_vreg.gather [hbm4b:s4+s2], $0x80, v4, vm0, $0xb8;
	[tilespmem:$0x11600] =	vst v63  }
0xf2: {  	s29 =	sor.u32 $0xAE00, s25  }
0xf3: {  	[tilespmem:s29], [sflag:s26] =	stream.indirect_vreg.gather [hbm4b:s4+s2], $0x80, v3, vm0, $0xb8;
	[tilespmem:$0x11600] =	vst v63  }
0xf4: {  	v3 =	vld [tilespmem:s18+$0xFFFFFFF0];
	_ =	sdelay $0x4  }
0xf5: {  	v62 =	vshll.u32 v3, $0x1  }
0xf6: {  	v3 =	vand.u32 $0x7, v3;
	v4 =	vand.u32 $0xFFFFFFF0, v62  }
0xf7: {  	v3 =	vor.u32 v3, v4  }
0xf8: {  	v4 =	vperm.xlane v3, v0;
	_ =	sdelay $0x1  }
0xf9: {  	v3 =	vperm.xlane v3, v2;
	v4 =	vadd.s32 v1, v4;
	_ =	sdelay $0x1  }
0xfa: {  	v3 =	vadd.s32 v1, v3;
	_ =	sdelay $0x1  }
0xfb: {  	s29 =	sor.u32 $0xB600, s25  }
0xfc: {  	[tilespmem:s29], [sflag:s26] =	stream.indirect_vreg.gather [hbm4b:s4+s2], $0x80, v4, vm0, $0xb8;
	[tilespmem:$0x11600] =	vst v63  }
0xfd: {  	s29 =	sor.u32 $0xBE00, s25  }
0xfe: {  	[tilespmem:s29], [sflag:s26] =	stream.indirect_vreg.gather [hbm4b:s4+s2], $0x80, v3, vm0, $0xb8;
	[tilespmem:$0x11600] =	vst v63  }
0xff: {  	v3 =	vld [tilespmem:s18+$0x0];
	_ =	sdelay $0x4  }
0x100: {  	v63 =	vshll.u32 v3, $0x1  }
0x101: {  	v3 =	vand.u32 $0x7, v3;
	v4 =	vand.u32 $0xFFFFFFF0, v63  }
0x102: {  	v3 =	vor.u32 v3, v4  }
0x103: {  	v4 =	vperm.xlane v3, v0;
	_ =	sdelay $0x1  }
0x104: {  	v3 =	vperm.xlane v3, v2;
	v4 =	vadd.s32 v1, v4;
	_ =	sdelay $0x1  }
0x105: {  	v3 =	vadd.s32 v1, v3  }
.Ltmp5:
0x106: {  	_ = 	snop;
	(pc) =	sbr.rel .LBB2_4-.Ltmp5, $4  }
0x107: {  	s29 =	sadd.s32 $0xC600, s25  }
0x108: {  	[tilespmem:s29], [sflag:s26] =	stream.indirect_vreg.gather [hbm4b:s4+s2], $0x80, v4, vm0, $0xb8;
	[tilespmem:$0x11600] =	vst v63  }
0x109: {  	s25 =	sadd.s32 $0xCE00, s25  }
0x10a: {  	[tilespmem:s25], [sflag:s26] =	stream.indirect_vreg.gather [hbm4b:s4+s2], $0x80, v3, vm0, $0xb8;
	[tilespmem:$0x11600] =	vst v63  }
.LBB2_6:
0x10b: {  	_ =	sfence.sel $0x180000  }
0x10c: {  	[bflag:$0x0] =	sbarrier.arrive $0xFFFF  }
0x10d: {  	_ =	strace $0x90000047  }
0x10e: {  	s0 =	stileid.u32;
	[bflag:$0x2] =	sbarrier.arrive $0xFFFF  }
0x10f: {  	p0 =	sne.s32 s0, $0x0;
	s0 =	rddreg [dreg:$0x3]  }
0x110: {  	s0 =	sadd.s32 @!p0 $0x100000, s0  }
0x111: {  	[sflag:s0] =	ssyncadd.tile.s32 @!p0 $0x1;
	_ =	shalt  }
.Lfunc_end2:
_tile_overlayer_lowered:
.L_overlay_start_2:
0x112: {  	(tag) =	ssettag $0x2  }
0x113: {  	s0 =	rddreg [dreg:$0x0];
	s2 =	stileid.u32  }
0x114: {  	s1 =	rddreg [dreg:$0x1];
	p0 =	sne.s32 s2, $0x0  }
0x115: {  	s3 =	rddreg [dreg:$0x2];
	[bflag:$0x3] =	sbarrier.arrive $0xFFFF;
	s2 =	simm.s32 @!p0 $0x1C09  }
0x116: {  	[timem:s3], [sflag:s2] =	dma.local @!p0 [hbm:s0], s1  }
0x117: {  	s0 =	simm.s32 @!p0 $0x9  }
0x118: {  	_ =	swait.ge @!p0 [sflag:s0], s1  }
0x119: {  	s1 =	ssub.s32 @!p0 $0x0, s1;
	[sflag:s0] =	ssyncset.done @!p0 $0x0  }
0x11a: {  	[sflag:s0] =	ssyncadd.s32 @!p0 s1  }
0x11b: {  	[bflag:$0x3] =	sbarrier.arrive $0xFFFF  }
0x11c: {  	_ =	shalt  }

// kernel: kernel.7.cloned.1.call-start
scs
__scs_entry_jumppad:
0x0: {  	(pc) =	sbr.rel $0x88, $3  }
0x1: {  	(tag) =	ssettag $0x0;
	lr =	simm.s32 $0x1  }
0x2: {  	[smem:$0x3F8B] =	sst lr;
	_ =	strace $0xD0000000  }
0x3: {  	_ = 	snop  }
0x4: {  	_ = 	snop  }
0x5: {  	_ = 	snop  }
0x6: {  	_ = 	snop  }
0x7: {  	_ = 	snop  }
__scs_overlays_trampoline_lowered:
0x8: {  	[smem:$0x3F9A] =	sst s0  }
0x9: {  	[smem:$0x3F9B] =	sst s1  }
0xa: {  	[smem:$0x3F9C] =	sst s2  }
0xb: {  	[smem:$0x3F9D] =	sst s3  }
0xc: {  	[smem:$0x3F9E] =	sst s4  }
0xd: {  	[smem:$0x3F9F] =	sst s5  }
0xe: {  	[smem:$0x3FA0] =	sst s6  }
0xf: {  	[smem:$0x3FA1] =	sst s7  }
0x10: {  	[smem:$0x3FA2] =	sst s8  }
0x11: {  	[smem:$0x3FA3] =	sst s9;
	s0 =	simm.s32 @!p0 $0x0  }
0x12: {  	s1 =	sld [smem:$0x3F89];
	s0 =	simm.s32 @p0 $0x1  }
0x13: {  	[smem:$0x3FA4] =	sst s0;
	s0 =	simm.s32 @!p1 $0x0  }
0x14: {  	s2 =	sld [smem:$0x3F88];
	s0 =	simm.s32 @p1 $0x1  }
0x15: {  	[smem:$0x3FA5] =	sst s0;
	s0 =	simm.s32 @!p2 $0x0  }
0x16: {  	s3 =	sld [smem:$0x3FDB];
	s0 =	simm.s32 @p2 $0x1  }
0x17: {  	s4 =	simm.s32 $0x1BF5;
	[smem:$0x3FA7] =	sst s0  }
0x18: {  	s0 =	sld [smem:$0x3F8A];
	_ =	swait.ge [sflag:s4], $0x0  }
0x19: {  	s7 =	sld [smem:$0x3F8B]  }
0x1a: {  	s8 =	sadd.s32 $0xFFFFE003, lr  }
0x1b: {  	s9 =	sadd.s32 $0xFFFFFEF7, lr;
	s5 =	simm.s32 $0xFFFFFFFF;
	p2 =	slt.u32 s8, $0xFFFFF086  }
0x1c: {  	p1 =	slt.u32 s9, $0xF7A;
	s5 =	simm.s32 @!p2 $0x0  }
0x1d: {  	s5 =	simm.s32 @p1 $0x1;
	p0 =	seq.s32 s7, s2  }
0x1e: {  	s7 =	smul.u32 @!p0 $0xF7A, s2;
	p2 =	seq.s32 @!p0 s5, $0x0  }
0x1f: {  	s9 =	smul.u32 $0xF7A, s1;
	s8 =	simm.s32 @!p0 $0x1BF5;
	p2 =	por !p2, p0  }
0x20: {  	[sflag:s8] =	ssyncset.s32 @!p0 $0xFFFFF086;
	s6 =	sadd.s32 @!p0 s3, s7;
	s7 =	simm.s32 @!p0 $0x108  }
0x21: {  	s3 =	sadd.s32 s3, s9;
	s6 =	sadd.s32 @!p0 $0x88, s6;
	s7 =	simm.s32 @p2 $0x1082  }
0x22: {  	[simem:s7], [sflag:s8] =	dma.local @!p0 [hbm:s6], $0xF7A  }
0x23: {  	s9 =	sor.u32 $0xD0000000, s2;
	s6 =	simm.s32 $0x108;
	_ =	swait.ge @!p0 [sflag:s8], $0x0  }
0x24: {  	s3 =	sadd.s32 $0x88, s3;
	s6 =	simm.s32 @!p1 $0x1082;
	[sflag:s4] =	ssyncset.s32 $0xFFFFF086  }
0x25: {  	[simem:s6], [sflag:s4] =	dma.local [hbm:s3], $0xF7A  }
0x26: {  	[smem:$0x3F8B] =	sst s1;
	(tag) =	ssettag s2;
	_ =	strace s9  }
0x27: {  	s1 =	sld [smem:$0x3F9B]  }
0x28: {  	s2 =	sld [smem:$0x3F9C]  }
0x29: {  	s4 =	sld [smem:$0x3F9E]  }
0x2a: {  	p0 =	seq.s32 s5, $0x0;
	s5 =	sld [smem:$0x3F9F]  }
0x2b: {  	s6 =	sld [smem:$0x3FA0]  }
0x2c: {  	s7 =	sld [smem:$0x3FA1]  }
0x2d: {  	s3 =	simm.s32 $0x108;
	s8 =	sld [smem:$0x3FA2]  }
0x2e: {  	s3 =	simm.s32 @!p0 $0x1082;
	s9 =	sld [smem:$0x3FA3]  }
0x2f: {  	lr =	sadd.s32 s0, s3;
	s0 =	sld [smem:$0x3F9A]  }
0x30: {  	s3 =	sld [smem:$0x3F9D]  }
0x31: {  	[smem:$0x3FA6] =	sst s10  }
0x32: {  	s10 =	sld [smem:$0x3FA4];
	_ =	sdelay $0x3  }
0x33: {  	p0 =	seq.s32 s10, $0x1;
	s10 =	sld [smem:$0x3FA6];
	_ =	sdelay $0x3  }
0x34: {  	[smem:$0x3FA6] =	sst s10  }
0x35: {  	s10 =	sld [smem:$0x3FA5];
	_ =	sdelay $0x3  }
0x36: {  	p1 =	seq.s32 s10, $0x1;
	s10 =	sld [smem:$0x3FA6];
	_ =	sdelay $0x3  }
0x37: {  	[smem:$0x3FA6] =	sst s10  }
0x38: {  	s10 =	sld [smem:$0x3FA7]  }
0x39: {  	_ = 	snop;
	(pc) =	sbr.ind lr, $3  }
0x3a: {  	_ = 	snop  }
0x3b: {  	_ = 	snop  }
0x3c: {  	p2 =	seq.s32 s10, $0x1;
	s10 =	sld [smem:$0x3FA6]  }
0x3d: {  	_ =	shalt  }
0x3e: {  	_ =	shalt  }
0x3f: {  	_ =	shalt  }
0x40: {  	_ =	shalt  }
0x41: {  	_ =	shalt  }
0x42: {  	_ =	shalt  }
0x43: {  	_ =	shalt  }
0x44: {  	_ =	shalt  }
0x45: {  	_ =	shalt  }
0x46: {  	_ =	shalt  }
0x47: {  	_ =	shalt  }
0x48: {  	_ =	shalt  }
0x49: {  	_ =	shalt  }
0x4a: {  	_ =	shalt  }
0x4b: {  	_ =	shalt  }
0x4c: {  	_ =	shalt  }
0x4d: {  	_ =	shalt  }
0x4e: {  	_ =	shalt  }
0x4f: {  	_ =	shalt  }
0x50: {  	_ =	shalt  }
0x51: {  	_ =	shalt  }
0x52: {  	_ =	shalt  }
0x53: {  	_ =	shalt  }
0x54: {  	_ =	shalt  }
0x55: {  	_ =	shalt  }
0x56: {  	_ =	shalt  }
0x57: {  	_ =	shalt  }
0x58: {  	_ =	shalt  }
0x59: {  	_ =	shalt  }
0x5a: {  	_ =	shalt  }
0x5b: {  	_ =	shalt  }
0x5c: {  	_ =	shalt  }
0x5d: {  	_ =	shalt  }
0x5e: {  	_ =	shalt  }
0x5f: {  	_ =	shalt  }
0x60: {  	_ =	shalt  }
0x61: {  	_ =	shalt  }
0x62: {  	_ =	shalt  }
0x63: {  	_ =	shalt  }
0x64: {  	_ =	shalt  }
0x65: {  	_ =	shalt  }
0x66: {  	_ =	shalt  }
0x67: {  	_ =	shalt  }
0x68: {  	_ =	shalt  }
0x69: {  	_ =	shalt  }
0x6a: {  	_ =	shalt  }
0x6b: {  	_ =	shalt  }
0x6c: {  	_ =	shalt  }
0x6d: {  	_ =	shalt  }
0x6e: {  	_ =	shalt  }
0x6f: {  	_ =	shalt  }
0x70: {  	_ =	shalt  }
0x71: {  	_ =	shalt  }
0x72: {  	_ =	shalt  }
0x73: {  	_ =	shalt  }
0x74: {  	_ =	shalt  }
0x75: {  	_ =	shalt  }
0x76: {  	_ =	shalt  }
0x77: {  	_ =	shalt  }
0x78: {  	_ =	shalt  }
0x79: {  	_ =	shalt  }
0x7a: {  	_ =	shalt  }
0x7b: {  	_ =	shalt  }
0x7c: {  	_ =	shalt  }
0x7d: {  	_ =	shalt  }
0x7e: {  	_ =	shalt  }
0x7f: {  	_ =	shalt  }
0x80: {  	_ =	shalt  }
0x81: {  	_ =	shalt  }
0x82: {  	_ =	shalt  }
0x83: {  	_ =	shalt  }
0x84: {  	_ =	shalt  }
0x85: {  	_ =	shalt  }
0x86: {  	_ =	shalt  }
0x87: {  	_ =	shalt  }
.Lfunc_end0:
.L_simem_size_0:
called_computation_lowered:
.L_overlay_start_0:
0x88: {  	s2 =	sld [smem:$0x3FD9]  }
0x89: {  	s3 =	sld [smem:$0x3FFE];
	_ =	sdelay $0x1  }
0x8a: {  	s1 =	srdreg.scid  }
0x8b: {  	s0 =	sand.u32 $0x1, s1  }
0x8c: {  	s17 =	sshll.u32 s0, $0xA;
	s2 =	sadd.s32 s3, s2  }
0x8d: {  	s2 =	sadd.s32 s2, s17  }
0x8e: {  	[smem:$0x3FB2] =	sst s2  }
0x8f: {  	_ = 	snop  }
0x90: {  	(tm) =	ssettm $0x1  }
0x91: {  	s18 =	sld [smem:$0x3FFB];
	_ =	sdelay $0x3  }
0x92: {  	_ =	strace s18  }
0x93: {  	s2 =	sld [smem:$0x3FFC];
	_ =	sdelay $0x3  }
0x94: {  	_ =	strace s2  }
0x95: {  	s2 =	sld [smem:$0x3FFD];
	_ =	sdelay $0x3  }
0x96: {  	_ =	strace s2  }
0x97: {  	_ =	strace $0x8FFFFFFF  }
0x98: {  	s19 =	sld [smem:$0x3FDB];
	_ =	sdelay $0x1  }
0x99: {  	s20 =	simm.s32 $_scs_section_size  }
0x9a: {  	s4 =	simm.s32 $_size__tile_overlayer_lowered;
	s5 =	simm.s32 $_tile_overlayer_lowered  }
0x9b: {  	s6 =	simm.s32 $0x1BFF;
	s21 =	sshll.u32 s5, $0x1;
	s3 =	sadd.s32 s20, s19  }
0x9c: {  	s22 =	simm.s32 $0x0;
	s4 =	sshll.u32 s4, $0x1;
	s5 =	sadd.s32 s21, s3  }
0x9d: {  	[timem:s22], [sflag:s6] =	dma.local [hbm:s5], s4  }
0x9e: {  	_ =	swait.ge [sflag:s6], s4  }
0x9f: {  	s4 =	ssub.s32 $0x0, s4;
	[sflag:s6] =	ssyncset.done $0x0  }
0xa0: {  	[sflag:s6] =	ssyncadd.s32 s4;
	_ =	sdelay $0x1  }
0xa1: {  	s23 =	simm.s32 $0x1B8B  }
0xa2: {  	_ =	swait.ge [sflag:s23], $0x1  }
0xa3: {  	[sflag:s23] =	ssyncset.done $0x0  }
0xa4: {  	[sflag:s23] =	ssyncadd.s32 $0xFFFFFFFF  }
0xa5: {  	s4 =	sld [smem:$0x0]  }
0xa6: {  	s5 =	sand.u32 $0xFFFFFFFE, s1  }
0xa7: {  	p0 =	sne.s32 s1, s5  }
0xa8: {  	s5 =	sshll.u32 @p0 s5, $0xE  }
0xa9: {  	s5 =	sadd.s32 @p0 $0x11B8D, s5;
	s6 =	sshll.u32 @p0 s4, $0x11  }
0xaa: {  	s5 =	sor.u32 @p0 s6, s5  }
0xab: {  	[sflag:s5] =	ssyncadd.remote.s32 @p0 $0x1;
	_ =	sdelay $0x1  }
0xac: {  	s5 =	simm.s32 @p0 $0x1B8D  }
0xad: {  	_ =	swait.eq @p0 [sflag:s5], $0x1  }
0xae: {  	[sflag:s5] =	ssyncadd.s32 @p0 $0xFFFFFFFF  }
0xaf: {  	s6 =	sshll.u32 @!p0 s1, $0xE  }
0xb0: {  	s6 =	sor.u32 @!p0 $0x4000, s6;
	s5 =	simm.s32 @!p0 $0x1B8D  }
0xb1: {  	s4 =	sshll.u32 @!p0 s4, $0x11;
	s6 =	sadd.s32 @!p0 $0x11B8D, s6;
	_ =	swait.eq @!p0 [sflag:s5], $0x1  }
0xb2: {  	s4 =	sor.u32 @!p0 s4, s6;
	[sflag:s5] =	ssyncadd.s32 @!p0 $0xFFFFFFFF  }
0xb3: {  	s25 =	simm.s32 $0x1B8E;
	s24 =	sld [smem:$0x3FFE];
	[sflag:s4] =	ssyncadd.remote.s32 @!p0 $0x1  }
0xb4: {  	s26 =	simm.s32 $execute0_lowered;
	[smem:$0x3FD2] =	sst s25  }
0xb5: {  	s5 =	sshll.u32 s26, $0x1;
	_ =	strace $0x80000049;
	[dreg:$0x1] =	wrdreg $0xFFFFFFFF  }
0xb6: {  	s28 =	simm.s32 $_size_execute0_lowered;
	s3 =	sadd.s32 s3, s5;
	[dreg:$0x0] =	wrdreg $0x0  }
0xb7: {  	s5 =	sshll.u32 s28, $0x1;
	[dreg:$0x2] =	wrdreg s3  }
0xb8: {  	[dreg:$0x3] =	wrdreg s5  }
0xb9: {  	[dreg:$0x4] =	wrdreg $0xC0  }
0xba: {  	_ =	task [dreg:s22], $0x5FFFF  }
0xbb: {  	[dreg:$0x1] =	wrdreg $0xFFFFFFFF  }
0xbc: {  	[dreg:$0x0] =	wrdreg $0x60  }
0xbd: {  	[dreg:$0x2] =	wrdreg s24  }
0xbe: {  	[dreg:$0x3] =	wrdreg $0x9  }
0xbf: {  	_ =	task.clear_ibuf [dreg:s22], $0x4FFFF;
	_ =	strace $0x90000049  }
0xc0: {  	s29 =	simm.s32 $0x9;
	_ =	strace $0x8000004B  }
0xc1: {  	_ =	swait.ge [sflag:s29], $0x1  }
0xc2: {  	[sflag:s29] =	ssyncadd.s32 $0xFFFFFFFF  }
0xc3: {  	_ =	strace $0x9000004B  }
0xc4: {  	_ =	sfence  }
0xc5: {  	s30 =	sld [smem:$0x0];
	_ =	sdelay $0x2  }
0xc6: {  	s31 =	sshll.u32 s1, $0xD;
	s1 =	sshrl.u32 s1, $0x2  }
0xc7: {  	s4 =	sand.u32 $0x4000, s31;
	s1 =	sadd.s32 s1, s30  }
0xc8: {  	s0 =	sor.u32 s4, s0;
	s1 =	sshll.u32 s1, $0x11  }
0xc9: {  	s0 =	sor.u32 s1, s0  }
0xca: {  	s0 =	sadd.s32 $0x8F2B, s0  }
0xcb: {  	[sflag:s0] =	ssyncadd.remote.s32 $0x1  }
0xcc: {  	_ =	sfence.sel $0xFFFF  }
0xcd: {  	[dreg:$0x0] =	wrdreg $0xFFFFFFFF;
	(pc) =	sbr.abs _section_cstart, $3  }
0xce: {  	[dreg:$0x1] =	wrdreg $0xFFFFFFFF  }
0xcf: {  	_ =	task.clear_ibuf [dreg:s22], $0x2FFFF;
	_ =	strace $0x9FFFFFFF  }
0xd0: {  	(tm) =	ssettm $0x7FFFFFFF  }
0xd1: {  	_ =	shalt  }
tec
execute0_lowered:
.L_overlay_start_1:
0x0: {  	(tag) =	ssettag $0x1  }
0x1: {  	s0 =	rddreg [dreg:$0x0]  }
0x2: {  	s2 =	simm.s32 $0x0;
	s1 =	srdreg.scid;
	s4 =	stileid.u32  }
0x3: {  	s10 =	simm.s32 $0x9;
	s21 =	simm.s32 $0x9A00;
	s22 =	simm.s32 $0xA200  }
0x4: {  	s23 =	simm.s32 $0xAA00;
	s28 =	simm.s32 $0xCA00;
	s29 =	simm.s32 $0x5  }
0x5: {  	s30 =	simm.s32 $0x7;
	s31 =	simm.s32 $0x6;
	s1 =	sand.u32 $0x1, s1  }
0x6: {  	s3 =	sshll.u32 s4, $0x1;
	s5 =	smul.u32 $0x118000, s4;
	[smem:$0x7FF] =	sst s2  }
0x7: {  	s4 =	sadd.s32 $0x51800, s0;
	s24 =	sor.u32 s1, s3;
	s6 =	smul.u32 $0x8C000, s1  }
0x8: {  	_ =	strace $0x8000004A;
	s3 =	sadd.s32 $0x3600, s0;
	s1 =	ssub.s32 $0x2, s1  }
0x9: {  	s7 =	smul.u32 $0x118, s24;
	s26 =	sshrl.u32 s1, $0x1;
	s24 =	simm.s32 $0xB200  }
.Ltmp0:
0xa: {  	s5 =	sadd.s32 s6, s5;
	s1 =	ssub.s32 s1, s26;
	(pc) =	sbr.rel .LBB2_1-.Ltmp0, $4  }
0xb: {  	s26 =	simm.s32 $0xC200;
	s25 =	sadd.s32 s7, s0;
	s5 =	sshrl.u32 s5, $0x3  }
0xc: {  	v2 =	vlaneseq.u32;
	s7 =	smax.u32 s1, $0x1;
	s0 =	sadd.s32 s5, s0;
	s5 =	sadd.s32 $0x605E00, s25  }
0xd: {  	vm0 =	vmmov $0xffff;
	v1 =	vshrl.u32 v2, $0x3;
	s1 =	simm.s32 $0x0;
	s6 =	sadd.s32 $0x603A00, s25;
	s25 =	simm.s32 $0xBA00  }
0xe: {  	v0 =	vand.u32 $0x7, v2;
	v2 =	vor.u32 $0x8, v2;
	v1 =	vmul.u32 $0x8, v1;
	s14 =	sadd.s32 $0x838200, s0;
	s13 =	sadd.s32 $0x608200, s0;
	s0 =	simm.s32 $0x8  }
.LBB2_5:
0xf: {  	_ =	swait.ge [sflag:s29], $0x4000  }
0x10: {  	[sflag:s29] =	ssyncset.done $0x0  }
0x11: {  	[sflag:s29] =	ssyncadd.s32 $0xFFFFC000  }
0x12: {  	_ =	swait.ge [sflag:s30], $0x4000  }
0x13: {  	[sflag:s30] =	ssyncset.done $0x0  }
0x14: {  	s1 =	sadd.s32 $0x1, s1;
	[sflag:s30] =	ssyncadd.s32 $0xFFFFC000  }
0x15: {  	p0 =	sne.s32 s1, s7;
	_ =	swait.ge [sflag:s31], $0x4000  }
.Ltmp1:
0x16: {  	[sflag:s31] =	ssyncset.done $0x0;
	(pc) =	sbr.rel @!p0 .LBB2_6-.Ltmp1, $4  }
0x17: {  	[sflag:s31] =	ssyncadd.s32 $0xFFFFC000  }
0x18: {  	_ =	swait.ge [sflag:s0], $0x4000  }
0x19: {  	[sflag:s0] =	ssyncset.done $0x0  }
0x1a: {  	[sflag:s0] =	ssyncadd.s32 $0xFFFFC000  }
.LBB2_1:
0x1b: {  	[tilespmem:s2], [sflag:$0x9] =	stream.linear.gather [hbm4b:s5+s2], $0x8C0, $0x38;
	[tilespmem:$0x11200] =	vst v63  }
0x1c: {  	_ =	swait.ge [sflag:s10], $0x8C0  }
0x1d: {  	[sflag:s10] =	ssyncset.done $0x0  }
0x1e: {  	s8 =	simm.s32 $0x900;
	[sflag:s10] =	ssyncadd.s32 $0xFFFFF740  }
0x1f: {  	[tilespmem:s8], [sflag:$0x9] =	stream.linear.gather [hbm4b:s6+s2], $0x8C0, $0x38;
	[tilespmem:$0x11200] =	vst v63  }
0x20: {  	_ =	swait.ge [sflag:s10], $0x8C0  }
0x21: {  	[sflag:s10] =	ssyncset.done $0x0  }
0x22: {  	[sflag:s10] =	ssyncadd.s32 $0xFFFFF740  }
0x23: {  	v3 =	vld [tilespmem:$0x0];
	_ =	sdelay $0x4  }
0x24: {  	v4 =	vshll.u32 v3, $0x1  }
0x25: {  	v3 =	vand.u32 $0x7, v3;
	v4 =	vand.u32 $0xFFFFFFF0, v4  }
0x26: {  	v3 =	vor.u32 v3, v4  }
0x27: {  	v4 =	vperm.xlane v3, v0;
	_ =	sdelay $0x1  }
0x28: {  	v3 =	vperm.xlane v3, v2;
	v4 =	vadd.s32 v1, v4;
	_ =	sdelay $0x1  }
0x29: {  	v3 =	vadd.s32 v1, v3;
	_ =	sdelay $0x1  }
0x2a: {  	s9 =	simm.s32 $0x1200  }
0x2b: {  	[tilespmem:s9], [sflag:$0x1] =	stream.indirect_vreg.gather [hbm4b:s3+s2], $0x80, v4, vm0, $0xb8;
	[tilespmem:$0x11200] =	vst v63  }
0x2c: {  	s11 =	simm.s32 $0x1A00  }
0x2d: {  	[tilespmem:s11], [sflag:$0x1] =	stream.indirect_vreg.gather [hbm4b:s3+s2], $0x80, v3, vm0, $0xb8;
	[tilespmem:$0x11200] =	vst v63  }
0x2e: {  	v3 =	vld [tilespmem:$0x10];
	_ =	sdelay $0x4  }
0x2f: {  	v57 =	vshll.u32 v3, $0x1  }
0x30: {  	v3 =	vand.u32 $0x7, v3;
	v4 =	vand.u32 $0xFFFFFFF0, v57  }
0x31: {  	v3 =	vor.u32 v3, v4  }
0x32: {  	v4 =	vperm.xlane v3, v0;
	_ =	sdelay $0x1  }
0x33: {  	v3 =	vperm.xlane v3, v2;
	v4 =	vadd.s32 v1, v4;
	_ =	sdelay $0x1  }
0x34: {  	v3 =	vadd.s32 v1, v3;
	_ =	sdelay $0x1  }
0x35: {  	s12 =	simm.s32 $0x2200  }
0x36: {  	[tilespmem:s12], [sflag:$0x1] =	stream.indirect_vreg.gather [hbm4b:s3+s2], $0x80, v4, vm0, $0xb8;
	[tilespmem:$0x11200] =	vst v63  }
0x37: {  	s15 =	simm.s32 $0x2A00  }
0x38: {  	[tilespmem:s15], [sflag:$0x1] =	stream.indirect_vreg.gather [hbm4b:s3+s2], $0x80, v3, vm0, $0xb8;
	[tilespmem:$0x11200] =	vst v63  }
0x39: {  	v3 =	vld [tilespmem:$0x20];
	_ =	sdelay $0x4  }
0x3a: {  	v58 =	vshll.u32 v3, $0x1  }
0x3b: {  	v3 =	vand.u32 $0x7, v3;
	v4 =	vand.u32 $0xFFFFFFF0, v58  }
0x3c: {  	v3 =	vor.u32 v3, v4  }
0x3d: {  	v4 =	vperm.xlane v3, v0;
	_ =	sdelay $0x1  }
0x3e: {  	v3 =	vperm.xlane v3, v2;
	v4 =	vadd.s32 v1, v4;
	_ =	sdelay $0x1  }
0x3f: {  	v3 =	vadd.s32 v1, v3;
	_ =	sdelay $0x1  }
0x40: {  	s16 =	simm.s32 $0x3200  }
0x41: {  	[tilespmem:s16], [sflag:$0x1] =	stream.indirect_vreg.gather [hbm4b:s3+s2], $0x80, v4, vm0, $0xb8;
	[tilespmem:$0x11200] =	vst v63  }
0x42: {  	s17 =	simm.s32 $0x3A00  }
0x43: {  	[tilespmem:s17], [sflag:$0x1] =	stream.indirect_vreg.gather [hbm4b:s3+s2], $0x80, v3, vm0, $0xb8;
	[tilespmem:$0x11200] =	vst v63  }
0x44: {  	v3 =	vld [tilespmem:$0x30];
	_ =	sdelay $0x4  }
0x45: {  	v59 =	vshll.u32 v3, $0x1  }
0x46: {  	v3 =	vand.u32 $0x7, v3;
	v4 =	vand.u32 $0xFFFFFFF0, v59  }
0x47: {  	v3 =	vor.u32 v3, v4  }
0x48: {  	v4 =	vperm.xlane v3, v0;
	_ =	sdelay $0x1  }
0x49: {  	v3 =	vperm.xlane v3, v2;
	v4 =	vadd.s32 v1, v4;
	_ =	sdelay $0x1  }
0x4a: {  	v3 =	vadd.s32 v1, v3;
	_ =	sdelay $0x1  }
0x4b: {  	s18 =	simm.s32 $0x4200  }
0x4c: {  	[tilespmem:s18], [sflag:$0x1] =	stream.indirect_vreg.gather [hbm4b:s3+s2], $0x80, v4, vm0, $0xb8;
	[tilespmem:$0x11200] =	vst v63  }
0x4d: {  	s19 =	simm.s32 $0x4A00  }
0x4e: {  	[tilespmem:s19], [sflag:$0x1] =	stream.indirect_vreg.gather [hbm4b:s3+s2], $0x80, v3, vm0, $0xb8;
	[tilespmem:$0x11200] =	vst v63  }
0x4f: {  	v3 =	vld [tilespmem:$0x900];
	_ =	sdelay $0x4  }
0x50: {  	v60 =	vshll.u32 v3, $0x1  }
0x51: {  	v3 =	vand.u32 $0x7, v3;
	v4 =	vand.u32 $0xFFFFFFF0, v60  }
0x52: {  	v3 =	vor.u32 v3, v4  }
0x53: {  	v4 =	vperm.xlane v3, v0;
	_ =	sdelay $0x1  }
0x54: {  	v3 =	vperm.xlane v3, v2;
	v4 =	vadd.s32 v1, v4;
	_ =	sdelay $0x1  }
0x55: {  	v3 =	vadd.s32 v1, v3;
	_ =	sdelay $0x1  }
0x56: {  	s20 =	simm.s32 $0x9200  }
0x57: {  	[tilespmem:s20], [sflag:$0x3] =	stream.indirect_vreg.gather [hbm4b:s4+s2], $0x80, v4, vm0, $0xb8;
	[tilespmem:$0x11200] =	vst v63  }
0x58: {  	_ = 	snop  }
0x59: {  	[tilespmem:s21], [sflag:$0x3] =	stream.indirect_vreg.gather [hbm4b:s4+s2], $0x80, v3, vm0, $0xb8;
	[tilespmem:$0x11200] =	vst v63  }
0x5a: {  	v3 =	vld [tilespmem:$0x910];
	_ =	sdelay $0x4  }
0x5b: {  	v61 =	vshll.u32 v3, $0x1  }
0x5c: {  	v3 =	vand.u32 $0x7, v3;
	v4 =	vand.u32 $0xFFFFFFF0, v61  }
0x5d: {  	v3 =	vor.u32 v3, v4  }
0x5e: {  	v4 =	vperm.xlane v3, v0;
	_ =	sdelay $0x1  }
0x5f: {  	v3 =	vperm.xlane v3, v2;
	v4 =	vadd.s32 v1, v4;
	_ =	sdelay $0x1  }
0x60: {  	v3 =	vadd.s32 v1, v3;
	_ =	sdelay $0x2  }
0x61: {  	[tilespmem:s22], [sflag:$0x3] =	stream.indirect_vreg.gather [hbm4b:s4+s2], $0x80, v4, vm0, $0xb8;
	[tilespmem:$0x11200] =	vst v63  }
0x62: {  	_ = 	snop  }
0x63: {  	[tilespmem:s23], [sflag:$0x3] =	stream.indirect_vreg.gather [hbm4b:s4+s2], $0x80, v3, vm0, $0xb8;
	[tilespmem:$0x11200] =	vst v63  }
0x64: {  	v3 =	vld [tilespmem:$0x920];
	_ =	sdelay $0x4  }
0x65: {  	v62 =	vshll.u32 v3, $0x1  }
0x66: {  	v3 =	vand.u32 $0x7, v3;
	v4 =	vand.u32 $0xFFFFFFF0, v62  }
0x67: {  	v3 =	vor.u32 v3, v4  }
0x68: {  	v4 =	vperm.xlane v3, v0;
	_ =	sdelay $0x1  }
0x69: {  	v3 =	vperm.xlane v3, v2;
	v4 =	vadd.s32 v1, v4;
	_ =	sdelay $0x1  }
0x6a: {  	v3 =	vadd.s32 v1, v3;
	_ =	sdelay $0x2  }
0x6b: {  	[tilespmem:s24], [sflag:$0x3] =	stream.indirect_vreg.gather [hbm4b:s4+s2], $0x80, v4, vm0, $0xb8;
	[tilespmem:$0x11200] =	vst v63  }
0x6c: {  	_ = 	snop  }
0x6d: {  	[tilespmem:s25], [sflag:$0x3] =	stream.indirect_vreg.gather [hbm4b:s4+s2], $0x80, v3, vm0, $0xb8;
	[tilespmem:$0x11200] =	vst v63  }
0x6e: {  	v3 =	vld [tilespmem:$0x930];
	_ =	sdelay $0x4  }
0x6f: {  	v63 =	vshll.u32 v3, $0x1  }
0x70: {  	v3 =	vand.u32 $0x7, v3;
	v4 =	vand.u32 $0xFFFFFFF0, v63  }
0x71: {  	v3 =	vor.u32 v3, v4  }
0x72: {  	v4 =	vperm.xlane v3, v0;
	_ =	sdelay $0x1  }
0x73: {  	v3 =	vperm.xlane v3, v2;
	v4 =	vadd.s32 v1, v4;
	_ =	sdelay $0x1  }
0x74: {  	v3 =	vadd.s32 v1, v3  }
.Ltmp2:
0x75: {  	_ = 	snop;
	(pc) =	sbr.rel .LBB2_2-.Ltmp2, $4  }
0x76: {  	s8 =	smov.u32 s14;
	s9 =	smov.u32 s13  }
0x77: {  	[tilespmem:s26], [sflag:$0x3] =	stream.indirect_vreg.gather [hbm4b:s4+s2], $0x80, v4, vm0, $0xb8;
	[tilespmem:$0x11200] =	vst v63  }
0x78: {  	s11 =	simm.s32 $0x970;
	s12 =	simm.s32 $0x70;
	s15 =	simm.s32 $0x0  }
0x79: {  	[tilespmem:s28], [sflag:$0x3] =	stream.indirect_vreg.gather [hbm4b:s4+s2], $0x80, v3, vm0, $0xb8;
	[tilespmem:$0x11200] =	vst v63  }
.LBB2_4:
0x7a: {  	s15 =	sand.u32 $0x1, s15  }
0x7b: {  	s17 =	sadd.s32 $0x1, s15  }
0x7c: {  	_ =	swait.ge [sflag:s17], $0x4000  }
0x7d: {  	[sflag:s17] =	ssyncset.done $0x0  }
0x7e: {  	s19 =	sadd.s32 $0x3, s15;
	[sflag:s17] =	ssyncadd.s32 $0xFFFFC000  }
0x7f: {  	p0 =	sne.s32 s16, $0x23;
	s11 =	sadd.s32 $0x40, s11;
	_ =	swait.ge [sflag:s19], $0x4000  }
0x80: {  	s18 =	sshll.u32 s15, $0xE;
	s20 =	sadd.s32 $0x5, s15;
	[sflag:s19] =	ssyncset.done $0x0  }
.Ltmp3:
0x81: {  	[sflag:s19] =	ssyncadd.s32 $0xFFFFC000;
	s19 =	sor.u32 $0x1200, s18;
	(pc) =	sbr.rel @!p0 .LBB2_5-.Ltmp3, $4  }
0x82: {  	[hbm4b:s9+s2] =	stream.linear.scatter [tilespmem:s19], [sflag:s20], $0x4000, $0x38;
	[tilespmem:$0x11200] =	vst v63  }
0x83: {  	s12 =	sadd.s32 $0x40, s12;
	s15 =	sadd.s32 $0x7, s15;
	s20 =	sor.u32 $0x9200, s18  }
0x84: {  	[hbm4b:s8+s2] =	stream.linear.scatter [tilespmem:s20], [sflag:s15], $0x4000, $0x38;
	[tilespmem:$0x11200] =	vst v63  }
0x85: {  	s9 =	sadd.s32 $0x800, s9;
	s8 =	sadd.s32 $0x800, s8;
	s15 =	smov.u32 s16  }
.LBB2_2:
0x86: {  	p0 =	seq.s32 s15, $0x22  }
.Ltmp4:
0x87: {  	_ = 	snop;
	(pc) =	sbr.rel @p0 .LBB2_4-.Ltmp4, $2  }
0x88: {  	_ =	sdelay $0x2  }
0x89: {  	s16 =	sadd.s32 $0x1, s15  }
0x8a: {  	s18 =	sand.u32 $0x1, s16;
	p0 =	seq.s32 s15, $0x0  }
0x8b: {  	s17 =	sadd.s32 @!p0 $0x5, s18  }
0x8c: {  	_ =	swait.ge @!p0 [sflag:s17], $0x4000  }
0x8d: {  	[sflag:s17] =	ssyncset.done @!p0 $0x0  }
0x8e: {  	[sflag:s17] =	ssyncadd.s32 @!p0 $0xFFFFC000;
	s17 =	sadd.s32 @!p0 $0x7, s18  }
0x8f: {  	_ =	swait.ge @!p0 [sflag:s17], $0x4000  }
0x90: {  	[sflag:s17] =	ssyncset.done @!p0 $0x0  }
0x91: {  	[sflag:s17] =	ssyncadd.s32 @!p0 $0xFFFFC000  }
0x92: {  	v3 =	vld [tilespmem:s12+$0xFFFFFFD0];
	_ =	sdelay $0x4  }
0x93: {  	v4 =	vshll.u32 v3, $0x1  }
0x94: {  	v3 =	vand.u32 $0x7, v3;
	v4 =	vand.u32 $0xFFFFFFF0, v4  }
0x95: {  	v3 =	vor.u32 v3, v4  }
0x96: {  	v4 =	vperm.xlane v3, v0;
	_ =	sdelay $0x1  }
0x97: {  	v3 =	vperm.xlane v3, v2;
	v4 =	vadd.s32 v1, v4;
	_ =	sdelay $0x1  }
0x98: {  	v3 =	vadd.s32 v1, v3  }
0x99: {  	s17 =	sshll.u32 s18, $0xE  }
0x9a: {  	s20 =	sadd.s32 $0x1, s18;
	s19 =	sor.u32 $0x1200, s17  }
0x9b: {  	[tilespmem:s19], [sflag:s20] =	stream.indirect_vreg.gather [hbm4b:s3+s2], $0x80, v4, vm0, $0xb8;
	[tilespmem:$0x11200] =	vst v63  }
0x9c: {  	s19 =	sor.u32 $0x1A00, s17  }
0x9d: {  	[tilespmem:s19], [sflag:s20] =	stream.indirect_vreg.gather [hbm4b:s3+s2], $0x80, v3, vm0, $0xb8;
	[tilespmem:$0x11200] =	vst v63  }
0x9e: {  	v3 =	vld [tilespmem:s12+$0xFFFFFFE0];
	_ =	sdelay $0x4  }
0x9f: {  	v57 =	vshll.u32 v3, $0x1  }
0xa0: {  	v3 =	vand.u32 $0x7, v3;
	v4 =	vand.u32 $0xFFFFFFF0, v57  }
0xa1: {  	v3 =	vor.u32 v3, v4  }
0xa2: {  	v4 =	vperm.xlane v3, v0;
	_ =	sdelay $0x1  }
0xa3: {  	v3 =	vperm.xlane v3, v2;
	v4 =	vadd.s32 v1, v4;
	_ =	sdelay $0x1  }
0xa4: {  	v3 =	vadd.s32 v1, v3;
	_ =	sdelay $0x1  }
0xa5: {  	s19 =	sor.u32 $0x2200, s17  }
0xa6: {  	[tilespmem:s19], [sflag:s20] =	stream.indirect_vreg.gather [hbm4b:s3+s2], $0x80, v4, vm0, $0xb8;
	[tilespmem:$0x11200] =	vst v63  }
0xa7: {  	s19 =	sor.u32 $0x2A00, s17  }
0xa8: {  	[tilespmem:s19], [sflag:s20] =	stream.indirect_vreg.gather [hbm4b:s3+s2], $0x80, v3, vm0, $0xb8;
	[tilespmem:$0x11200] =	vst v63  }
0xa9: {  	v3 =	vld [tilespmem:s12+$0xFFFFFFF0];
	_ =	sdelay $0x4  }
0xaa: {  	v58 =	vshll.u32 v3, $0x1  }
0xab: {  	v3 =	vand.u32 $0x7, v3;
	v4 =	vand.u32 $0xFFFFFFF0, v58  }
0xac: {  	v3 =	vor.u32 v3, v4  }
0xad: {  	v4 =	vperm.xlane v3, v0;
	_ =	sdelay $0x1  }
0xae: {  	v3 =	vperm.xlane v3, v2;
	v4 =	vadd.s32 v1, v4;
	_ =	sdelay $0x1  }
0xaf: {  	v3 =	vadd.s32 v1, v3;
	_ =	sdelay $0x1  }
0xb0: {  	s19 =	sor.u32 $0x3200, s17  }
0xb1: {  	[tilespmem:s19], [sflag:s20] =	stream.indirect_vreg.gather [hbm4b:s3+s2], $0x80, v4, vm0, $0xb8;
	[tilespmem:$0x11200] =	vst v63  }
0xb2: {  	s19 =	sor.u32 $0x3A00, s17  }
0xb3: {  	[tilespmem:s19], [sflag:s20] =	stream.indirect_vreg.gather [hbm4b:s3+s2], $0x80, v3, vm0, $0xb8;
	[tilespmem:$0x11200] =	vst v63  }
0xb4: {  	v3 =	vld [tilespmem:s12+$0x0];
	_ =	sdelay $0x4  }
0xb5: {  	v59 =	vshll.u32 v3, $0x1  }
0xb6: {  	v3 =	vand.u32 $0x7, v3;
	v4 =	vand.u32 $0xFFFFFFF0, v59  }
0xb7: {  	v3 =	vor.u32 v3, v4  }
0xb8: {  	v4 =	vperm.xlane v3, v0;
	_ =	sdelay $0x1  }
0xb9: {  	v3 =	vperm.xlane v3, v2;
	v4 =	vadd.s32 v1, v4;
	_ =	sdelay $0x1  }
0xba: {  	v3 =	vadd.s32 v1, v3;
	_ =	sdelay $0x1  }
0xbb: {  	s19 =	sadd.s32 $0x4200, s17  }
0xbc: {  	[tilespmem:s19], [sflag:s20] =	stream.indirect_vreg.gather [hbm4b:s3+s2], $0x80, v4, vm0, $0xb8;
	[tilespmem:$0x11200] =	vst v63  }
0xbd: {  	s19 =	sadd.s32 $0x4A00, s17  }
0xbe: {  	[tilespmem:s19], [sflag:s20] =	stream.indirect_vreg.gather [hbm4b:s3+s2], $0x80, v3, vm0, $0xb8;
	[tilespmem:$0x11200] =	vst v63  }
0xbf: {  	v3 =	vld [tilespmem:s11+$0xFFFFFFD0];
	_ =	sdelay $0x4  }
0xc0: {  	v60 =	vshll.u32 v3, $0x1  }
0xc1: {  	v3 =	vand.u32 $0x7, v3;
	v4 =	vand.u32 $0xFFFFFFF0, v60  }
0xc2: {  	v3 =	vor.u32 v3, v4  }
0xc3: {  	v4 =	vperm.xlane v3, v0;
	_ =	sdelay $0x1  }
0xc4: {  	v3 =	vperm.xlane v3, v2;
	v4 =	vadd.s32 v1, v4;
	_ =	sdelay $0x1  }
0xc5: {  	v3 =	vadd.s32 v1, v3;
	_ =	sdelay $0x1  }
0xc6: {  	s18 =	sadd.s32 $0x3, s18;
	s20 =	sor.u32 $0x9200, s17  }
0xc7: {  	[tilespmem:s20], [sflag:s18] =	stream.indirect_vreg.gather [hbm4b:s4+s2], $0x80, v4, vm0, $0xb8;
	[tilespmem:$0x11200] =	vst v63  }
0xc8: {  	s20 =	sor.u32 $0x9A00, s17  }
0xc9: {  	[tilespmem:s20], [sflag:s18] =	stream.indirect_vreg.gather [hbm4b:s4+s2], $0x80, v3, vm0, $0xb8;
	[tilespmem:$0x11200] =	vst v63  }
0xca: {  	v3 =	vld [tilespmem:s11+$0xFFFFFFE0];
	_ =	sdelay $0x4  }
0xcb: {  	v61 =	vshll.u32 v3, $0x1  }
0xcc: {  	v3 =	vand.u32 $0x7, v3;
	v4 =	vand.u32 $0xFFFFFFF0, v61  }
0xcd: {  	v3 =	vor.u32 v3, v4  }
0xce: {  	v4 =	vperm.xlane v3, v0;
	_ =	sdelay $0x1  }
0xcf: {  	v3 =	vperm.xlane v3, v2;
	v4 =	vadd.s32 v1, v4;
	_ =	sdelay $0x1  }
0xd0: {  	v3 =	vadd.s32 v1, v3;
	_ =	sdelay $0x1  }
0xd1: {  	s20 =	sor.u32 $0xA200, s17  }
0xd2: {  	[tilespmem:s20], [sflag:s18] =	stream.indirect_vreg.gather [hbm4b:s4+s2], $0x80, v4, vm0, $0xb8;
	[tilespmem:$0x11200] =	vst v63  }
0xd3: {  	s20 =	sor.u32 $0xAA00, s17  }
0xd4: {  	[tilespmem:s20], [sflag:s18] =	stream.indirect_vreg.gather [hbm4b:s4+s2], $0x80, v3, vm0, $0xb8;
	[tilespmem:$0x11200] =	vst v63  }
0xd5: {  	v3 =	vld [tilespmem:s11+$0xFFFFFFF0];
	_ =	sdelay $0x4  }
0xd6: {  	v62 =	vshll.u32 v3, $0x1  }
0xd7: {  	v3 =	vand.u32 $0x7, v3;
	v4 =	vand.u32 $0xFFFFFFF0, v62  }
0xd8: {  	v3 =	vor.u32 v3, v4  }
0xd9: {  	v4 =	vperm.xlane v3, v0;
	_ =	sdelay $0x1  }
0xda: {  	v3 =	vperm.xlane v3, v2;
	v4 =	vadd.s32 v1, v4;
	_ =	sdelay $0x1  }
0xdb: {  	v3 =	vadd.s32 v1, v3;
	_ =	sdelay $0x1  }
0xdc: {  	s20 =	sor.u32 $0xB200, s17  }
0xdd: {  	[tilespmem:s20], [sflag:s18] =	stream.indirect_vreg.gather [hbm4b:s4+s2], $0x80, v4, vm0, $0xb8;
	[tilespmem:$0x11200] =	vst v63  }
0xde: {  	s20 =	sor.u32 $0xBA00, s17  }
0xdf: {  	[tilespmem:s20], [sflag:s18] =	stream.indirect_vreg.gather [hbm4b:s4+s2], $0x80, v3, vm0, $0xb8;
	[tilespmem:$0x11200] =	vst v63  }
0xe0: {  	v3 =	vld [tilespmem:s11+$0x0];
	_ =	sdelay $0x4  }
0xe1: {  	v63 =	vshll.u32 v3, $0x1  }
0xe2: {  	v3 =	vand.u32 $0x7, v3;
	v4 =	vand.u32 $0xFFFFFFF0, v63  }
0xe3: {  	v3 =	vor.u32 v3, v4  }
0xe4: {  	v4 =	vperm.xlane v3, v0;
	_ =	sdelay $0x1  }
0xe5: {  	v3 =	vperm.xlane v3, v2;
	v4 =	vadd.s32 v1, v4;
	_ =	sdelay $0x1  }
0xe6: {  	v3 =	vadd.s32 v1, v3  }
.Ltmp5:
0xe7: {  	_ = 	snop;
	(pc) =	sbr.rel .LBB2_4-.Ltmp5, $4  }
0xe8: {  	s20 =	sadd.s32 $0xC200, s17  }
0xe9: {  	[tilespmem:s20], [sflag:s18] =	stream.indirect_vreg.gather [hbm4b:s4+s2], $0x80, v4, vm0, $0xb8;
	[tilespmem:$0x11200] =	vst v63  }
0xea: {  	s17 =	sadd.s32 $0xCA00, s17  }
0xeb: {  	[tilespmem:s17], [sflag:s18] =	stream.indirect_vreg.gather [hbm4b:s4+s2], $0x80, v3, vm0, $0xb8;
	[tilespmem:$0x11200] =	vst v63  }
.LBB2_6:
0xec: {  	_ =	sfence.sel $0x180000  }
0xed: {  	[bflag:$0x0] =	sbarrier.arrive $0xFFFF  }
0xee: {  	_ =	strace $0x9000004A  }
0xef: {  	s0 =	stileid.u32;
	[bflag:$0x2] =	sbarrier.arrive $0xFFFF  }
0xf0: {  	p0 =	sne.s32 s0, $0x0;
	s0 =	rddreg [dreg:$0x1]  }
0xf1: {  	s0 =	sadd.s32 @!p0 $0x100000, s0  }
0xf2: {  	[sflag:s0] =	ssyncadd.tile.s32 @!p0 $0x1;
	_ =	shalt  }
.Lfunc_end2:
_tile_overlayer_lowered:
.L_overlay_start_2:
0xf3: {  	(tag) =	ssettag $0x2  }
0xf4: {  	s0 =	rddreg [dreg:$0x0];
	s2 =	stileid.u32  }
0xf5: {  	s1 =	rddreg [dreg:$0x1];
	p0 =	sne.s32 s2, $0x0  }
0xf6: {  	s3 =	rddreg [dreg:$0x2];
	[bflag:$0x3] =	sbarrier.arrive $0xFFFF;
	s2 =	simm.s32 @!p0 $0x1C09  }
0xf7: {  	[timem:s3], [sflag:s2] =	dma.local @!p0 [hbm:s0], s1  }
0xf8: {  	s0 =	simm.s32 @!p0 $0x9  }
0xf9: {  	_ =	swait.ge @!p0 [sflag:s0], s1  }
0xfa: {  	s1 =	ssub.s32 @!p0 $0x0, s1;
	[sflag:s0] =	ssyncset.done @!p0 $0x0  }
0xfb: {  	[sflag:s0] =	ssyncadd.s32 @!p0 s1  }
0xfc: {  	[bflag:$0x3] =	sbarrier.arrive $0xFFFF  }
0xfd: {  	_ =	shalt  }

</sc_bundles>
